<compile_context>
chip_gen: v7x
topology: tpu7x:2x2x1
jax: 0.10.2.dev20260603
libtpu: 0.0.44.dev20260713+nightly
codegen_flags: <defaults>
</compile_context>

<pallas_src>
import functools

import jax
import jax.numpy as jnp
from jax import lax
from jax.experimental import pallas as pl
from jax.experimental.pallas import tpu as pltpu
from jax.experimental.pallas import tpu_sc as plsc
import numpy as np

B, V, S, F, K = 4, 1024, 16, 128, 16
MAXD = float(np.finfo(np.float32).max)
R = 512


def _topk_body(act_ref, rows_ref, cols_ref, vals_ref, idx_ref):
    b = pl.program_id(0)
    rblk = pl.program_id(1)
    act = act_ref[0, 0, 0]
    cr = rows_ref[0]
    cc = cols_ref[0]

    def _tree8(h):
        return ((h[0] + h[4]) + (h[2] + h[6])) + ((h[1] + h[5]) + (h[3] + h[7]))

    NT = V // 128
    lane = lax.broadcasted_iota(jnp.int32, (R, 128), 1)
    row = rblk * R + lax.broadcasted_iota(jnp.int32, (R, 128), 0)
    inf = jnp.float32(jnp.inf)
    row_ok = row < act

    dist_t = []
    for t in range(NT):
        a = [
            jnp.abs(cr[:, s : s + 1] - cc[s : s + 1, t * 128 : (t + 1) * 128])
            for s in range(S)
        ]
        d = _tree8(a[0:8]) + _tree8(a[8:16])
        colj = t * 128 + lane
        d = jnp.where(row_ok & (colj < act), d, MAXD)
        d = jnp.where(row == colj, inf, d)
        dist_t.append(d)

    rowv = rblk * R + lax.broadcasted_iota(jnp.int32, (R, 1), 0)
    inact = rowv >= act
    lane_f = lax.broadcasted_iota(jnp.int32, (R, 128), 1).astype(jnp.float32)
    VF = jnp.float32(V)
    vals_cols = []
    idx_cols = []
    mi = None
    for _p in range(K - 1):
        mvals = []
        for t in range(NT):
            d = dist_t[t]
            if mi is not None:
                d = jnp.where(t * 128.0 + lane_f == mi, inf, d)
                dist_t[t] = d
            mvals.append(d)
        mts = [jnp.float32(t) for t in range(NT)]
        while len(mvals) > 1:
            nxt_v, nxt_t = [], []
            for i in range(0, len(mvals), 2):
                va, vb = mvals[i], mvals[i + 1]
                lt = vb < va
                nxt_v.append(jnp.minimum(va, vb))
                nxt_t.append(jnp.where(lt, mts[i + 1], mts[i]))
            mvals, mts = nxt_v, nxt_t
        mkey, mt = mvals[0], mts[0]
        mv = jnp.min(mkey, axis=1, keepdims=True)
        mi = jnp.min(
            jnp.where(mkey == mv, mt * 128.0 + lane_f, VF), axis=1, keepdims=True
        )
        vals_cols.append(jnp.where(inact, MAXD, mv))
        idx_cols.append(jnp.where(inact, _p + 1, mi.astype(jnp.int32)))
    vals_ref[0] = jnp.concatenate(
        [jnp.reshape(v, (1, R)) for v in vals_cols], axis=0
    )
    idx_ref[0] = jnp.concatenate(
        [jnp.reshape(i, (1, R)) for i in idx_cols], axis=0
    )


def _topk_call(coords, coords_t, active):
    nb = coords.shape[0]
    return pl.pallas_call(
        _topk_body,
        grid=(nb, V // R),
        in_specs=[
            pl.BlockSpec((1, 1, 1), lambda b, r: (b, 0, 0), memory_space=pltpu.SMEM),
            pl.BlockSpec((1, R, S), lambda b, r: (b, r, 0)),
            pl.BlockSpec((1, S, V), lambda b, r: (b, 0, 0)),
        ],
        out_specs=[
            pl.BlockSpec((1, K - 1, R), lambda b, r: (b, 0, r)),
            pl.BlockSpec((1, K - 1, R), lambda b, r: (b, 0, r)),
        ],
        out_shape=[
            jax.ShapeDtypeStruct((nb, K - 1, V), jnp.float32),
            jax.ShapeDtypeStruct((nb, K - 1, V), jnp.int32),
        ],
        compiler_params=pltpu.CompilerParams(
            dimension_semantics=("parallel", "parallel"),
        ),
    )(active.reshape(nb, 1, 1), coords, coords_t)


NIDX = B * V * (K - 1)
NC, NS = 2, 16
NW = NC * NS
BPW = NIDX // NW
GCH = 480
GNCH = BPW // GCH


def _gather_call(table, idx_flat):
    mesh = plsc.VectorSubcoreMesh(core_axis_name="c", subcore_axis_name="s")

    @functools.partial(
        pl.kernel,
        mesh=mesh,
        out_type=jax.ShapeDtypeStruct((NIDX, F), jnp.float32),
        scratch_types=[
            pltpu.VMEM((BPW,), jnp.int32),
            pltpu.VMEM((GCH, F), jnp.float32),
            pltpu.VMEM((GCH, F), jnp.float32),
            pltpu.SemaphoreType.DMA,
            pltpu.SemaphoreType.DMA,
        ],
    )
    def gk(table_hbm, idx_hbm, out_hbm, idx_v, buf0, buf1, sem0, sem1):
        wid = lax.axis_index("s") * NC + lax.axis_index("c")
        base = wid * BPW
        pltpu.sync_copy(idx_hbm.at[pl.ds(base, BPW)], idx_v)
        bufs = (buf0, buf1)
        sems = (sem0, sem1)
        copies = [None, None]
        for c in range(GNCH + 1):
            if c < GNCH:
                copies[c % 2] = pltpu.async_copy(
                    table_hbm.at[idx_v.at[pl.ds(c * GCH, GCH)]],
                    bufs[c % 2],
                    sems[c % 2],
                )
            if c > 0:
                copies[(c - 1) % 2].wait()
                pltpu.sync_copy(
                    bufs[(c - 1) % 2], out_hbm.at[pl.ds(base + (c - 1) * GCH, GCH)]
                )

    return gk(table, idx_flat)


def kernel(coordinates, features, active_vertices):
    coords_t = jnp.transpose(coordinates, (0, 2, 1))
    ndT, idxT = _topk_call(coordinates, coords_t, active_vertices)
    idx_flat = (idxT + (jnp.arange(B, dtype=jnp.int32) * V)[:, None, None]).reshape(
        NIDX
    )
    nf_lin = _gather_call(features.reshape(B * V, F), idx_flat)
    neighbour_features = jnp.transpose(
        nf_lin.reshape(B, K - 1, V, F), (0, 2, 1, 3)
    )
    neighbour_distances = jnp.transpose(ndT, (0, 2, 1))
    return (neighbour_distances, neighbour_features)

# --- scband reference (transcript-rebuilt; emitter-appended) ---
"""Pipeline reference for scband-qnearest-neighbour-manhattan-11819749998732 (READ-ONLY COPY).

The authoritative reference and input builder live on the scoring server;
editing this copy changes nothing except your own understanding.
"""

import jax, jax.numpy as jnp
import numpy as np

B, V, S, F, K = 4, 1024, 16, 128, 16
MAX_DIST = float(np.finfo(np.float32).max)


def setup_inputs(seed: int = 0) -> dict:
    key = jax.random.key(seed)
    k1, k2, k3 = jax.random.split(key, 3)
    coordinates = jax.random.normal(k1, (B, V, S), dtype=jnp.float32)
    features = jax.random.normal(k2, (B, V, F), dtype=jnp.float32)
    active_vertices = jax.random.randint(k3, (B, 1), V // 2, V + 1).astype(jnp.int32)
    return {"coordinates": coordinates, "features": features, "active_vertices": active_vertices}


def reference(coordinates, features, active_vertices):
    b, v, s = coordinates.shape
    # Precomputed raw mask from build(): raw_mask[i, j] = max(i, j)
    rows = jnp.tile(jnp.arange(v)[None, :], (v, 1))
    cols = jnp.tile(jnp.arange(v)[:, None], (1, v))
    raw_mask = jnp.maximum(rows, cols)
    # Pairwise Manhattan distances: [B, V, V]
    dist = jnp.sum(jnp.abs(coordinates[:, :, None, :] - coordinates[:, None, :, :]), axis=-1)
    # Mask out padded (inactive) vertices per event
    mask = raw_mask[None, :, :] < active_vertices[:, :, None]
    dist = jnp.where(mask, dist, jnp.full_like(dist, MAX_DIST))
    # k nearest neighbours via top_k on negated distances
    neg_d, idx = jax.lax.top_k(-dist, K)
    nb_idx = idx[:, :, 1:]  # drop self (distance 0)
    neighbour_distances = -neg_d[:, :, 1:]
    # gather_nd with batch_dims=1: features[b, nb_idx[b, v, j], :]
    neighbour_features = features[jnp.arange(b)[:, None, None], nb_idx]
    # distance_quantizer is None -> identity
    return (neighbour_distances, neighbour_features)

if __name__ == "__main__":
    import jax
    _d = setup_inputs()
    print(jax.jit(kernel)(*tuple(_d.values())))

</pallas_src>

<mosaic_0001>
#map = affine_map<(d0, d1) -> (0, 0)>
#map1 = affine_map<(d0, d1) -> (0)>
module attributes {stable_mosaic.version = 14 : i64} {
  func.func @gk(%arg0: i32, %arg1: i32, %arg2: memref<4096x128xf32, #tpu.memory_space<hbm>>, %arg3: memref<61440xi32, #tpu.memory_space<hbm>>, %arg4: memref<61440x128xf32, #tpu.memory_space<hbm>>, %arg5: memref<1920xi32, #tpu.memory_space<vmem>>, %arg6: memref<480x128xf32, #tpu.memory_space<vmem>>, %arg7: memref<480x128xf32, #tpu.memory_space<vmem>>, %arg8: memref<!tpu.dma_semaphore, #tpu.memory_space<semaphore_mem>>, %arg9: memref<!tpu.dma_semaphore, #tpu.memory_space<semaphore_mem>>) attributes {dimension_semantics = [#tpu.dimension_semantics<core_parallel>, #tpu.dimension_semantics<subcore_parallel>], iteration_bounds = array<i64: 2, 16>, scalar_prefetch = 0 : i64, scratch_operands = 5 : i64, tpu.core_type = #tpu.core_type<sc_vector_subcore>, window_params = [{transform_indices = #map}, {transform_indices = #map1}, {transform_indices = #map}]} {
    %mul3A = arith.constant 2 : i32
    %mul3A_0 = arith.muli %arg1, %mul3A : i32
    %add3A = arith.addi %mul3A_0, %arg0 : i32
    %mul3A_1 = arith.constant 1920 : i32
    %mul3A_2 = arith.muli %add3A, %mul3A_1 : i32
    "tpu.region"() ({
      %run_scoped3A = tpu.sem_alloc : memref<!tpu.dma_semaphore, #tpu.memory_space<semaphore_mem>>
      %dma_start3A_49 = tpu.memref_slice %arg3[%mul3A_2] : memref<61440xi32, #tpu.memory_space<hbm>> -> memref<1920xi32, #tpu.memory_space<hbm>>
      %dma_start3A_50 = tpu.memref_slice %arg3[%mul3A_2] : memref<61440xi32, #tpu.memory_space<hbm>> -> memref<1920xi32, #tpu.memory_space<hbm>>
      tpu.enqueue_dma source(%dma_start3A_50 : memref<1920xi32, #tpu.memory_space<hbm>>) target(%arg5 : memref<1920xi32, #tpu.memory_space<vmem>>) target_semaphore(%run_scoped3A : memref<!tpu.dma_semaphore, #tpu.memory_space<semaphore_mem>>)
      %dma_wait3A_51 = tpu.memref_slice %arg3[%mul3A_2] : memref<61440xi32, #tpu.memory_space<hbm>> -> memref<1920xi32, #tpu.memory_space<hbm>>
      %dma_wait3A_52 = tpu.memref_slice %arg3[%mul3A_2] : memref<61440xi32, #tpu.memory_space<hbm>> -> memref<1920xi32, #tpu.memory_space<hbm>>
      tpu.wait_dma2 semaphore(%run_scoped3A : memref<!tpu.dma_semaphore, #tpu.memory_space<semaphore_mem>>) src(%dma_wait3A_52 : memref<1920xi32, #tpu.memory_space<hbm>>) dst(%arg5 : memref<1920xi32, #tpu.memory_space<vmem>>)
      tpu.yield
    }) : () -> ()
    %dma_start3A = arith.constant 0 : i32
    %dma_start3A_3 = tpu.memref_slice %arg5[%dma_start3A] : memref<1920xi32, #tpu.memory_space<vmem>> -> memref<480xi32, #tpu.memory_space<vmem>>
    %dma_start3A_4 = arith.constant 0 : i32
    %dma_start3A_5 = arith.constant 0 : i32
    %dma_start3A_6 = tpu.memref_slice %arg2[%dma_start3A_4, %dma_start3A_5] : memref<4096x128xf32, #tpu.memory_space<hbm>> -> memref<4096x128xf32, #tpu.memory_space<hbm>>
    tpu.enqueue_indirect_dma source(%dma_start3A_6 : memref<4096x128xf32, #tpu.memory_space<hbm>>) target(%arg6 : memref<480x128xf32, #tpu.memory_space<vmem>>) offsets(%dma_start3A_3 : memref<480xi32, #tpu.memory_space<vmem>>) semaphore(%arg8 : memref<!tpu.dma_semaphore, #tpu.memory_space<semaphore_mem>>)
    %dma_start3A_7 = arith.constant 480 : i32
    %dma_start3A_8 = tpu.memref_slice %arg5[%dma_start3A_7] : memref<1920xi32, #tpu.memory_space<vmem>> -> memref<480xi32, #tpu.memory_space<vmem>>
    %dma_start3A_9 = arith.constant 0 : i32
    %dma_start3A_10 = arith.constant 0 : i32
    %dma_start3A_11 = tpu.memref_slice %arg2[%dma_start3A_9, %dma_start3A_10] : memref<4096x128xf32, #tpu.memory_space<hbm>> -> memref<4096x128xf32, #tpu.memory_space<hbm>>
    tpu.enqueue_indirect_dma source(%dma_start3A_11 : memref<4096x128xf32, #tpu.memory_space<hbm>>) target(%arg7 : memref<480x128xf32, #tpu.memory_space<vmem>>) offsets(%dma_start3A_8 : memref<480xi32, #tpu.memory_space<vmem>>) semaphore(%arg9 : memref<!tpu.dma_semaphore, #tpu.memory_space<semaphore_mem>>)
    %dma_wait3A = arith.constant 0 : i32
    %dma_wait3A_12 = tpu.memref_slice %arg5[%dma_wait3A] : memref<1920xi32, #tpu.memory_space<vmem>> -> memref<480xi32, #tpu.memory_space<vmem>>
    %dma_wait3A_13 = arith.constant 0 : i32
    %dma_wait3A_14 = arith.constant 0 : i32
    %dma_wait3A_15 = tpu.memref_slice %arg2[%dma_wait3A_13, %dma_wait3A_14] : memref<4096x128xf32, #tpu.memory_space<hbm>> -> memref<4096x128xf32, #tpu.memory_space<hbm>>
    tpu.wait_indirect_dma semaphore(%arg8 : memref<!tpu.dma_semaphore, #tpu.memory_space<semaphore_mem>>) src(%dma_wait3A_15 : memref<4096x128xf32, #tpu.memory_space<hbm>>) dst(%arg6 : memref<480x128xf32, #tpu.memory_space<vmem>>)
    %add3A_16 = arith.constant 0 : i32
    %add3A_17 = arith.addi %mul3A_2, %add3A_16 : i32
    "tpu.region"() ({
      %run_scoped3A = tpu.sem_alloc : memref<!tpu.dma_semaphore, #tpu.memory_space<semaphore_mem>>
      %dma_start3A_49 = arith.constant 0 : i32
      %dma_start3A_50 = tpu.memref_slice %arg4[%add3A_17, %dma_start3A_49] : memref<61440x128xf32, #tpu.memory_space<hbm>> -> memref<480x128xf32, #tpu.memory_space<hbm>>
      %dma_start3A_51 = arith.constant 0 : i32
      %dma_start3A_52 = tpu.memref_slice %arg4[%add3A_17, %dma_start3A_51] : memref<61440x128xf32, #tpu.memory_space<hbm>> -> memref<480x128xf32, #tpu.memory_space<hbm>>
      tpu.enqueue_dma source(%arg6 : memref<480x128xf32, #tpu.memory_space<vmem>>) target(%dma_start3A_52 : memref<480x128xf32, #tpu.memory_space<hbm>>) target_semaphore(%run_scoped3A : memref<!tpu.dma_semaphore, #tpu.memory_space<semaphore_mem>>)
      %dma_wait3A_53 = arith.constant 0 : i32
      %dma_wait3A_54 = tpu.memref_slice %arg4[%add3A_17, %dma_wait3A_53] : memref<61440x128xf32, #tpu.memory_space<hbm>> -> memref<480x128xf32, #tpu.memory_space<hbm>>
      %dma_wait3A_55 = arith.constant 0 : i32
      %dma_wait3A_56 = tpu.memref_slice %arg4[%add3A_17, %dma_wait3A_55] : memref<61440x128xf32, #tpu.memory_space<hbm>> -> memref<480x128xf32, #tpu.memory_space<hbm>>
      tpu.wait_dma2 semaphore(%run_scoped3A : memref<!tpu.dma_semaphore, #tpu.memory_space<semaphore_mem>>) src(%arg6 : memref<480x128xf32, #tpu.memory_space<vmem>>) dst(%dma_wait3A_56 : memref<480x128xf32, #tpu.memory_space<hbm>>)
      tpu.yield
    }) : () -> ()
    %dma_start3A_18 = arith.constant 960 : i32
    %dma_start3A_19 = tpu.memref_slice %arg5[%dma_start3A_18] : memref<1920xi32, #tpu.memory_space<vmem>> -> memref<480xi32, #tpu.memory_space<vmem>>
    %dma_start3A_20 = arith.constant 0 : i32
    %dma_start3A_21 = arith.constant 0 : i32
    %dma_start3A_22 = tpu.memref_slice %arg2[%dma_start3A_20, %dma_start3A_21] : memref<4096x128xf32, #tpu.memory_space<hbm>> -> memref<4096x128xf32, #tpu.memory_space<hbm>>
    tpu.enqueue_indirect_dma source(%dma_start3A_22 : memref<4096x128xf32, #tpu.memory_space<hbm>>) target(%arg6 : memref<480x128xf32, #tpu.memory_space<vmem>>) offsets(%dma_start3A_19 : memref<480xi32, #tpu.memory_space<vmem>>) semaphore(%arg8 : memref<!tpu.dma_semaphore, #tpu.memory_space<semaphore_mem>>)
    %dma_wait3A_23 = arith.constant 480 : i32
    %dma_wait3A_24 = tpu.memref_slice %arg5[%dma_wait3A_23] : memref<1920xi32, #tpu.memory_space<vmem>> -> memref<480xi32, #tpu.memory_space<vmem>>
    %dma_wait3A_25 = arith.constant 0 : i32
    %dma_wait3A_26 = arith.constant 0 : i32
    %dma_wait3A_27 = tpu.memref_slice %arg2[%dma_wait3A_25, %dma_wait3A_26] : memref<4096x128xf32, #tpu.memory_space<hbm>> -> memref<4096x128xf32, #tpu.memory_space<hbm>>
    tpu.wait_indirect_dma semaphore(%arg9 : memref<!tpu.dma_semaphore, #tpu.memory_space<semaphore_mem>>) src(%dma_wait3A_27 : memref<4096x128xf32, #tpu.memory_space<hbm>>) dst(%arg7 : memref<480x128xf32, #tpu.memory_space<vmem>>)
    %add3A_28 = arith.constant 480 : i32
    %add3A_29 = arith.addi %mul3A_2, %add3A_28 : i32
    "tpu.region"() ({
      %run_scoped3A = tpu.sem_alloc : memref<!tpu.dma_semaphore, #tpu.memory_space<semaphore_mem>>
      %dma_start3A_49 = arith.constant 0 : i32
      %dma_start3A_50 = tpu.memref_slice %arg4[%add3A_29, %dma_start3A_49] : memref<61440x128xf32, #tpu.memory_space<hbm>> -> memref<480x128xf32, #tpu.memory_space<hbm>>
      %dma_start3A_51 = arith.constant 0 : i32
      %dma_start3A_52 = tpu.memref_slice %arg4[%add3A_29, %dma_start3A_51] : memref<61440x128xf32, #tpu.memory_space<hbm>> -> memref<480x128xf32, #tpu.memory_space<hbm>>
      tpu.enqueue_dma source(%arg7 : memref<480x128xf32, #tpu.memory_space<vmem>>) target(%dma_start3A_52 : memref<480x128xf32, #tpu.memory_space<hbm>>) target_semaphore(%run_scoped3A : memref<!tpu.dma_semaphore, #tpu.memory_space<semaphore_mem>>)
      %dma_wait3A_53 = arith.constant 0 : i32
      %dma_wait3A_54 = tpu.memref_slice %arg4[%add3A_29, %dma_wait3A_53] : memref<61440x128xf32, #tpu.memory_space<hbm>> -> memref<480x128xf32, #tpu.memory_space<hbm>>
      %dma_wait3A_55 = arith.constant 0 : i32
      %dma_wait3A_56 = tpu.memref_slice %arg4[%add3A_29, %dma_wait3A_55] : memref<61440x128xf32, #tpu.memory_space<hbm>> -> memref<480x128xf32, #tpu.memory_space<hbm>>
      tpu.wait_dma2 semaphore(%run_scoped3A : memref<!tpu.dma_semaphore, #tpu.memory_space<semaphore_mem>>) src(%arg7 : memref<480x128xf32, #tpu.memory_space<vmem>>) dst(%dma_wait3A_56 : memref<480x128xf32, #tpu.memory_space<hbm>>)
      tpu.yield
    }) : () -> ()
    %dma_start3A_30 = arith.constant 1440 : i32
    %dma_start3A_31 = tpu.memref_slice %arg5[%dma_start3A_30] : memref<1920xi32, #tpu.memory_space<vmem>> -> memref<480xi32, #tpu.memory_space<vmem>>
    %dma_start3A_32 = arith.constant 0 : i32
    %dma_start3A_33 = arith.constant 0 : i32
    %dma_start3A_34 = tpu.memref_slice %arg2[%dma_start3A_32, %dma_start3A_33] : memref<4096x128xf32, #tpu.memory_space<hbm>> -> memref<4096x128xf32, #tpu.memory_space<hbm>>
    tpu.enqueue_indirect_dma source(%dma_start3A_34 : memref<4096x128xf32, #tpu.memory_space<hbm>>) target(%arg7 : memref<480x128xf32, #tpu.memory_space<vmem>>) offsets(%dma_start3A_31 : memref<480xi32, #tpu.memory_space<vmem>>) semaphore(%arg9 : memref<!tpu.dma_semaphore, #tpu.memory_space<semaphore_mem>>)
    %dma_wait3A_35 = arith.constant 960 : i32
    %dma_wait3A_36 = tpu.memref_slice %arg5[%dma_wait3A_35] : memref<1920xi32, #tpu.memory_space<vmem>> -> memref<480xi32, #tpu.memory_space<vmem>>
    %dma_wait3A_37 = arith.constant 0 : i32
    %dma_wait3A_38 = arith.constant 0 : i32
    %dma_wait3A_39 = tpu.memref_slice %arg2[%dma_wait3A_37, %dma_wait3A_38] : memref<4096x128xf32, #tpu.memory_space<hbm>> -> memref<4096x128xf32, #tpu.memory_space<hbm>>
    tpu.wait_indirect_dma semaphore(%arg8 : memref<!tpu.dma_semaphore, #tpu.memory_space<semaphore_mem>>) src(%dma_wait3A_39 : memref<4096x128xf32, #tpu.memory_space<hbm>>) dst(%arg6 : memref<480x128xf32, #tpu.memory_space<vmem>>)
    %add3A_40 = arith.constant 960 : i32
    %add3A_41 = arith.addi %mul3A_2, %add3A_40 : i32
    "tpu.region"() ({
      %run_scoped3A = tpu.sem_alloc : memref<!tpu.dma_semaphore, #tpu.memory_space<semaphore_mem>>
      %dma_start3A_49 = arith.constant 0 : i32
      %dma_start3A_50 = tpu.memref_slice %arg4[%add3A_41, %dma_start3A_49] : memref<61440x128xf32, #tpu.memory_space<hbm>> -> memref<480x128xf32, #tpu.memory_space<hbm>>
      %dma_start3A_51 = arith.constant 0 : i32
      %dma_start3A_52 = tpu.memref_slice %arg4[%add3A_41, %dma_start3A_51] : memref<61440x128xf32, #tpu.memory_space<hbm>> -> memref<480x128xf32, #tpu.memory_space<hbm>>
      tpu.enqueue_dma source(%arg6 : memref<480x128xf32, #tpu.memory_space<vmem>>) target(%dma_start3A_52 : memref<480x128xf32, #tpu.memory_space<hbm>>) target_semaphore(%run_scoped3A : memref<!tpu.dma_semaphore, #tpu.memory_space<semaphore_mem>>)
      %dma_wait3A_53 = arith.constant 0 : i32
      %dma_wait3A_54 = tpu.memref_slice %arg4[%add3A_41, %dma_wait3A_53] : memref<61440x128xf32, #tpu.memory_space<hbm>> -> memref<480x128xf32, #tpu.memory_space<hbm>>
      %dma_wait3A_55 = arith.constant 0 : i32
      %dma_wait3A_56 = tpu.memref_slice %arg4[%add3A_41, %dma_wait3A_55] : memref<61440x128xf32, #tpu.memory_space<hbm>> -> memref<480x128xf32, #tpu.memory_space<hbm>>
      tpu.wait_dma2 semaphore(%run_scoped3A : memref<!tpu.dma_semaphore, #tpu.memory_space<semaphore_mem>>) src(%arg6 : memref<480x128xf32, #tpu.memory_space<vmem>>) dst(%dma_wait3A_56 : memref<480x128xf32, #tpu.memory_space<hbm>>)
      tpu.yield
    }) : () -> ()
    %dma_wait3A_42 = arith.constant 1440 : i32
    %dma_wait3A_43 = tpu.memref_slice %arg5[%dma_wait3A_42] : memref<1920xi32, #tpu.memory_space<vmem>> -> memref<480xi32, #tpu.memory_space<vmem>>
    %dma_wait3A_44 = arith.constant 0 : i32
    %dma_wait3A_45 = arith.constant 0 : i32
    %dma_wait3A_46 = tpu.memref_slice %arg2[%dma_wait3A_44, %dma_wait3A_45] : memref<4096x128xf32, #tpu.memory_space<hbm>> -> memref<4096x128xf32, #tpu.memory_space<hbm>>
    tpu.wait_indirect_dma semaphore(%arg9 : memref<!tpu.dma_semaphore, #tpu.memory_space<semaphore_mem>>) src(%dma_wait3A_46 : memref<4096x128xf32, #tpu.memory_space<hbm>>) dst(%arg7 : memref<480x128xf32, #tpu.memory_space<vmem>>)
    %add3A_47 = arith.constant 1440 : i32
    %add3A_48 = arith.addi %mul3A_2, %add3A_47 : i32
    "tpu.region"() ({
      %run_scoped3A = tpu.sem_alloc : memref<!tpu.dma_semaphore, #tpu.memory_space<semaphore_mem>>
      %dma_start3A_49 = arith.constant 0 : i32
      %dma_start3A_50 = tpu.memref_slice %arg4[%add3A_48, %dma_start3A_49] : memref<61440x128xf32, #tpu.memory_space<hbm>> -> memref<480x128xf32, #tpu.memory_space<hbm>>
      %dma_start3A_51 = arith.constant 0 : i32
      %dma_start3A_52 = tpu.memref_slice %arg4[%add3A_48, %dma_start3A_51] : memref<61440x128xf32, #tpu.memory_space<hbm>> -> memref<480x128xf32, #tpu.memory_space<hbm>>
      tpu.enqueue_dma source(%arg7 : memref<480x128xf32, #tpu.memory_space<vmem>>) target(%dma_start3A_52 : memref<480x128xf32, #tpu.memory_space<hbm>>) target_semaphore(%run_scoped3A : memref<!tpu.dma_semaphore, #tpu.memory_space<semaphore_mem>>)
      %dma_wait3A_53 = arith.constant 0 : i32
      %dma_wait3A_54 = tpu.memref_slice %arg4[%add3A_48, %dma_wait3A_53] : memref<61440x128xf32, #tpu.memory_space<hbm>> -> memref<480x128xf32, #tpu.memory_space<hbm>>
      %dma_wait3A_55 = arith.constant 0 : i32
      %dma_wait3A_56 = tpu.memref_slice %arg4[%add3A_48, %dma_wait3A_55] : memref<61440x128xf32, #tpu.memory_space<hbm>> -> memref<480x128xf32, #tpu.memory_space<hbm>>
      tpu.wait_dma2 semaphore(%run_scoped3A : memref<!tpu.dma_semaphore, #tpu.memory_space<semaphore_mem>>) src(%arg7 : memref<480x128xf32, #tpu.memory_space<vmem>>) dst(%dma_wait3A_56 : memref<480x128xf32, #tpu.memory_space<hbm>>)
      tpu.yield
    }) : () -> ()
    return
  }
}

module attributes {stable_mosaic.version = 14 : i64} {
  func.func @_topk_body(%arg0: i32, %arg1: i32, %arg2: memref<1x1x1xi32, #tpu.memory_space<smem>>, %arg3: memref<1x512x16xf32, #tpu.memory_space<vmem>>, %arg4: memref<1x16x1024xf32, #tpu.memory_space<vmem>>, %arg5: memref<1x15x512xf32, #tpu.memory_space<vmem>>, %arg6: memref<1x15x512xi32, #tpu.memory_space<vmem>>) attributes {dimension_semantics = [#tpu.dimension_semantics<parallel>, #tpu.dimension_semantics<parallel>], iteration_bounds = array<i64: 4, 2>, scalar_prefetch = 0 : i64, scratch_operands = 0 : i64, tpu.core_type = #tpu.core_type<tc>, window_params = [{transform_indices = @transform_0, window_bounds = array<i64: 1, 1, 1>}, {transform_indices = @transform_1, window_bounds = array<i64: 1, 512, 16>}, {transform_indices = @transform_2, window_bounds = array<i64: 1, 16, 1024>}, {transform_indices = @transform_3, window_bounds = array<i64: 1, 15, 512>}, {transform_indices = @transform_4, window_bounds = array<i64: 1, 15, 512>}]} {
    %get3A = arith.constant 0 : index
    %get3A_0 = arith.constant 0 : index
    %get3A_1 = arith.constant 0 : index
    %get3A_2 = memref.load %arg2[%get3A, %get3A_0, %get3A_1] : memref<1x1x1xi32, #tpu.memory_space<smem>>
    %get3A_3 = arith.constant 0 : index
    %get3A_4 = arith.constant 0 : index
    %get3A_5 = arith.constant 0 : index
    %get3A_6 = vector.load %arg3[%get3A_3, %get3A_4, %get3A_5] : memref<1x512x16xf32, #tpu.memory_space<vmem>>, vector<1x512x16xf32>
    %get3A_7 = vector.shape_cast %get3A_6 : vector<1x512x16xf32> to vector<512x16xf32>
    %get3A_8 = arith.constant 0 : index
    %get3A_9 = arith.constant 0 : index
    %get3A_10 = arith.constant 0 : index
    %get3A_11 = vector.load %arg4[%get3A_8, %get3A_9, %get3A_10] : memref<1x16x1024xf32, #tpu.memory_space<vmem>>, vector<1x16x1024xf32>
    %get3A_12 = vector.shape_cast %get3A_11 : vector<1x16x1024xf32> to vector<16x1024xf32>
    %iota3A = tpu.iota {dimensions = array<i32: 1>} : vector<512x128xi32>
    %mul3A = arith.constant 512 : i32
    %mul3A_13 = arith.muli %arg1, %mul3A : i32
    %iota3A_14 = tpu.iota {dimensions = array<i32: 0>} : vector<512x128xi32>
    %add3A = vector.broadcast %mul3A_13 : i32 to vector<512x128xi32>
    %add3A_15 = arith.addi %add3A, %iota3A_14 : vector<512x128xi32>
    %lt3A = vector.broadcast %get3A_2 : i32 to vector<512x128xi32>
    %lt3A_16 = arith.cmpi slt, %add3A_15, %lt3A : vector<512x128xi32>
    %slice3A = vector.extract_strided_slice %get3A_7 {offsets = [0, 0], sizes = [512, 1], strides = [1, 1]} : vector<512x16xf32> to vector<512x1xf32>
    %slice3A_17 = vector.extract_strided_slice %get3A_12 {offsets = [0, 0], sizes = [1, 128], strides = [1, 1]} : vector<16x1024xf32> to vector<1x128xf32>
    %sub3A = vector.broadcast %slice3A : vector<512x1xf32> to vector<512x128xf32>
    %sub3A_18 = vector.broadcast %slice3A_17 : vector<1x128xf32> to vector<512x128xf32>
    %sub3A_19 = arith.subf %sub3A, %sub3A_18 : vector<512x128xf32>
    %abs3A = math.absf %sub3A_19 : vector<512x128xf32>
    %slice3A_20 = vector.extract_strided_slice %get3A_7 {offsets = [0, 1], sizes = [512, 1], strides = [1, 1]} : vector<512x16xf32> to vector<512x1xf32>
    %slice3A_21 = vector.extract_strided_slice %get3A_12 {offsets = [1, 0], sizes = [1, 128], strides = [1, 1]} : vector<16x1024xf32> to vector<1x128xf32>
    %sub3A_22 = vector.broadcast %slice3A_20 : vector<512x1xf32> to vector<512x128xf32>
    %sub3A_23 = vector.broadcast %slice3A_21 : vector<1x128xf32> to vector<512x128xf32>
    %sub3A_24 = arith.subf %sub3A_22, %sub3A_23 : vector<512x128xf32>
    %abs3A_25 = math.absf %sub3A_24 : vector<512x128xf32>
    %slice3A_26 = vector.extract_strided_slice %get3A_7 {offsets = [0, 2], sizes = [512, 1], strides = [1, 1]} : vector<512x16xf32> to vector<512x1xf32>
    %slice3A_27 = vector.extract_strided_slice %get3A_12 {offsets = [2, 0], sizes = [1, 128], strides = [1, 1]} : vector<16x1024xf32> to vector<1x128xf32>
    %sub3A_28 = vector.broadcast %slice3A_26 : vector<512x1xf32> to vector<512x128xf32>
    %sub3A_29 = vector.broadcast %slice3A_27 : vector<1x128xf32> to vector<512x128xf32>
    %sub3A_30 = arith.subf %sub3A_28, %sub3A_29 : vector<512x128xf32>
    %abs3A_31 = math.absf %sub3A_30 : vector<512x128xf32>
    %slice3A_32 = vector.extract_strided_slice %get3A_7 {offsets = [0, 3], sizes = [512, 1], strides = [1, 1]} : vector<512x16xf32> to vector<512x1xf32>
    %slice3A_33 = vector.extract_strided_slice %get3A_12 {offsets = [3, 0], sizes = [1, 128], strides = [1, 1]} : vector<16x1024xf32> to vector<1x128xf32>
    %sub3A_34 = vector.broadcast %slice3A_32 : vector<512x1xf32> to vector<512x128xf32>
    %sub3A_35 = vector.broadcast %slice3A_33 : vector<1x128xf32> to vector<512x128xf32>
    %sub3A_36 = arith.subf %sub3A_34, %sub3A_35 : vector<512x128xf32>
    %abs3A_37 = math.absf %sub3A_36 : vector<512x128xf32>
    %slice3A_38 = vector.extract_strided_slice %get3A_7 {offsets = [0, 4], sizes = [512, 1], strides = [1, 1]} : vector<512x16xf32> to vector<512x1xf32>
    %slice3A_39 = vector.extract_strided_slice %get3A_12 {offsets = [4, 0], sizes = [1, 128], strides = [1, 1]} : vector<16x1024xf32> to vector<1x128xf32>
    %sub3A_40 = vector.broadcast %slice3A_38 : vector<512x1xf32> to vector<512x128xf32>
    %sub3A_41 = vector.broadcast %slice3A_39 : vector<1x128xf32> to vector<512x128xf32>
    %sub3A_42 = arith.subf %sub3A_40, %sub3A_41 : vector<512x128xf32>
    %abs3A_43 = math.absf %sub3A_42 : vector<512x128xf32>
    %slice3A_44 = vector.extract_strided_slice %get3A_7 {offsets = [0, 5], sizes = [512, 1], strides = [1, 1]} : vector<512x16xf32> to vector<512x1xf32>
    %slice3A_45 = vector.extract_strided_slice %get3A_12 {offsets = [5, 0], sizes = [1, 128], strides = [1, 1]} : vector<16x1024xf32> to vector<1x128xf32>
    %sub3A_46 = vector.broadcast %slice3A_44 : vector<512x1xf32> to vector<512x128xf32>
    %sub3A_47 = vector.broadcast %slice3A_45 : vector<1x128xf32> to vector<512x128xf32>
    %sub3A_48 = arith.subf %sub3A_46, %sub3A_47 : vector<512x128xf32>
    %abs3A_49 = math.absf %sub3A_48 : vector<512x128xf32>
    %slice3A_50 = vector.extract_strided_slice %get3A_7 {offsets = [0, 6], sizes = [512, 1], strides = [1, 1]} : vector<512x16xf32> to vector<512x1xf32>
    %slice3A_51 = vector.extract_strided_slice %get3A_12 {offsets = [6, 0], sizes = [1, 128], strides = [1, 1]} : vector<16x1024xf32> to vector<1x128xf32>
    %sub3A_52 = vector.broadcast %slice3A_50 : vector<512x1xf32> to vector<512x128xf32>
    %sub3A_53 = vector.broadcast %slice3A_51 : vector<1x128xf32> to vector<512x128xf32>
    %sub3A_54 = arith.subf %sub3A_52, %sub3A_53 : vector<512x128xf32>
    %abs3A_55 = math.absf %sub3A_54 : vector<512x128xf32>
    %slice3A_56 = vector.extract_strided_slice %get3A_7 {offsets = [0, 7], sizes = [512, 1], strides = [1, 1]} : vector<512x16xf32> to vector<512x1xf32>
    %slice3A_57 = vector.extract_strided_slice %get3A_12 {offsets = [7, 0], sizes = [1, 128], strides = [1, 1]} : vector<16x1024xf32> to vector<1x128xf32>
    %sub3A_58 = vector.broadcast %slice3A_56 : vector<512x1xf32> to vector<512x128xf32>
    %sub3A_59 = vector.broadcast %slice3A_57 : vector<1x128xf32> to vector<512x128xf32>
    %sub3A_60 = arith.subf %sub3A_58, %sub3A_59 : vector<512x128xf32>
    %abs3A_61 = math.absf %sub3A_60 : vector<512x128xf32>
    %slice3A_62 = vector.extract_strided_slice %get3A_7 {offsets = [0, 8], sizes = [512, 1], strides = [1, 1]} : vector<512x16xf32> to vector<512x1xf32>
    %slice3A_63 = vector.extract_strided_slice %get3A_12 {offsets = [8, 0], sizes = [1, 128], strides = [1, 1]} : vector<16x1024xf32> to vector<1x128xf32>
    %sub3A_64 = vector.broadcast %slice3A_62 : vector<512x1xf32> to vector<512x128xf32>
    %sub3A_65 = vector.broadcast %slice3A_63 : vector<1x128xf32> to vector<512x128xf32>
    %sub3A_66 = arith.subf %sub3A_64, %sub3A_65 : vector<512x128xf32>
    %abs3A_67 = math.absf %sub3A_66 : vector<512x128xf32>
    %slice3A_68 = vector.extract_strided_slice %get3A_7 {offsets = [0, 9], sizes = [512, 1], strides = [1, 1]} : vector<512x16xf32> to vector<512x1xf32>
    %slice3A_69 = vector.extract_strided_slice %get3A_12 {offsets = [9, 0], sizes = [1, 128], strides = [1, 1]} : vector<16x1024xf32> to vector<1x128xf32>
    %sub3A_70 = vector.broadcast %slice3A_68 : vector<512x1xf32> to vector<512x128xf32>
    %sub3A_71 = vector.broadcast %slice3A_69 : vector<1x128xf32> to vector<512x128xf32>
    %sub3A_72 = arith.subf %sub3A_70, %sub3A_71 : vector<512x128xf32>
    %abs3A_73 = math.absf %sub3A_72 : vector<512x128xf32>
    %slice3A_74 = vector.extract_strided_slice %get3A_7 {offsets = [0, 10], sizes = [512, 1], strides = [1, 1]} : vector<512x16xf32> to vector<512x1xf32>
    %slice3A_75 = vector.extract_strided_slice %get3A_12 {offsets = [10, 0], sizes = [1, 128], strides = [1, 1]} : vector<16x1024xf32> to vector<1x128xf32>
    %sub3A_76 = vector.broadcast %slice3A_74 : vector<512x1xf32> to vector<512x128xf32>
    %sub3A_77 = vector.broadcast %slice3A_75 : vector<1x128xf32> to vector<512x128xf32>
    %sub3A_78 = arith.subf %sub3A_76, %sub3A_77 : vector<512x128xf32>
    %abs3A_79 = math.absf %sub3A_78 : vector<512x128xf32>
    %slice3A_80 = vector.extract_strided_slice %get3A_7 {offsets = [0, 11], sizes = [512, 1], strides = [1, 1]} : vector<512x16xf32> to vector<512x1xf32>
    %slice3A_81 = vector.extract_strided_slice %get3A_12 {offsets = [11, 0], sizes = [1, 128], strides = [1, 1]} : vector<16x1024xf32> to vector<1x128xf32>
    %sub3A_82 = vector.broadcast %slice3A_80 : vector<512x1xf32> to vector<512x128xf32>
    %sub3A_83 = vector.broadcast %slice3A_81 : vector<1x128xf32> to vector<512x128xf32>
    %sub3A_84 = arith.subf %sub3A_82, %sub3A_83 : vector<512x128xf32>
    %abs3A_85 = math.absf %sub3A_84 : vector<512x128xf32>
    %slice3A_86 = vector.extract_strided_slice %get3A_7 {offsets = [0, 12], sizes = [512, 1], strides = [1, 1]} : vector<512x16xf32> to vector<512x1xf32>
    %slice3A_87 = vector.extract_strided_slice %get3A_12 {offsets = [12, 0], sizes = [1, 128], strides = [1, 1]} : vector<16x1024xf32> to vector<1x128xf32>
    %sub3A_88 = vector.broadcast %slice3A_86 : vector<512x1xf32> to vector<512x128xf32>
    %sub3A_89 = vector.broadcast %slice3A_87 : vector<1x128xf32> to vector<512x128xf32>
    %sub3A_90 = arith.subf %sub3A_88, %sub3A_89 : vector<512x128xf32>
    %abs3A_91 = math.absf %sub3A_90 : vector<512x128xf32>
    %slice3A_92 = vector.extract_strided_slice %get3A_7 {offsets = [0, 13], sizes = [512, 1], strides = [1, 1]} : vector<512x16xf32> to vector<512x1xf32>
    %slice3A_93 = vector.extract_strided_slice %get3A_12 {offsets = [13, 0], sizes = [1, 128], strides = [1, 1]} : vector<16x1024xf32> to vector<1x128xf32>
    %sub3A_94 = vector.broadcast %slice3A_92 : vector<512x1xf32> to vector<512x128xf32>
    %sub3A_95 = vector.broadcast %slice3A_93 : vector<1x128xf32> to vector<512x128xf32>
    %sub3A_96 = arith.subf %sub3A_94, %sub3A_95 : vector<512x128xf32>
    %abs3A_97 = math.absf %sub3A_96 : vector<512x128xf32>
    %slice3A_98 = vector.extract_strided_slice %get3A_7 {offsets = [0, 14], sizes = [512, 1], strides = [1, 1]} : vector<512x16xf32> to vector<512x1xf32>
    %slice3A_99 = vector.extract_strided_slice %get3A_12 {offsets = [14, 0], sizes = [1, 128], strides = [1, 1]} : vector<16x1024xf32> to vector<1x128xf32>
    %sub3A_100 = vector.broadcast %slice3A_98 : vector<512x1xf32> to vector<512x128xf32>
    %sub3A_101 = vector.broadcast %slice3A_99 : vector<1x128xf32> to vector<512x128xf32>
    %sub3A_102 = arith.subf %sub3A_100, %sub3A_101 : vector<512x128xf32>
    %abs3A_103 = math.absf %sub3A_102 : vector<512x128xf32>
    %slice3A_104 = vector.extract_strided_slice %get3A_7 {offsets = [0, 15], sizes = [512, 1], strides = [1, 1]} : vector<512x16xf32> to vector<512x1xf32>
    %slice3A_105 = vector.extract_strided_slice %get3A_12 {offsets = [15, 0], sizes = [1, 128], strides = [1, 1]} : vector<16x1024xf32> to vector<1x128xf32>
    %sub3A_106 = vector.broadcast %slice3A_104 : vector<512x1xf32> to vector<512x128xf32>
    %sub3A_107 = vector.broadcast %slice3A_105 : vector<1x128xf32> to vector<512x128xf32>
    %sub3A_108 = arith.subf %sub3A_106, %sub3A_107 : vector<512x128xf32>
    %abs3A_109 = math.absf %sub3A_108 : vector<512x128xf32>
    %add3A_110 = arith.addf %abs3A, %abs3A_43 : vector<512x128xf32>
    %add3A_111 = arith.addf %abs3A_31, %abs3A_55 : vector<512x128xf32>
    %add3A_112 = arith.addf %add3A_110, %add3A_111 : vector<512x128xf32>
    %add3A_113 = arith.addf %abs3A_25, %abs3A_49 : vector<512x128xf32>
    %add3A_114 = arith.addf %abs3A_37, %abs3A_61 : vector<512x128xf32>
    %add3A_115 = arith.addf %add3A_113, %add3A_114 : vector<512x128xf32>
    %add3A_116 = arith.addf %add3A_112, %add3A_115 : vector<512x128xf32>
    %add3A_117 = arith.addf %abs3A_67, %abs3A_91 : vector<512x128xf32>
    %add3A_118 = arith.addf %abs3A_79, %abs3A_103 : vector<512x128xf32>
    %add3A_119 = arith.addf %add3A_117, %add3A_118 : vector<512x128xf32>
    %add3A_120 = arith.addf %abs3A_73, %abs3A_97 : vector<512x128xf32>
    %add3A_121 = arith.addf %abs3A_85, %abs3A_109 : vector<512x128xf32>
    %add3A_122 = arith.addf %add3A_120, %add3A_121 : vector<512x128xf32>
    %add3A_123 = arith.addf %add3A_119, %add3A_122 : vector<512x128xf32>
    %add3A_124 = arith.addf %add3A_116, %add3A_123 : vector<512x128xf32>
    %add3A_125 = arith.constant 0 : i32
    %add3A_126 = vector.broadcast %add3A_125 : i32 to vector<512x128xi32>
    %add3A_127 = arith.addi %add3A_126, %iota3A : vector<512x128xi32>
    %lt3A_128 = vector.broadcast %get3A_2 : i32 to vector<512x128xi32>
    %lt3A_129 = arith.cmpi slt, %add3A_127, %lt3A_128 : vector<512x128xi32>
    %and3A = arith.andi %lt3A_16, %lt3A_129 : vector<512x128xi1>
    %jit3A = arith.constant 3.40282347E+38 : f32
    %broadcast_in_dim3A = vector.broadcast %jit3A : f32 to vector<512x128xf32>
    %select_n3A = arith.select %and3A, %add3A_124, %broadcast_in_dim3A : vector<512x128xi1>, vector<512x128xf32>
    %eq3A = arith.cmpi eq, %add3A_15, %add3A_127 : vector<512x128xi32>
    %jit3A_130 = arith.constant 0x7F800000 : f32
    %broadcast_in_dim3A_131 = vector.broadcast %jit3A_130 : f32 to vector<512x128xf32>
    %select_n3A_132 = arith.select %eq3A, %broadcast_in_dim3A_131, %select_n3A : vector<512x128xi1>, vector<512x128xf32>
    %slice3A_133 = vector.extract_strided_slice %get3A_7 {offsets = [0, 0], sizes = [512, 1], strides = [1, 1]} : vector<512x16xf32> to vector<512x1xf32>
    %slice3A_134 = vector.extract_strided_slice %get3A_12 {offsets = [0, 128], sizes = [1, 128], strides = [1, 1]} : vector<16x1024xf32> to vector<1x128xf32>
    %sub3A_135 = vector.broadcast %slice3A_133 : vector<512x1xf32> to vector<512x128xf32>
    %sub3A_136 = vector.broadcast %slice3A_134 : vector<1x128xf32> to vector<512x128xf32>
    %sub3A_137 = arith.subf %sub3A_135, %sub3A_136 : vector<512x128xf32>
    %abs3A_138 = math.absf %sub3A_137 : vector<512x128xf32>
    %slice3A_139 = vector.extract_strided_slice %get3A_7 {offsets = [0, 1], sizes = [512, 1], strides = [1, 1]} : vector<512x16xf32> to vector<512x1xf32>
    %slice3A_140 = vector.extract_strided_slice %get3A_12 {offsets = [1, 128], sizes = [1, 128], strides = [1, 1]} : vector<16x1024xf32> to vector<1x128xf32>
    %sub3A_141 = vector.broadcast %slice3A_139 : vector<512x1xf32> to vector<512x128xf32>
    %sub3A_142 = vector.broadcast %slice3A_140 : vector<1x128xf32> to vector<512x128xf32>
    %sub3A_143 = arith.subf %sub3A_141, %sub3A_142 : vector<512x128xf32>
    %abs3A_144 = math.absf %sub3A_143 : vector<512x128xf32>
    %slice3A_145 = vector.extract_strided_slice %get3A_7 {offsets = [0, 2], sizes = [512, 1], strides = [1, 1]} : vector<512x16xf32> to vector<512x1xf32>
    %slice3A_146 = vector.extract_strided_slice %get3A_12 {offsets = [2, 128], sizes = [1, 128], strides = [1, 1]} : vector<16x1024xf32> to vector<1x128xf32>
    %sub3A_147 = vector.broadcast %slice3A_145 : vector<512x1xf32> to vector<512x128xf32>
    %sub3A_148 = vector.broadcast %slice3A_146 : vector<1x128xf32> to vector<512x128xf32>
    %sub3A_149 = arith.subf %sub3A_147, %sub3A_148 : vector<512x128xf32>
    %abs3A_150 = math.absf %sub3A_149 : vector<512x128xf32>
    %slice3A_151 = vector.extract_strided_slice %get3A_7 {offsets = [0, 3], sizes = [512, 1], strides = [1, 1]} : vector<512x16xf32> to vector<512x1xf32>
    %slice3A_152 = vector.extract_strided_slice %get3A_12 {offsets = [3, 128], sizes = [1, 128], strides = [1, 1]} : vector<16x1024xf32> to vector<1x128xf32>
    %sub3A_153 = vector.broadcast %slice3A_151 : vector<512x1xf32> to vector<512x128xf32>
    %sub3A_154 = vector.broadcast %slice3A_152 : vector<1x128xf32> to vector<512x128xf32>
    %sub3A_155 = arith.subf %sub3A_153, %sub3A_154 : vector<512x128xf32>
    %abs3A_156 = math.absf %sub3A_155 : vector<512x128xf32>
    %slice3A_157 = vector.extract_strided_slice %get3A_7 {offsets = [0, 4], sizes = [512, 1], strides = [1, 1]} : vector<512x16xf32> to vector<512x1xf32>
    %slice3A_158 = vector.extract_strided_slice %get3A_12 {offsets = [4, 128], sizes = [1, 128], strides = [1, 1]} : vector<16x1024xf32> to vector<1x128xf32>
    %sub3A_159 = vector.broadcast %slice3A_157 : vector<512x1xf32> to vector<512x128xf32>
    %sub3A_160 = vector.broadcast %slice3A_158 : vector<1x128xf32> to vector<512x128xf32>
    %sub3A_161 = arith.subf %sub3A_159, %sub3A_160 : vector<512x128xf32>
    %abs3A_162 = math.absf %sub3A_161 : vector<512x128xf32>
    %slice3A_163 = vector.extract_strided_slice %get3A_7 {offsets = [0, 5], sizes = [512, 1], strides = [1, 1]} : vector<512x16xf32> to vector<512x1xf32>
    %slice3A_164 = vector.extract_strided_slice %get3A_12 {offsets = [5, 128], sizes = [1, 128], strides = [1, 1]} : vector<16x1024xf32> to vector<1x128xf32>
    %sub3A_165 = vector.broadcast %slice3A_163 : vector<512x1xf32> to vector<512x128xf32>
    %sub3A_166 = vector.broadcast %slice3A_164 : vector<1x128xf32> to vector<512x128xf32>
    %sub3A_167 = arith.subf %sub3A_165, %sub3A_166 : vector<512x128xf32>
    %abs3A_168 = math.absf %sub3A_167 : vector<512x128xf32>
    %slice3A_169 = vector.extract_strided_slice %get3A_7 {offsets = [0, 6], sizes = [512, 1], strides = [1, 1]} : vector<512x16xf32> to vector<512x1xf32>
    %slice3A_170 = vector.extract_strided_slice %get3A_12 {offsets = [6, 128], sizes = [1, 128], strides = [1, 1]} : vector<16x1024xf32> to vector<1x128xf32>
    %sub3A_171 = vector.broadcast %slice3A_169 : vector<512x1xf32> to vector<512x128xf32>
    %sub3A_172 = vector.broadcast %slice3A_170 : vector<1x128xf32> to vector<512x128xf32>
    %sub3A_173 = arith.subf %sub3A_171, %sub3A_172 : vector<512x128xf32>
    %abs3A_174 = math.absf %sub3A_173 : vector<512x128xf32>
    %slice3A_175 = vector.extract_strided_slice %get3A_7 {offsets = [0, 7], sizes = [512, 1], strides = [1, 1]} : vector<512x16xf32> to vector<512x1xf32>
    %slice3A_176 = vector.extract_strided_slice %get3A_12 {offsets = [7, 128], sizes = [1, 128], strides = [1, 1]} : vector<16x1024xf32> to vector<1x128xf32>
    %sub3A_177 = vector.broadcast %slice3A_175 : vector<512x1xf32> to vector<512x128xf32>
    %sub3A_178 = vector.broadcast %slice3A_176 : vector<1x128xf32> to vector<512x128xf32>
    %sub3A_179 = arith.subf %sub3A_177, %sub3A_178 : vector<512x128xf32>
    %abs3A_180 = math.absf %sub3A_179 : vector<512x128xf32>
    %slice3A_181 = vector.extract_strided_slice %get3A_7 {offsets = [0, 8], sizes = [512, 1], strides = [1, 1]} : vector<512x16xf32> to vector<512x1xf32>
    %slice3A_182 = vector.extract_strided_slice %get3A_12 {offsets = [8, 128], sizes = [1, 128], strides = [1, 1]} : vector<16x1024xf32> to vector<1x128xf32>
    %sub3A_183 = vector.broadcast %slice3A_181 : vector<512x1xf32> to vector<512x128xf32>
    %sub3A_184 = vector.broadcast %slice3A_182 : vector<1x128xf32> to vector<512x128xf32>
    %sub3A_185 = arith.subf %sub3A_183, %sub3A_184 : vector<512x128xf32>
    %abs3A_186 = math.absf %sub3A_185 : vector<512x128xf32>
    %slice3A_187 = vector.extract_strided_slice %get3A_7 {offsets = [0, 9], sizes = [512, 1], strides = [1, 1]} : vector<512x16xf32> to vector<512x1xf32>
    %slice3A_188 = vector.extract_strided_slice %get3A_12 {offsets = [9, 128], sizes = [1, 128], strides = [1, 1]} : vector<16x1024xf32> to vector<1x128xf32>
    %sub3A_189 = vector.broadcast %slice3A_187 : vector<512x1xf32> to vector<512x128xf32>
    %sub3A_190 = vector.broadcast %slice3A_188 : vector<1x128xf32> to vector<512x128xf32>
    %sub3A_191 = arith.subf %sub3A_189, %sub3A_190 : vector<512x128xf32>
    %abs3A_192 = math.absf %sub3A_191 : vector<512x128xf32>
    %slice3A_193 = vector.extract_strided_slice %get3A_7 {offsets = [0, 10], sizes = [512, 1], strides = [1, 1]} : vector<512x16xf32> to vector<512x1xf32>
    %slice3A_194 = vector.extract_strided_slice %get3A_12 {offsets = [10, 128], sizes = [1, 128], strides = [1, 1]} : vector<16x1024xf32> to vector<1x128xf32>
    %sub3A_195 = vector.broadcast %slice3A_193 : vector<512x1xf32> to vector<512x128xf32>
    %sub3A_196 = vector.broadcast %slice3A_194 : vector<1x128xf32> to vector<512x128xf32>
    %sub3A_197 = arith.subf %sub3A_195, %sub3A_196 : vector<512x128xf32>
    %abs3A_198 = math.absf %sub3A_197 : vector<512x128xf32>
    %slice3A_199 = vector.extract_strided_slice %get3A_7 {offsets = [0, 11], sizes = [512, 1], strides = [1, 1]} : vector<512x16xf32> to vector<512x1xf32>
    %slice3A_200 = vector.extract_strided_slice %get3A_12 {offsets = [11, 128], sizes = [1, 128], strides = [1, 1]} : vector<16x1024xf32> to vector<1x128xf32>
    %sub3A_201 = vector.broadcast %slice3A_199 : vector<512x1xf32> to vector<512x128xf32>
    %sub3A_202 = vector.broadcast %slice3A_200 : vector<1x128xf32> to vector<512x128xf32>
    %sub3A_203 = arith.subf %sub3A_201, %sub3A_202 : vector<512x128xf32>
    %abs3A_204 = math.absf %sub3A_203 : vector<512x128xf32>
    %slice3A_205 = vector.extract_strided_slice %get3A_7 {offsets = [0, 12], sizes = [512, 1], strides = [1, 1]} : vector<512x16xf32> to vector<512x1xf32>
    %slice3A_206 = vector.extract_strided_slice %get3A_12 {offsets = [12, 128], sizes = [1, 128], strides = [1, 1]} : vector<16x1024xf32> to vector<1x128xf32>
    %sub3A_207 = vector.broadcast %slice3A_205 : vector<512x1xf32> to vector<512x128xf32>
    %sub3A_208 = vector.broadcast %slice3A_206 : vector<1x128xf32> to vector<512x128xf32>
    %sub3A_209 = arith.subf %sub3A_207, %sub3A_208 : vector<512x128xf32>
    %abs3A_210 = math.absf %sub3A_209 : vector<512x128xf32>
    %slice3A_211 = vector.extract_strided_slice %get3A_7 {offsets = [0, 13], sizes = [512, 1], strides = [1, 1]} : vector<512x16xf32> to vector<512x1xf32>
    %slice3A_212 = vector.extract_strided_slice %get3A_12 {offsets = [13, 128], sizes = [1, 128], strides = [1, 1]} : vector<16x1024xf32> to vector<1x128xf32>
    %sub3A_213 = vector.broadcast %slice3A_211 : vector<512x1xf32> to vector<512x128xf32>
    %sub3A_214 = vector.broadcast %slice3A_212 : vector<1x128xf32> to vector<512x128xf32>
    %sub3A_215 = arith.subf %sub3A_213, %sub3A_214 : vector<512x128xf32>
    %abs3A_216 = math.absf %sub3A_215 : vector<512x128xf32>
    %slice3A_217 = vector.extract_strided_slice %get3A_7 {offsets = [0, 14], sizes = [512, 1], strides = [1, 1]} : vector<512x16xf32> to vector<512x1xf32>
    %slice3A_218 = vector.extract_strided_slice %get3A_12 {offsets = [14, 128], sizes = [1, 128], strides = [1, 1]} : vector<16x1024xf32> to vector<1x128xf32>
    %sub3A_219 = vector.broadcast %slice3A_217 : vector<512x1xf32> to vector<512x128xf32>
    %sub3A_220 = vector.broadcast %slice3A_218 : vector<1x128xf32> to vector<512x128xf32>
    %sub3A_221 = arith.subf %sub3A_219, %sub3A_220 : vector<512x128xf32>
    %abs3A_222 = math.absf %sub3A_221 : vector<512x128xf32>
    %slice3A_223 = vector.extract_strided_slice %get3A_7 {offsets = [0, 15], sizes = [512, 1], strides = [1, 1]} : vector<512x16xf32> to vector<512x1xf32>
    %slice3A_224 = vector.extract_strided_slice %get3A_12 {offsets = [15, 128], sizes = [1, 128], strides = [1, 1]} : vector<16x1024xf32> to vector<1x128xf32>
    %sub3A_225 = vector.broadcast %slice3A_223 : vector<512x1xf32> to vector<512x128xf32>
    %sub3A_226 = vector.broadcast %slice3A_224 : vector<1x128xf32> to vector<512x128xf32>
    %sub3A_227 = arith.subf %sub3A_225, %sub3A_226 : vector<512x128xf32>
    %abs3A_228 = math.absf %sub3A_227 : vector<512x128xf32>
    %add3A_229 = arith.addf %abs3A_138, %abs3A_162 : vector<512x128xf32>
    %add3A_230 = arith.addf %abs3A_150, %abs3A_174 : vector<512x128xf32>
    %add3A_231 = arith.addf %add3A_229, %add3A_230 : vector<512x128xf32>
    %add3A_232 = arith.addf %abs3A_144, %abs3A_168 : vector<512x128xf32>
    %add3A_233 = arith.addf %abs3A_156, %abs3A_180 : vector<512x128xf32>
    %add3A_234 = arith.addf %add3A_232, %add3A_233 : vector<512x128xf32>
    %add3A_235 = arith.addf %add3A_231, %add3A_234 : vector<512x128xf32>
    %add3A_236 = arith.addf %abs3A_186, %abs3A_210 : vector<512x128xf32>
    %add3A_237 = arith.addf %abs3A_198, %abs3A_222 : vector<512x128xf32>
    %add3A_238 = arith.addf %add3A_236, %add3A_237 : vector<512x128xf32>
    %add3A_239 = arith.addf %abs3A_192, %abs3A_216 : vector<512x128xf32>
    %add3A_240 = arith.addf %abs3A_204, %abs3A_228 : vector<512x128xf32>
    %add3A_241 = arith.addf %add3A_239, %add3A_240 : vector<512x128xf32>
    %add3A_242 = arith.addf %add3A_238, %add3A_241 : vector<512x128xf32>
    %add3A_243 = arith.addf %add3A_235, %add3A_242 : vector<512x128xf32>
    %add3A_244 = arith.constant 128 : i32
    %add3A_245 = vector.broadcast %add3A_244 : i32 to vector<512x128xi32>
    %add3A_246 = arith.addi %add3A_245, %iota3A : vector<512x128xi32>
    %lt3A_247 = vector.broadcast %get3A_2 : i32 to vector<512x128xi32>
    %lt3A_248 = arith.cmpi slt, %add3A_246, %lt3A_247 : vector<512x128xi32>
    %and3A_249 = arith.andi %lt3A_16, %lt3A_248 : vector<512x128xi1>
    %jit3A_250 = arith.constant 3.40282347E+38 : f32
    %broadcast_in_dim3A_251 = vector.broadcast %jit3A_250 : f32 to vector<512x128xf32>
    %select_n3A_252 = arith.select %and3A_249, %add3A_243, %broadcast_in_dim3A_251 : vector<512x128xi1>, vector<512x128xf32>
    %eq3A_253 = arith.cmpi eq, %add3A_15, %add3A_246 : vector<512x128xi32>
    %jit3A_254 = arith.constant 0x7F800000 : f32
    %broadcast_in_dim3A_255 = vector.broadcast %jit3A_254 : f32 to vector<512x128xf32>
    %select_n3A_256 = arith.select %eq3A_253, %broadcast_in_dim3A_255, %select_n3A_252 : vector<512x128xi1>, vector<512x128xf32>
    %slice3A_257 = vector.extract_strided_slice %get3A_7 {offsets = [0, 0], sizes = [512, 1], strides = [1, 1]} : vector<512x16xf32> to vector<512x1xf32>
    %slice3A_258 = vector.extract_strided_slice %get3A_12 {offsets = [0, 256], sizes = [1, 128], strides = [1, 1]} : vector<16x1024xf32> to vector<1x128xf32>
    %sub3A_259 = vector.broadcast %slice3A_257 : vector<512x1xf32> to vector<512x128xf32>
    %sub3A_260 = vector.broadcast %slice3A_258 : vector<1x128xf32> to vector<512x128xf32>
    %sub3A_261 = arith.subf %sub3A_259, %sub3A_260 : vector<512x128xf32>
    %abs3A_262 = math.absf %sub3A_261 : vector<512x128xf32>
    %slice3A_263 = vector.extract_strided_slice %get3A_7 {offsets = [0, 1], sizes = [512, 1], strides = [1, 1]} : vector<512x16xf32> to vector<512x1xf32>
    %slice3A_264 = vector.extract_strided_slice %get3A_12 {offsets = [1, 256], sizes = [1, 128], strides = [1, 1]} : vector<16x1024xf32> to vector<1x128xf32>
    %sub3A_265 = vector.broadcast %slice3A_263 : vector<512x1xf32> to vector<512x128xf32>
    %sub3A_266 = vector.broadcast %slice3A_264 : vector<1x128xf32> to vector<512x128xf32>
    %sub3A_267 = arith.subf %sub3A_265, %sub3A_266 : vector<512x128xf32>
    %abs3A_268 = math.absf %sub3A_267 : vector<512x128xf32>
    %slice3A_269 = vector.extract_strided_slice %get3A_7 {offsets = [0, 2], sizes = [512, 1], strides = [1, 1]} : vector<512x16xf32> to vector<512x1xf32>
    %slice3A_270 = vector.extract_strided_slice %get3A_12 {offsets = [2, 256], sizes = [1, 128], strides = [1, 1]} : vector<16x1024xf32> to vector<1x128xf32>
    %sub3A_271 = vector.broadcast %slice3A_269 : vector<512x1xf32> to vector<512x128xf32>
    %sub3A_272 = vector.broadcast %slice3A_270 : vector<1x128xf32> to vector<512x128xf32>
    %sub3A_273 = arith.subf %sub3A_271, %sub3A_272 : vector<512x128xf32>
    %abs3A_274 = math.absf %sub3A_273 : vector<512x128xf32>
    %slice3A_275 = vector.extract_strided_slice %get3A_7 {offsets = [0, 3], sizes = [512, 1], strides = [1, 1]} : vector<512x16xf32> to vector<512x1xf32>
    %slice3A_276 = vector.extract_strided_slice %get3A_12 {offsets = [3, 256], sizes = [1, 128], strides = [1, 1]} : vector<16x1024xf32> to vector<1x128xf32>
    %sub3A_277 = vector.broadcast %slice3A_275 : vector<512x1xf32> to vector<512x128xf32>
    %sub3A_278 = vector.broadcast %slice3A_276 : vector<1x128xf32> to vector<512x128xf32>
    %sub3A_279 = arith.subf %sub3A_277, %sub3A_278 : vector<512x128xf32>
    %abs3A_280 = math.absf %sub3A_279 : vector<512x128xf32>
    %slice3A_281 = vector.extract_strided_slice %get3A_7 {offsets = [0, 4], sizes = [512, 1], strides = [1, 1]} : vector<512x16xf32> to vector<512x1xf32>
    %slice3A_282 = vector.extract_strided_slice %get3A_12 {offsets = [4, 256], sizes = [1, 128], strides = [1, 1]} : vector<16x1024xf32> to vector<1x128xf32>
    %sub3A_283 = vector.broadcast %slice3A_281 : vector<512x1xf32> to vector<512x128xf32>
    %sub3A_284 = vector.broadcast %slice3A_282 : vector<1x128xf32> to vector<512x128xf32>
    %sub3A_285 = arith.subf %sub3A_283, %sub3A_284 : vector<512x128xf32>
    %abs3A_286 = math.absf %sub3A_285 : vector<512x128xf32>
    %slice3A_287 = vector.extract_strided_slice %get3A_7 {offsets = [0, 5], sizes = [512, 1], strides = [1, 1]} : vector<512x16xf32> to vector<512x1xf32>
    %slice3A_288 = vector.extract_strided_slice %get3A_12 {offsets = [5, 256], sizes = [1, 128], strides = [1, 1]} : vector<16x1024xf32> to vector<1x128xf32>
    %sub3A_289 = vector.broadcast %slice3A_287 : vector<512x1xf32> to vector<512x128xf32>
    %sub3A_290 = vector.broadcast %slice3A_288 : vector<1x128xf32> to vector<512x128xf32>
    %sub3A_291 = arith.subf %sub3A_289, %sub3A_290 : vector<512x128xf32>
    %abs3A_292 = math.absf %sub3A_291 : vector<512x128xf32>
    %slice3A_293 = vector.extract_strided_slice %get3A_7 {offsets = [0, 6], sizes = [512, 1], strides = [1, 1]} : vector<512x16xf32> to vector<512x1xf32>
    %slice3A_294 = vector.extract_strided_slice %get3A_12 {offsets = [6, 256], sizes = [1, 128], strides = [1, 1]} : vector<16x1024xf32> to vector<1x128xf32>
    %sub3A_295 = vector.broadcast %slice3A_293 : vector<512x1xf32> to vector<512x128xf32>
    %sub3A_296 = vector.broadcast %slice3A_294 : vector<1x128xf32> to vector<512x128xf32>
    %sub3A_297 = arith.subf %sub3A_295, %sub3A_296 : vector<512x128xf32>
    %abs3A_298 = math.absf %sub3A_297 : vector<512x128xf32>
    %slice3A_299 = vector.extract_strided_slice %get3A_7 {offsets = [0, 7], sizes = [512, 1], strides = [1, 1]} : vector<512x16xf32> to vector<512x1xf32>
    %slice3A_300 = vector.extract_strided_slice %get3A_12 {offsets = [7, 256], sizes = [1, 128], strides = [1, 1]} : vector<16x1024xf32> to vector<1x128xf32>
    %sub3A_301 = vector.broadcast %slice3A_299 : vector<512x1xf32> to vector<512x128xf32>
    %sub3A_302 = vector.broadcast %slice3A_300 : vector<1x128xf32> to vector<512x128xf32>
    %sub3A_303 = arith.subf %sub3A_301, %sub3A_302 : vector<512x128xf32>
    %abs3A_304 = math.absf %sub3A_303 : vector<512x128xf32>
    %slice3A_305 = vector.extract_strided_slice %get3A_7 {offsets = [0, 8], sizes = [512, 1], strides = [1, 1]} : vector<512x16xf32> to vector<512x1xf32>
    %slice3A_306 = vector.extract_strided_slice %get3A_12 {offsets = [8, 256], sizes = [1, 128], strides = [1, 1]} : vector<16x1024xf32> to vector<1x128xf32>
    %sub3A_307 = vector.broadcast %slice3A_305 : vector<512x1xf32> to vector<512x128xf32>
    %sub3A_308 = vector.broadcast %slice3A_306 : vector<1x128xf32> to vector<512x128xf32>
    %sub3A_309 = arith.subf %sub3A_307, %sub3A_308 : vector<512x128xf32>
    %abs3A_310 = math.absf %sub3A_309 : vector<512x128xf32>
    %slice3A_311 = vector.extract_strided_slice %get3A_7 {offsets = [0, 9], sizes = [512, 1], strides = [1, 1]} : vector<512x16xf32> to vector<512x1xf32>
    %slice3A_312 = vector.extract_strided_slice %get3A_12 {offsets = [9, 256], sizes = [1, 128], strides = [1, 1]} : vector<16x1024xf32> to vector<1x128xf32>
    %sub3A_313 = vector.broadcast %slice3A_311 : vector<512x1xf32> to vector<512x128xf32>
    %sub3A_314 = vector.broadcast %slice3A_312 : vector<1x128xf32> to vector<512x128xf32>
    %sub3A_315 = arith.subf %sub3A_313, %sub3A_314 : vector<512x128xf32>
    %abs3A_316 = math.absf %sub3A_315 : vector<512x128xf32>
    %slice3A_317 = vector.extract_strided_slice %get3A_7 {offsets = [0, 10], sizes = [512, 1], strides = [1, 1]} : vector<512x16xf32> to vector<512x1xf32>
    %slice3A_318 = vector.extract_strided_slice %get3A_12 {offsets = [10, 256], sizes = [1, 128], strides = [1, 1]} : vector<16x1024xf32> to vector<1x128xf32>
    %sub3A_319 = vector.broadcast %slice3A_317 : vector<512x1xf32> to vector<512x128xf32>
    %sub3A_320 = vector.broadcast %slice3A_318 : vector<1x128xf32> to vector<512x128xf32>
    %sub3A_321 = arith.subf %sub3A_319, %sub3A_320 : vector<512x128xf32>
    %abs3A_322 = math.absf %sub3A_321 : vector<512x128xf32>
    %slice3A_323 = vector.extract_strided_slice %get3A_7 {offsets = [0, 11], sizes = [512, 1], strides = [1, 1]} : vector<512x16xf32> to vector<512x1xf32>
    %slice3A_324 = vector.extract_strided_slice %get3A_12 {offsets = [11, 256], sizes = [1, 128], strides = [1, 1]} : vector<16x1024xf32> to vector<1x128xf32>
    %sub3A_325 = vector.broadcast %slice3A_323 : vector<512x1xf32> to vector<512x128xf32>
    %sub3A_326 = vector.broadcast %slice3A_324 : vector<1x128xf32> to vector<512x128xf32>
    %sub3A_327 = arith.subf %sub3A_325, %sub3A_326 : vector<512x128xf32>
    %abs3A_328 = math.absf %sub3A_327 : vector<512x128xf32>
    %slice3A_329 = vector.extract_strided_slice %get3A_7 {offsets = [0, 12], sizes = [512, 1], strides = [1, 1]} : vector<512x16xf32> to vector<512x1xf32>
    %slice3A_330 = vector.extract_strided_slice %get3A_12 {offsets = [12, 256], sizes = [1, 128], strides = [1, 1]} : vector<16x1024xf32> to vector<1x128xf32>
    %sub3A_331 = vector.broadcast %slice3A_329 : vector<512x1xf32> to vector<512x128xf32>
    %sub3A_332 = vector.broadcast %slice3A_330 : vector<1x128xf32> to vector<512x128xf32>
    %sub3A_333 = arith.subf %sub3A_331, %sub3A_332 : vector<512x128xf32>
    %abs3A_334 = math.absf %sub3A_333 : vector<512x128xf32>
    %slice3A_335 = vector.extract_strided_slice %get3A_7 {offsets = [0, 13], sizes = [512, 1], strides = [1, 1]} : vector<512x16xf32> to vector<512x1xf32>
    %slice3A_336 = vector.extract_strided_slice %get3A_12 {offsets = [13, 256], sizes = [1, 128], strides = [1, 1]} : vector<16x1024xf32> to vector<1x128xf32>
    %sub3A_337 = vector.broadcast %slice3A_335 : vector<512x1xf32> to vector<512x128xf32>
    %sub3A_338 = vector.broadcast %slice3A_336 : vector<1x128xf32> to vector<512x128xf32>
    %sub3A_339 = arith.subf %sub3A_337, %sub3A_338 : vector<512x128xf32>
    %abs3A_340 = math.absf %sub3A_339 : vector<512x128xf32>
    %slice3A_341 = vector.extract_strided_slice %get3A_7 {offsets = [0, 14], sizes = [512, 1], strides = [1, 1]} : vector<512x16xf32> to vector<512x1xf32>
    %slice3A_342 = vector.extract_strided_slice %get3A_12 {offsets = [14, 256], sizes = [1, 128], strides = [1, 1]} : vector<16x1024xf32> to vector<1x128xf32>
    %sub3A_343 = vector.broadcast %slice3A_341 : vector<512x1xf32> to vector<512x128xf32>
    %sub3A_344 = vector.broadcast %slice3A_342 : vector<1x128xf32> to vector<512x128xf32>
    %sub3A_345 = arith.subf %sub3A_343, %sub3A_344 : vector<512x128xf32>
    %abs3A_346 = math.absf %sub3A_345 : vector<512x128xf32>
    %slice3A_347 = vector.extract_strided_slice %get3A_7 {offsets = [0, 15], sizes = [512, 1], strides = [1, 1]} : vector<512x16xf32> to vector<512x1xf32>
    %slice3A_348 = vector.extract_strided_slice %get3A_12 {offsets = [15, 256], sizes = [1, 128], strides = [1, 1]} : vector<16x1024xf32> to vector<1x128xf32>
    %sub3A_349 = vector.broadcast %slice3A_347 : vector<512x1xf32> to vector<512x128xf32>
    %sub3A_350 = vector.broadcast %slice3A_348 : vector<1x128xf32> to vector<512x128xf32>
    %sub3A_351 = arith.subf %sub3A_349, %sub3A_350 : vector<512x128xf32>
    %abs3A_352 = math.absf %sub3A_351 : vector<512x128xf32>
    %add3A_353 = arith.addf %abs3A_262, %abs3A_286 : vector<512x128xf32>
    %add3A_354 = arith.addf %abs3A_274, %abs3A_298 : vector<512x128xf32>
    %add3A_355 = arith.addf %add3A_353, %add3A_354 : vector<512x128xf32>
    %add3A_356 = arith.addf %abs3A_268, %abs3A_292 : vector<512x128xf32>
    %add3A_357 = arith.addf %abs3A_280, %abs3A_304 : vector<512x128xf32>
    %add3A_358 = arith.addf %add3A_356, %add3A_357 : vector<512x128xf32>
    %add3A_359 = arith.addf %add3A_355, %add3A_358 : vector<512x128xf32>
    %add3A_360 = arith.addf %abs3A_310, %abs3A_334 : vector<512x128xf32>
    %add3A_361 = arith.addf %abs3A_322, %abs3A_346 : vector<512x128xf32>
    %add3A_362 = arith.addf %add3A_360, %add3A_361 : vector<512x128xf32>
    %add3A_363 = arith.addf %abs3A_316, %abs3A_340 : vector<512x128xf32>
    %add3A_364 = arith.addf %abs3A_328, %abs3A_352 : vector<512x128xf32>
    %add3A_365 = arith.addf %add3A_363, %add3A_364 : vector<512x128xf32>
    %add3A_366 = arith.addf %add3A_362, %add3A_365 : vector<512x128xf32>
    %add3A_367 = arith.addf %add3A_359, %add3A_366 : vector<512x128xf32>
    %add3A_368 = arith.constant 256 : i32
    %add3A_369 = vector.broadcast %add3A_368 : i32 to vector<512x128xi32>
    %add3A_370 = arith.addi %add3A_369, %iota3A : vector<512x128xi32>
    %lt3A_371 = vector.broadcast %get3A_2 : i32 to vector<512x128xi32>
    %lt3A_372 = arith.cmpi slt, %add3A_370, %lt3A_371 : vector<512x128xi32>
    %and3A_373 = arith.andi %lt3A_16, %lt3A_372 : vector<512x128xi1>
    %jit3A_374 = arith.constant 3.40282347E+38 : f32
    %broadcast_in_dim3A_375 = vector.broadcast %jit3A_374 : f32 to vector<512x128xf32>
    %select_n3A_376 = arith.select %and3A_373, %add3A_367, %broadcast_in_dim3A_375 : vector<512x128xi1>, vector<512x128xf32>
    %eq3A_377 = arith.cmpi eq, %add3A_15, %add3A_370 : vector<512x128xi32>
    %jit3A_378 = arith.constant 0x7F800000 : f32
    %broadcast_in_dim3A_379 = vector.broadcast %jit3A_378 : f32 to vector<512x128xf32>
    %select_n3A_380 = arith.select %eq3A_377, %broadcast_in_dim3A_379, %select_n3A_376 : vector<512x128xi1>, vector<512x128xf32>
    %slice3A_381 = vector.extract_strided_slice %get3A_7 {offsets = [0, 0], sizes = [512, 1], strides = [1, 1]} : vector<512x16xf32> to vector<512x1xf32>
    %slice3A_382 = vector.extract_strided_slice %get3A_12 {offsets = [0, 384], sizes = [1, 128], strides = [1, 1]} : vector<16x1024xf32> to vector<1x128xf32>
    %sub3A_383 = vector.broadcast %slice3A_381 : vector<512x1xf32> to vector<512x128xf32>
    %sub3A_384 = vector.broadcast %slice3A_382 : vector<1x128xf32> to vector<512x128xf32>
    %sub3A_385 = arith.subf %sub3A_383, %sub3A_384 : vector<512x128xf32>
    %abs3A_386 = math.absf %sub3A_385 : vector<512x128xf32>
    %slice3A_387 = vector.extract_strided_slice %get3A_7 {offsets = [0, 1], sizes = [512, 1], strides = [1, 1]} : vector<512x16xf32> to vector<512x1xf32>
    %slice3A_388 = vector.extract_strided_slice %get3A_12 {offsets = [1, 384], sizes = [1, 128], strides = [1, 1]} : vector<16x1024xf32> to vector<1x128xf32>
    %sub3A_389 = vector.broadcast %slice3A_387 : vector<512x1xf32> to vector<512x128xf32>
    %sub3A_390 = vector.broadcast %slice3A_388 : vector<1x128xf32> to vector<512x128xf32>
    %sub3A_391 = arith.subf %sub3A_389, %sub3A_390 : vector<512x128xf32>
    %abs3A_392 = math.absf %sub3A_391 : vector<512x128xf32>
    %slice3A_393 = vector.extract_strided_slice %get3A_7 {offsets = [0, 2], sizes = [512, 1], strides = [1, 1]} : vector<512x16xf32> to vector<512x1xf32>
    %slice3A_394 = vector.extract_strided_slice %get3A_12 {offsets = [2, 384], sizes = [1, 128], strides = [1, 1]} : vector<16x1024xf32> to vector<1x128xf32>
    %sub3A_395 = vector.broadcast %slice3A_393 : vector<512x1xf32> to vector<512x128xf32>
    %sub3A_396 = vector.broadcast %slice3A_394 : vector<1x128xf32> to vector<512x128xf32>
    %sub3A_397 = arith.subf %sub3A_395, %sub3A_396 : vector<512x128xf32>
    %abs3A_398 = math.absf %sub3A_397 : vector<512x128xf32>
    %slice3A_399 = vector.extract_strided_slice %get3A_7 {offsets = [0, 3], sizes = [512, 1], strides = [1, 1]} : vector<512x16xf32> to vector<512x1xf32>
    %slice3A_400 = vector.extract_strided_slice %get3A_12 {offsets = [3, 384], sizes = [1, 128], strides = [1, 1]} : vector<16x1024xf32> to vector<1x128xf32>
    %sub3A_401 = vector.broadcast %slice3A_399 : vector<512x1xf32> to vector<512x128xf32>
    %sub3A_402 = vector.broadcast %slice3A_400 : vector<1x128xf32> to vector<512x128xf32>
    %sub3A_403 = arith.subf %sub3A_401, %sub3A_402 : vector<512x128xf32>
    %abs3A_404 = math.absf %sub3A_403 : vector<512x128xf32>
    %slice3A_405 = vector.extract_strided_slice %get3A_7 {offsets = [0, 4], sizes = [512, 1], strides = [1, 1]} : vector<512x16xf32> to vector<512x1xf32>
    %slice3A_406 = vector.extract_strided_slice %get3A_12 {offsets = [4, 384], sizes = [1, 128], strides = [1, 1]} : vector<16x1024xf32> to vector<1x128xf32>
    %sub3A_407 = vector.broadcast %slice3A_405 : vector<512x1xf32> to vector<512x128xf32>
    %sub3A_408 = vector.broadcast %slice3A_406 : vector<1x128xf32> to vector<512x128xf32>
    %sub3A_409 = arith.subf %sub3A_407, %sub3A_408 : vector<512x128xf32>
    %abs3A_410 = math.absf %sub3A_409 : vector<512x128xf32>
    %slice3A_411 = vector.extract_strided_slice %get3A_7 {offsets = [0, 5], sizes = [512, 1], strides = [1, 1]} : vector<512x16xf32> to vector<512x1xf32>
    %slice3A_412 = vector.extract_strided_slice %get3A_12 {offsets = [5, 384], sizes = [1, 128], strides = [1, 1]} : vector<16x1024xf32> to vector<1x128xf32>
    %sub3A_413 = vector.broadcast %slice3A_411 : vector<512x1xf32> to vector<512x128xf32>
    %sub3A_414 = vector.broadcast %slice3A_412 : vector<1x128xf32> to vector<512x128xf32>
    %sub3A_415 = arith.subf %sub3A_413, %sub3A_414 : vector<512x128xf32>
    %abs3A_416 = math.absf %sub3A_415 : vector<512x128xf32>
    %slice3A_417 = vector.extract_strided_slice %get3A_7 {offsets = [0, 6], sizes = [512, 1], strides = [1, 1]} : vector<512x16xf32> to vector<512x1xf32>
    %slice3A_418 = vector.extract_strided_slice %get3A_12 {offsets = [6, 384], sizes = [1, 128], strides = [1, 1]} : vector<16x1024xf32> to vector<1x128xf32>
    %sub3A_419 = vector.broadcast %slice3A_417 : vector<512x1xf32> to vector<512x128xf32>
    %sub3A_420 = vector.broadcast %slice3A_418 : vector<1x128xf32> to vector<512x128xf32>
    %sub3A_421 = arith.subf %sub3A_419, %sub3A_420 : vector<512x128xf32>
    %abs3A_422 = math.absf %sub3A_421 : vector<512x128xf32>
    %slice3A_423 = vector.extract_strided_slice %get3A_7 {offsets = [0, 7], sizes = [512, 1], strides = [1, 1]} : vector<512x16xf32> to vector<512x1xf32>
    %slice3A_424 = vector.extract_strided_slice %get3A_12 {offsets = [7, 384], sizes = [1, 128], strides = [1, 1]} : vector<16x1024xf32> to vector<1x128xf32>
    %sub3A_425 = vector.broadcast %slice3A_423 : vector<512x1xf32> to vector<512x128xf32>
    %sub3A_426 = vector.broadcast %slice3A_424 : vector<1x128xf32> to vector<512x128xf32>
    %sub3A_427 = arith.subf %sub3A_425, %sub3A_426 : vector<512x128xf32>
    %abs3A_428 = math.absf %sub3A_427 : vector<512x128xf32>
    %slice3A_429 = vector.extract_strided_slice %get3A_7 {offsets = [0, 8], sizes = [512, 1], strides = [1, 1]} : vector<512x16xf32> to vector<512x1xf32>
    %slice3A_430 = vector.extract_strided_slice %get3A_12 {offsets = [8, 384], sizes = [1, 128], strides = [1, 1]} : vector<16x1024xf32> to vector<1x128xf32>
    %sub3A_431 = vector.broadcast %slice3A_429 : vector<512x1xf32> to vector<512x128xf32>
    %sub3A_432 = vector.broadcast %slice3A_430 : vector<1x128xf32> to vector<512x128xf32>
    %sub3A_433 = arith.subf %sub3A_431, %sub3A_432 : vector<512x128xf32>
    %abs3A_434 = math.absf %sub3A_433 : vector<512x128xf32>
    %slice3A_435 = vector.extract_strided_slice %get3A_7 {offsets = [0, 9], sizes = [512, 1], strides = [1, 1]} : vector<512x16xf32> to vector<512x1xf32>
    %slice3A_436 = vector.extract_strided_slice %get3A_12 {offsets = [9, 384], sizes = [1, 128], strides = [1, 1]} : vector<16x1024xf32> to vector<1x128xf32>
    %sub3A_437 = vector.broadcast %slice3A_435 : vector<512x1xf32> to vector<512x128xf32>
    %sub3A_438 = vector.broadcast %slice3A_436 : vector<1x128xf32> to vector<512x128xf32>
    %sub3A_439 = arith.subf %sub3A_437, %sub3A_438 : vector<512x128xf32>
    %abs3A_440 = math.absf %sub3A_439 : vector<512x128xf32>
    %slice3A_441 = vector.extract_strided_slice %get3A_7 {offsets = [0, 10], sizes = [512, 1], strides = [1, 1]} : vector<512x16xf32> to vector<512x1xf32>
    %slice3A_442 = vector.extract_strided_slice %get3A_12 {offsets = [10, 384], sizes = [1, 128], strides = [1, 1]} : vector<16x1024xf32> to vector<1x128xf32>
    %sub3A_443 = vector.broadcast %slice3A_441 : vector<512x1xf32> to vector<512x128xf32>
    %sub3A_444 = vector.broadcast %slice3A_442 : vector<1x128xf32> to vector<512x128xf32>
    %sub3A_445 = arith.subf %sub3A_443, %sub3A_444 : vector<512x128xf32>
    %abs3A_446 = math.absf %sub3A_445 : vector<512x128xf32>
    %slice3A_447 = vector.extract_strided_slice %get3A_7 {offsets = [0, 11], sizes = [512, 1], strides = [1, 1]} : vector<512x16xf32> to vector<512x1xf32>
    %slice3A_448 = vector.extract_strided_slice %get3A_12 {offsets = [11, 384], sizes = [1, 128], strides = [1, 1]} : vector<16x1024xf32> to vector<1x128xf32>
    %sub3A_449 = vector.broadcast %slice3A_447 : vector<512x1xf32> to vector<512x128xf32>
    %sub3A_450 = vector.broadcast %slice3A_448 : vector<1x128xf32> to vector<512x128xf32>
    %sub3A_451 = arith.subf %sub3A_449, %sub3A_450 : vector<512x128xf32>
    %abs3A_452 = math.absf %sub3A_451 : vector<512x128xf32>
    %slice3A_453 = vector.extract_strided_slice %get3A_7 {offsets = [0, 12], sizes = [512, 1], strides = [1, 1]} : vector<512x16xf32> to vector<512x1xf32>
    %slice3A_454 = vector.extract_strided_slice %get3A_12 {offsets = [12, 384], sizes = [1, 128], strides = [1, 1]} : vector<16x1024xf32> to vector<1x128xf32>
    %sub3A_455 = vector.broadcast %slice3A_453 : vector<512x1xf32> to vector<512x128xf32>
    %sub3A_456 = vector.broadcast %slice3A_454 : vector<1x128xf32> to vector<512x128xf32>
    %sub3A_457 = arith.subf %sub3A_455, %sub3A_456 : vector<512x128xf32>
    %abs3A_458 = math.absf %sub3A_457 : vector<512x128xf32>
    %slice3A_459 = vector.extract_strided_slice %get3A_7 {offsets = [0, 13], sizes = [512, 1], strides = [1, 1]} : vector<512x16xf32> to vector<512x1xf32>
    %slice3A_460 = vector.extract_strided_slice %get3A_12 {offsets = [13, 384], sizes = [1, 128], strides = [1, 1]} : vector<16x1024xf32> to vector<1x128xf32>
    %sub3A_461 = vector.broadcast %slice3A_459 : vector<512x1xf32> to vector<512x128xf32>
    %sub3A_462 = vector.broadcast %slice3A_460 : vector<1x128xf32> to vector<512x128xf32>
    %sub3A_463 = arith.subf %sub3A_461, %sub3A_462 : vector<512x128xf32>
    %abs3A_464 = math.absf %sub3A_463 : vector<512x128xf32>
    %slice3A_465 = vector.extract_strided_slice %get3A_7 {offsets = [0, 14], sizes = [512, 1], strides = [1, 1]} : vector<512x16xf32> to vector<512x1xf32>
    %slice3A_466 = vector.extract_strided_slice %get3A_12 {offsets = [14, 384], sizes = [1, 128], strides = [1, 1]} : vector<16x1024xf32> to vector<1x128xf32>
    %sub3A_467 = vector.broadcast %slice3A_465 : vector<512x1xf32> to vector<512x128xf32>
    %sub3A_468 = vector.broadcast %slice3A_466 : vector<1x128xf32> to vector<512x128xf32>
    %sub3A_469 = arith.subf %sub3A_467, %sub3A_468 : vector<512x128xf32>
    %abs3A_470 = math.absf %sub3A_469 : vector<512x128xf32>
    %slice3A_471 = vector.extract_strided_slice %get3A_7 {offsets = [0, 15], sizes = [512, 1], strides = [1, 1]} : vector<512x16xf32> to vector<512x1xf32>
    %slice3A_472 = vector.extract_strided_slice %get3A_12 {offsets = [15, 384], sizes = [1, 128], strides = [1, 1]} : vector<16x1024xf32> to vector<1x128xf32>
    %sub3A_473 = vector.broadcast %slice3A_471 : vector<512x1xf32> to vector<512x128xf32>
    %sub3A_474 = vector.broadcast %slice3A_472 : vector<1x128xf32> to vector<512x128xf32>
    %sub3A_475 = arith.subf %sub3A_473, %sub3A_474 : vector<512x128xf32>
    %abs3A_476 = math.absf %sub3A_475 : vector<512x128xf32>
    %add3A_477 = arith.addf %abs3A_386, %abs3A_410 : vector<512x128xf32>
    %add3A_478 = arith.addf %abs3A_398, %abs3A_422 : vector<512x128xf32>
    %add3A_479 = arith.addf %add3A_477, %add3A_478 : vector<512x128xf32>
    %add3A_480 = arith.addf %abs3A_392, %abs3A_416 : vector<512x128xf32>
    %add3A_481 = arith.addf %abs3A_404, %abs3A_428 : vector<512x128xf32>
    %add3A_482 = arith.addf %add3A_480, %add3A_481 : vector<512x128xf32>
    %add3A_483 = arith.addf %add3A_479, %add3A_482 : vector<512x128xf32>
    %add3A_484 = arith.addf %abs3A_434, %abs3A_458 : vector<512x128xf32>
    %add3A_485 = arith.addf %abs3A_446, %abs3A_470 : vector<512x128xf32>
    %add3A_486 = arith.addf %add3A_484, %add3A_485 : vector<512x128xf32>
    %add3A_487 = arith.addf %abs3A_440, %abs3A_464 : vector<512x128xf32>
    %add3A_488 = arith.addf %abs3A_452, %abs3A_476 : vector<512x128xf32>
    %add3A_489 = arith.addf %add3A_487, %add3A_488 : vector<512x128xf32>
    %add3A_490 = arith.addf %add3A_486, %add3A_489 : vector<512x128xf32>
    %add3A_491 = arith.addf %add3A_483, %add3A_490 : vector<512x128xf32>
    %add3A_492 = arith.constant 384 : i32
    %add3A_493 = vector.broadcast %add3A_492 : i32 to vector<512x128xi32>
    %add3A_494 = arith.addi %add3A_493, %iota3A : vector<512x128xi32>
    %lt3A_495 = vector.broadcast %get3A_2 : i32 to vector<512x128xi32>
    %lt3A_496 = arith.cmpi slt, %add3A_494, %lt3A_495 : vector<512x128xi32>
    %and3A_497 = arith.andi %lt3A_16, %lt3A_496 : vector<512x128xi1>
    %jit3A_498 = arith.constant 3.40282347E+38 : f32
    %broadcast_in_dim3A_499 = vector.broadcast %jit3A_498 : f32 to vector<512x128xf32>
    %select_n3A_500 = arith.select %and3A_497, %add3A_491, %broadcast_in_dim3A_499 : vector<512x128xi1>, vector<512x128xf32>
    %eq3A_501 = arith.cmpi eq, %add3A_15, %add3A_494 : vector<512x128xi32>
    %jit3A_502 = arith.constant 0x7F800000 : f32
    %broadcast_in_dim3A_503 = vector.broadcast %jit3A_502 : f32 to vector<512x128xf32>
    %select_n3A_504 = arith.select %eq3A_501, %broadcast_in_dim3A_503, %select_n3A_500 : vector<512x128xi1>, vector<512x128xf32>
    %slice3A_505 = vector.extract_strided_slice %get3A_7 {offsets = [0, 0], sizes = [512, 1], strides = [1, 1]} : vector<512x16xf32> to vector<512x1xf32>
    %slice3A_506 = vector.extract_strided_slice %get3A_12 {offsets = [0, 512], sizes = [1, 128], strides = [1, 1]} : vector<16x1024xf32> to vector<1x128xf32>
    %sub3A_507 = vector.broadcast %slice3A_505 : vector<512x1xf32> to vector<512x128xf32>
    %sub3A_508 = vector.broadcast %slice3A_506 : vector<1x128xf32> to vector<512x128xf32>
    %sub3A_509 = arith.subf %sub3A_507, %sub3A_508 : vector<512x128xf32>
    %abs3A_510 = math.absf %sub3A_509 : vector<512x128xf32>
    %slice3A_511 = vector.extract_strided_slice %get3A_7 {offsets = [0, 1], sizes = [512, 1], strides = [1, 1]} : vector<512x16xf32> to vector<512x1xf32>
    %slice3A_512 = vector.extract_strided_slice %get3A_12 {offsets = [1, 512], sizes = [1, 128], strides = [1, 1]} : vector<16x1024xf32> to vector<1x128xf32>
    %sub3A_513 = vector.broadcast %slice3A_511 : vector<512x1xf32> to vector<512x128xf32>
    %sub3A_514 = vector.broadcast %slice3A_512 : vector<1x128xf32> to vector<512x128xf32>
    %sub3A_515 = arith.subf %sub3A_513, %sub3A_514 : vector<512x128xf32>
    %abs3A_516 = math.absf %sub3A_515 : vector<512x128xf32>
    %slice3A_517 = vector.extract_strided_slice %get3A_7 {offsets = [0, 2], sizes = [512, 1], strides = [1, 1]} : vector<512x16xf32> to vector<512x1xf32>
    %slice3A_518 = vector.extract_strided_slice %get3A_12 {offsets = [2, 512], sizes = [1, 128], strides = [1, 1]} : vector<16x1024xf32> to vector<1x128xf32>
    %sub3A_519 = vector.broadcast %slice3A_517 : vector<512x1xf32> to vector<512x128xf32>
    %sub3A_520 = vector.broadcast %slice3A_518 : vector<1x128xf32> to vector<512x128xf32>
    %sub3A_521 = arith.subf %sub3A_519, %sub3A_520 : vector<512x128xf32>
    %abs3A_522 = math.absf %sub3A_521 : vector<512x128xf32>
    %slice3A_523 = vector.extract_strided_slice %get3A_7 {offsets = [0, 3], sizes = [512, 1], strides = [1, 1]} : vector<512x16xf32> to vector<512x1xf32>
    %slice3A_524 = vector.extract_strided_slice %get3A_12 {offsets = [3, 512], sizes = [1, 128], strides = [1, 1]} : vector<16x1024xf32> to vector<1x128xf32>
    %sub3A_525 = vector.broadcast %slice3A_523 : vector<512x1xf32> to vector<512x128xf32>
    %sub3A_526 = vector.broadcast %slice3A_524 : vector<1x128xf32> to vector<512x128xf32>
    %sub3A_527 = arith.subf %sub3A_525, %sub3A_526 : vector<512x128xf32>
    %abs3A_528 = math.absf %sub3A_527 : vector<512x128xf32>
    %slice3A_529 = vector.extract_strided_slice %get3A_7 {offsets = [0, 4], sizes = [512, 1], strides = [1, 1]} : vector<512x16xf32> to vector<512x1xf32>
    %slice3A_530 = vector.extract_strided_slice %get3A_12 {offsets = [4, 512], sizes = [1, 128], strides = [1, 1]} : vector<16x1024xf32> to vector<1x128xf32>
    %sub3A_531 = vector.broadcast %slice3A_529 : vector<512x1xf32> to vector<512x128xf32>
    %sub3A_532 = vector.broadcast %slice3A_530 : vector<1x128xf32> to vector<512x128xf32>
    %sub3A_533 = arith.subf %sub3A_531, %sub3A_532 : vector<512x128xf32>
    %abs3A_534 = math.absf %sub3A_533 : vector<512x128xf32>
    %slice3A_535 = vector.extract_strided_slice %get3A_7 {offsets = [0, 5], sizes = [512, 1], strides = [1, 1]} : vector<512x16xf32> to vector<512x1xf32>
    %slice3A_536 = vector.extract_strided_slice %get3A_12 {offsets = [5, 512], sizes = [1, 128], strides = [1, 1]} : vector<16x1024xf32> to vector<1x128xf32>
    %sub3A_537 = vector.broadcast %slice3A_535 : vector<512x1xf32> to vector<512x128xf32>
    %sub3A_538 = vector.broadcast %slice3A_536 : vector<1x128xf32> to vector<512x128xf32>
    %sub3A_539 = arith.subf %sub3A_537, %sub3A_538 : vector<512x128xf32>
    %abs3A_540 = math.absf %sub3A_539 : vector<512x128xf32>
    %slice3A_541 = vector.extract_strided_slice %get3A_7 {offsets = [0, 6], sizes = [512, 1], strides = [1, 1]} : vector<512x16xf32> to vector<512x1xf32>
    %slice3A_542 = vector.extract_strided_slice %get3A_12 {offsets = [6, 512], sizes = [1, 128], strides = [1, 1]} : vector<16x1024xf32> to vector<1x128xf32>
    %sub3A_543 = vector.broadcast %slice3A_541 : vector<512x1xf32> to vector<512x128xf32>
    %sub3A_544 = vector.broadcast %slice3A_542 : vector<1x128xf32> to vector<512x128xf32>
    %sub3A_545 = arith.subf %sub3A_543, %sub3A_544 : vector<512x128xf32>
    %abs3A_546 = math.absf %sub3A_545 : vector<512x128xf32>
    %slice3A_547 = vector.extract_strided_slice %get3A_7 {offsets = [0, 7], sizes = [512, 1], strides = [1, 1]} : vector<512x16xf32> to vector<512x1xf32>
    %slice3A_548 = vector.extract_strided_slice %get3A_12 {offsets = [7, 512], sizes = [1, 128], strides = [1, 1]} : vector<16x1024xf32> to vector<1x128xf32>
    %sub3A_549 = vector.broadcast %slice3A_547 : vector<512x1xf32> to vector<512x128xf32>
    %sub3A_550 = vector.broadcast %slice3A_548 : vector<1x128xf32> to vector<512x128xf32>
    %sub3A_551 = arith.subf %sub3A_549, %sub3A_550 : vector<512x128xf32>
    %abs3A_552 = math.absf %sub3A_551 : vector<512x128xf32>
    %slice3A_553 = vector.extract_strided_slice %get3A_7 {offsets = [0, 8], sizes = [512, 1], strides = [1, 1]} : vector<512x16xf32> to vector<512x1xf32>
    %slice3A_554 = vector.extract_strided_slice %get3A_12 {offsets = [8, 512], sizes = [1, 128], strides = [1, 1]} : vector<16x1024xf32> to vector<1x128xf32>
    %sub3A_555 = vector.broadcast %slice3A_553 : vector<512x1xf32> to vector<512x128xf32>
    %sub3A_556 = vector.broadcast %slice3A_554 : vector<1x128xf32> to vector<512x128xf32>
    %sub3A_557 = arith.subf %sub3A_555, %sub3A_556 : vector<512x128xf32>
    %abs3A_558 = math.absf %sub3A_557 : vector<512x128xf32>
    %slice3A_559 = vector.extract_strided_slice %get3A_7 {offsets = [0, 9], sizes = [512, 1], strides = [1, 1]} : vector<512x16xf32> to vector<512x1xf32>
    %slice3A_560 = vector.extract_strided_slice %get3A_12 {offsets = [9, 512], sizes = [1, 128], strides = [1, 1]} : vector<16x1024xf32> to vector<1x128xf32>
    %sub3A_561 = vector.broadcast %slice3A_559 : vector<512x1xf32> to vector<512x128xf32>
    %sub3A_562 = vector.broadcast %slice3A_560 : vector<1x128xf32> to vector<512x128xf32>
    %sub3A_563 = arith.subf %sub3A_561, %sub3A_562 : vector<512x128xf32>
    %abs3A_564 = math.absf %sub3A_563 : vector<512x128xf32>
    %slice3A_565 = vector.extract_strided_slice %get3A_7 {offsets = [0, 10], sizes = [512, 1], strides = [1, 1]} : vector<512x16xf32> to vector<512x1xf32>
    %slice3A_566 = vector.extract_strided_slice %get3A_12 {offsets = [10, 512], sizes = [1, 128], strides = [1, 1]} : vector<16x1024xf32> to vector<1x128xf32>
    %sub3A_567 = vector.broadcast %slice3A_565 : vector<512x1xf32> to vector<512x128xf32>
    %sub3A_568 = vector.broadcast %slice3A_566 : vector<1x128xf32> to vector<512x128xf32>
    %sub3A_569 = arith.subf %sub3A_567, %sub3A_568 : vector<512x128xf32>
    %abs3A_570 = math.absf %sub3A_569 : vector<512x128xf32>
    %slice3A_571 = vector.extract_strided_slice %get3A_7 {offsets = [0, 11], sizes = [512, 1], strides = [1, 1]} : vector<512x16xf32> to vector<512x1xf32>
    %slice3A_572 = vector.extract_strided_slice %get3A_12 {offsets = [11, 512], sizes = [1, 128], strides = [1, 1]} : vector<16x1024xf32> to vector<1x128xf32>
    %sub3A_573 = vector.broadcast %slice3A_571 : vector<512x1xf32> to vector<512x128xf32>
    %sub3A_574 = vector.broadcast %slice3A_572 : vector<1x128xf32> to vector<512x128xf32>
    %sub3A_575 = arith.subf %sub3A_573, %sub3A_574 : vector<512x128xf32>
    %abs3A_576 = math.absf %sub3A_575 : vector<512x128xf32>
    %slice3A_577 = vector.extract_strided_slice %get3A_7 {offsets = [0, 12], sizes = [512, 1], strides = [1, 1]} : vector<512x16xf32> to vector<512x1xf32>
    %slice3A_578 = vector.extract_strided_slice %get3A_12 {offsets = [12, 512], sizes = [1, 128], strides = [1, 1]} : vector<16x1024xf32> to vector<1x128xf32>
    %sub3A_579 = vector.broadcast %slice3A_577 : vector<512x1xf32> to vector<512x128xf32>
    %sub3A_580 = vector.broadcast %slice3A_578 : vector<1x128xf32> to vector<512x128xf32>
    %sub3A_581 = arith.subf %sub3A_579, %sub3A_580 : vector<512x128xf32>
    %abs3A_582 = math.absf %sub3A_581 : vector<512x128xf32>
    %slice3A_583 = vector.extract_strided_slice %get3A_7 {offsets = [0, 13], sizes = [512, 1], strides = [1, 1]} : vector<512x16xf32> to vector<512x1xf32>
    %slice3A_584 = vector.extract_strided_slice %get3A_12 {offsets = [13, 512], sizes = [1, 128], strides = [1, 1]} : vector<16x1024xf32> to vector<1x128xf32>
    %sub3A_585 = vector.broadcast %slice3A_583 : vector<512x1xf32> to vector<512x128xf32>
    %sub3A_586 = vector.broadcast %slice3A_584 : vector<1x128xf32> to vector<512x128xf32>
    %sub3A_587 = arith.subf %sub3A_585, %sub3A_586 : vector<512x128xf32>
    %abs3A_588 = math.absf %sub3A_587 : vector<512x128xf32>
    %slice3A_589 = vector.extract_strided_slice %get3A_7 {offsets = [0, 14], sizes = [512, 1], strides = [1, 1]} : vector<512x16xf32> to vector<512x1xf32>
    %slice3A_590 = vector.extract_strided_slice %get3A_12 {offsets = [14, 512], sizes = [1, 128], strides = [1, 1]} : vector<16x1024xf32> to vector<1x128xf32>
    %sub3A_591 = vector.broadcast %slice3A_589 : vector<512x1xf32> to vector<512x128xf32>
    %sub3A_592 = vector.broadcast %slice3A_590 : vector<1x128xf32> to vector<512x128xf32>
    %sub3A_593 = arith.subf %sub3A_591, %sub3A_592 : vector<512x128xf32>
    %abs3A_594 = math.absf %sub3A_593 : vector<512x128xf32>
    %slice3A_595 = vector.extract_strided_slice %get3A_7 {offsets = [0, 15], sizes = [512, 1], strides = [1, 1]} : vector<512x16xf32> to vector<512x1xf32>
    %slice3A_596 = vector.extract_strided_slice %get3A_12 {offsets = [15, 512], sizes = [1, 128], strides = [1, 1]} : vector<16x1024xf32> to vector<1x128xf32>
    %sub3A_597 = vector.broadcast %slice3A_595 : vector<512x1xf32> to vector<512x128xf32>
    %sub3A_598 = vector.broadcast %slice3A_596 : vector<1x128xf32> to vector<512x128xf32>
    %sub3A_599 = arith.subf %sub3A_597, %sub3A_598 : vector<512x128xf32>
    %abs3A_600 = math.absf %sub3A_599 : vector<512x128xf32>
    %add3A_601 = arith.addf %abs3A_510, %abs3A_534 : vector<512x128xf32>
    %add3A_602 = arith.addf %abs3A_522, %abs3A_546 : vector<512x128xf32>
    %add3A_603 = arith.addf %add3A_601, %add3A_602 : vector<512x128xf32>
    %add3A_604 = arith.addf %abs3A_516, %abs3A_540 : vector<512x128xf32>
    %add3A_605 = arith.addf %abs3A_528, %abs3A_552 : vector<512x128xf32>
    %add3A_606 = arith.addf %add3A_604, %add3A_605 : vector<512x128xf32>
    %add3A_607 = arith.addf %add3A_603, %add3A_606 : vector<512x128xf32>
    %add3A_608 = arith.addf %abs3A_558, %abs3A_582 : vector<512x128xf32>
    %add3A_609 = arith.addf %abs3A_570, %abs3A_594 : vector<512x128xf32>
    %add3A_610 = arith.addf %add3A_608, %add3A_609 : vector<512x128xf32>
    %add3A_611 = arith.addf %abs3A_564, %abs3A_588 : vector<512x128xf32>
    %add3A_612 = arith.addf %abs3A_576, %abs3A_600 : vector<512x128xf32>
    %add3A_613 = arith.addf %add3A_611, %add3A_612 : vector<512x128xf32>
    %add3A_614 = arith.addf %add3A_610, %add3A_613 : vector<512x128xf32>
    %add3A_615 = arith.addf %add3A_607, %add3A_614 : vector<512x128xf32>
    %add3A_616 = arith.constant 512 : i32
    %add3A_617 = vector.broadcast %add3A_616 : i32 to vector<512x128xi32>
    %add3A_618 = arith.addi %add3A_617, %iota3A : vector<512x128xi32>
    %lt3A_619 = vector.broadcast %get3A_2 : i32 to vector<512x128xi32>
    %lt3A_620 = arith.cmpi slt, %add3A_618, %lt3A_619 : vector<512x128xi32>
    %and3A_621 = arith.andi %lt3A_16, %lt3A_620 : vector<512x128xi1>
    %jit3A_622 = arith.constant 3.40282347E+38 : f32
    %broadcast_in_dim3A_623 = vector.broadcast %jit3A_622 : f32 to vector<512x128xf32>
    %select_n3A_624 = arith.select %and3A_621, %add3A_615, %broadcast_in_dim3A_623 : vector<512x128xi1>, vector<512x128xf32>
    %eq3A_625 = arith.cmpi eq, %add3A_15, %add3A_618 : vector<512x128xi32>
    %jit3A_626 = arith.constant 0x7F800000 : f32
    %broadcast_in_dim3A_627 = vector.broadcast %jit3A_626 : f32 to vector<512x128xf32>
    %select_n3A_628 = arith.select %eq3A_625, %broadcast_in_dim3A_627, %select_n3A_624 : vector<512x128xi1>, vector<512x128xf32>
    %slice3A_629 = vector.extract_strided_slice %get3A_7 {offsets = [0, 0], sizes = [512, 1], strides = [1, 1]} : vector<512x16xf32> to vector<512x1xf32>
    %slice3A_630 = vector.extract_strided_slice %get3A_12 {offsets = [0, 640], sizes = [1, 128], strides = [1, 1]} : vector<16x1024xf32> to vector<1x128xf32>
    %sub3A_631 = vector.broadcast %slice3A_629 : vector<512x1xf32> to vector<512x128xf32>
    %sub3A_632 = vector.broadcast %slice3A_630 : vector<1x128xf32> to vector<512x128xf32>
    %sub3A_633 = arith.subf %sub3A_631, %sub3A_632 : vector<512x128xf32>
    %abs3A_634 = math.absf %sub3A_633 : vector<512x128xf32>
    %slice3A_635 = vector.extract_strided_slice %get3A_7 {offsets = [0, 1], sizes = [512, 1], strides = [1, 1]} : vector<512x16xf32> to vector<512x1xf32>
    %slice3A_636 = vector.extract_strided_slice %get3A_12 {offsets = [1, 640], sizes = [1, 128], strides = [1, 1]} : vector<16x1024xf32> to vector<1x128xf32>
    %sub3A_637 = vector.broadcast %slice3A_635 : vector<512x1xf32> to vector<512x128xf32>
    %sub3A_638 = vector.broadcast %slice3A_636 : vector<1x128xf32> to vector<512x128xf32>
    %sub3A_639 = arith.subf %sub3A_637, %sub3A_638 : vector<512x128xf32>
    %abs3A_640 = math.absf %sub3A_639 : vector<512x128xf32>
    %slice3A_641 = vector.extract_strided_slice %get3A_7 {offsets = [0, 2], sizes = [512, 1], strides = [1, 1]} : vector<512x16xf32> to vector<512x1xf32>
    %slice3A_642 = vector.extract_strided_slice %get3A_12 {offsets = [2, 640], sizes = [1, 128], strides = [1, 1]} : vector<16x1024xf32> to vector<1x128xf32>
    %sub3A_643 = vector.broadcast %slice3A_641 : vector<512x1xf32> to vector<512x128xf32>
    %sub3A_644 = vector.broadcast %slice3A_642 : vector<1x128xf32> to vector<512x128xf32>
    %sub3A_645 = arith.subf %sub3A_643, %sub3A_644 : vector<512x128xf32>
    %abs3A_646 = math.absf %sub3A_645 : vector<512x128xf32>
    %slice3A_647 = vector.extract_strided_slice %get3A_7 {offsets = [0, 3], sizes = [512, 1], strides = [1, 1]} : vector<512x16xf32> to vector<512x1xf32>
    %slice3A_648 = vector.extract_strided_slice %get3A_12 {offsets = [3, 640], sizes = [1, 128], strides = [1, 1]} : vector<16x1024xf32> to vector<1x128xf32>
    %sub3A_649 = vector.broadcast %slice3A_647 : vector<512x1xf32> to vector<512x128xf32>
    %sub3A_650 = vector.broadcast %slice3A_648 : vector<1x128xf32> to vector<512x128xf32>
    %sub3A_651 = arith.subf %sub3A_649, %sub3A_650 : vector<512x128xf32>
    %abs3A_652 = math.absf %sub3A_651 : vector<512x128xf32>
    %slice3A_653 = vector.extract_strided_slice %get3A_7 {offsets = [0, 4], sizes = [512, 1], strides = [1, 1]} : vector<512x16xf32> to vector<512x1xf32>
    %slice3A_654 = vector.extract_strided_slice %get3A_12 {offsets = [4, 640], sizes = [1, 128], strides = [1, 1]} : vector<16x1024xf32> to vector<1x128xf32>
    %sub3A_655 = vector.broadcast %slice3A_653 : vector<512x1xf32> to vector<512x128xf32>
    %sub3A_656 = vector.broadcast %slice3A_654 : vector<1x128xf32> to vector<512x128xf32>
    %sub3A_657 = arith.subf %sub3A_655, %sub3A_656 : vector<512x128xf32>
    %abs3A_658 = math.absf %sub3A_657 : vector<512x128xf32>
    %slice3A_659 = vector.extract_strided_slice %get3A_7 {offsets = [0, 5], sizes = [512, 1], strides = [1, 1]} : vector<512x16xf32> to vector<512x1xf32>
    %slice3A_660 = vector.extract_strided_slice %get3A_12 {offsets = [5, 640], sizes = [1, 128], strides = [1, 1]} : vector<16x1024xf32> to vector<1x128xf32>
    %sub3A_661 = vector.broadcast %slice3A_659 : vector<512x1xf32> to vector<512x128xf32>
    %sub3A_662 = vector.broadcast %slice3A_660 : vector<1x128xf32> to vector<512x128xf32>
    %sub3A_663 = arith.subf %sub3A_661, %sub3A_662 : vector<512x128xf32>
    %abs3A_664 = math.absf %sub3A_663 : vector<512x128xf32>
    %slice3A_665 = vector.extract_strided_slice %get3A_7 {offsets = [0, 6], sizes = [512, 1], strides = [1, 1]} : vector<512x16xf32> to vector<512x1xf32>
    %slice3A_666 = vector.extract_strided_slice %get3A_12 {offsets = [6, 640], sizes = [1, 128], strides = [1, 1]} : vector<16x1024xf32> to vector<1x128xf32>
    %sub3A_667 = vector.broadcast %slice3A_665 : vector<512x1xf32> to vector<512x128xf32>
    %sub3A_668 = vector.broadcast %slice3A_666 : vector<1x128xf32> to vector<512x128xf32>
    %sub3A_669 = arith.subf %sub3A_667, %sub3A_668 : vector<512x128xf32>
    %abs3A_670 = math.absf %sub3A_669 : vector<512x128xf32>
    %slice3A_671 = vector.extract_strided_slice %get3A_7 {offsets = [0, 7], sizes = [512, 1], strides = [1, 1]} : vector<512x16xf32> to vector<512x1xf32>
    %slice3A_672 = vector.extract_strided_slice %get3A_12 {offsets = [7, 640], sizes = [1, 128], strides = [1, 1]} : vector<16x1024xf32> to vector<1x128xf32>
    %sub3A_673 = vector.broadcast %slice3A_671 : vector<512x1xf32> to vector<512x128xf32>
    %sub3A_674 = vector.broadcast %slice3A_672 : vector<1x128xf32> to vector<512x128xf32>
    %sub3A_675 = arith.subf %sub3A_673, %sub3A_674 : vector<512x128xf32>
    %abs3A_676 = math.absf %sub3A_675 : vector<512x128xf32>
    %slice3A_677 = vector.extract_strided_slice %get3A_7 {offsets = [0, 8], sizes = [512, 1], strides = [1, 1]} : vector<512x16xf32> to vector<512x1xf32>
    %slice3A_678 = vector.extract_strided_slice %get3A_12 {offsets = [8, 640], sizes = [1, 128], strides = [1, 1]} : vector<16x1024xf32> to vector<1x128xf32>
    %sub3A_679 = vector.broadcast %slice3A_677 : vector<512x1xf32> to vector<512x128xf32>
    %sub3A_680 = vector.broadcast %slice3A_678 : vector<1x128xf32> to vector<512x128xf32>
    %sub3A_681 = arith.subf %sub3A_679, %sub3A_680 : vector<512x128xf32>
    %abs3A_682 = math.absf %sub3A_681 : vector<512x128xf32>
    %slice3A_683 = vector.extract_strided_slice %get3A_7 {offsets = [0, 9], sizes = [512, 1], strides = [1, 1]} : vector<512x16xf32> to vector<512x1xf32>
    %slice3A_684 = vector.extract_strided_slice %get3A_12 {offsets = [9, 640], sizes = [1, 128], strides = [1, 1]} : vector<16x1024xf32> to vector<1x128xf32>
    %sub3A_685 = vector.broadcast %slice3A_683 : vector<512x1xf32> to vector<512x128xf32>
    %sub3A_686 = vector.broadcast %slice3A_684 : vector<1x128xf32> to vector<512x128xf32>
    %sub3A_687 = arith.subf %sub3A_685, %sub3A_686 : vector<512x128xf32>
    %abs3A_688 = math.absf %sub3A_687 : vector<512x128xf32>
    %slice3A_689 = vector.extract_strided_slice %get3A_7 {offsets = [0, 10], sizes = [512, 1], strides = [1, 1]} : vector<512x16xf32> to vector<512x1xf32>
    %slice3A_690 = vector.extract_strided_slice %get3A_12 {offsets = [10, 640], sizes = [1, 128], strides = [1, 1]} : vector<16x1024xf32> to vector<1x128xf32>
    %sub3A_691 = vector.broadcast %slice3A_689 : vector<512x1xf32> to vector<512x128xf32>
    %sub3A_692 = vector.broadcast %slice3A_690 : vector<1x128xf32> to vector<512x128xf32>
    %sub3A_693 = arith.subf %sub3A_691, %sub3A_692 : vector<512x128xf32>
    %abs3A_694 = math.absf %sub3A_693 : vector<512x128xf32>
    %slice3A_695 = vector.extract_strided_slice %get3A_7 {offsets = [0, 11], sizes = [512, 1], strides = [1, 1]} : vector<512x16xf32> to vector<512x1xf32>
    %slice3A_696 = vector.extract_strided_slice %get3A_12 {offsets = [11, 640], sizes = [1, 128], strides = [1, 1]} : vector<16x1024xf32> to vector<1x128xf32>
    %sub3A_697 = vector.broadcast %slice3A_695 : vector<512x1xf32> to vector<512x128xf32>
    %sub3A_698 = vector.broadcast %slice3A_696 : vector<1x128xf32> to vector<512x128xf32>
    %sub3A_699 = arith.subf %sub3A_697, %sub3A_698 : vector<512x128xf32>
    %abs3A_700 = math.absf %sub3A_699 : vector<512x128xf32>
    %slice3A_701 = vector.extract_strided_slice %get3A_7 {offsets = [0, 12], sizes = [512, 1], strides = [1, 1]} : vector<512x16xf32> to vector<512x1xf32>
    %slice3A_702 = vector.extract_strided_slice %get3A_12 {offsets = [12, 640], sizes = [1, 128], strides = [1, 1]} : vector<16x1024xf32> to vector<1x128xf32>
    %sub3A_703 = vector.broadcast %slice3A_701 : vector<512x1xf32> to vector<512x128xf32>
    %sub3A_704 = vector.broadcast %slice3A_702 : vector<1x128xf32> to vector<512x128xf32>
    %sub3A_705 = arith.subf %sub3A_703, %sub3A_704 : vector<512x128xf32>
    %abs3A_706 = math.absf %sub3A_705 : vector<512x128xf32>
    %slice3A_707 = vector.extract_strided_slice %get3A_7 {offsets = [0, 13], sizes = [512, 1], strides = [1, 1]} : vector<512x16xf32> to vector<512x1xf32>
    %slice3A_708 = vector.extract_strided_slice %get3A_12 {offsets = [13, 640], sizes = [1, 128], strides = [1, 1]} : vector<16x1024xf32> to vector<1x128xf32>
    %sub3A_709 = vector.broadcast %slice3A_707 : vector<512x1xf32> to vector<512x128xf32>
    %sub3A_710 = vector.broadcast %slice3A_708 : vector<1x128xf32> to vector<512x128xf32>
    %sub3A_711 = arith.subf %sub3A_709, %sub3A_710 : vector<512x128xf32>
    %abs3A_712 = math.absf %sub3A_711 : vector<512x128xf32>
    %slice3A_713 = vector.extract_strided_slice %get3A_7 {offsets = [0, 14], sizes = [512, 1], strides = [1, 1]} : vector<512x16xf32> to vector<512x1xf32>
    %slice3A_714 = vector.extract_strided_slice %get3A_12 {offsets = [14, 640], sizes = [1, 128], strides = [1, 1]} : vector<16x1024xf32> to vector<1x128xf32>
    %sub3A_715 = vector.broadcast %slice3A_713 : vector<512x1xf32> to vector<512x128xf32>
    %sub3A_716 = vector.broadcast %slice3A_714 : vector<1x128xf32> to vector<512x128xf32>
    %sub3A_717 = arith.subf %sub3A_715, %sub3A_716 : vector<512x128xf32>
    %abs3A_718 = math.absf %sub3A_717 : vector<512x128xf32>
    %slice3A_719 = vector.extract_strided_slice %get3A_7 {offsets = [0, 15], sizes = [512, 1], strides = [1, 1]} : vector<512x16xf32> to vector<512x1xf32>
    %slice3A_720 = vector.extract_strided_slice %get3A_12 {offsets = [15, 640], sizes = [1, 128], strides = [1, 1]} : vector<16x1024xf32> to vector<1x128xf32>
    %sub3A_721 = vector.broadcast %slice3A_719 : vector<512x1xf32> to vector<512x128xf32>
    %sub3A_722 = vector.broadcast %slice3A_720 : vector<1x128xf32> to vector<512x128xf32>
    %sub3A_723 = arith.subf %sub3A_721, %sub3A_722 : vector<512x128xf32>
    %abs3A_724 = math.absf %sub3A_723 : vector<512x128xf32>
    %add3A_725 = arith.addf %abs3A_634, %abs3A_658 : vector<512x128xf32>
    %add3A_726 = arith.addf %abs3A_646, %abs3A_670 : vector<512x128xf32>
    %add3A_727 = arith.addf %add3A_725, %add3A_726 : vector<512x128xf32>
    %add3A_728 = arith.addf %abs3A_640, %abs3A_664 : vector<512x128xf32>
    %add3A_729 = arith.addf %abs3A_652, %abs3A_676 : vector<512x128xf32>
    %add3A_730 = arith.addf %add3A_728, %add3A_729 : vector<512x128xf32>
    %add3A_731 = arith.addf %add3A_727, %add3A_730 : vector<512x128xf32>
    %add3A_732 = arith.addf %abs3A_682, %abs3A_706 : vector<512x128xf32>
    %add3A_733 = arith.addf %abs3A_694, %abs3A_718 : vector<512x128xf32>
    %add3A_734 = arith.addf %add3A_732, %add3A_733 : vector<512x128xf32>
    %add3A_735 = arith.addf %abs3A_688, %abs3A_712 : vector<512x128xf32>
    %add3A_736 = arith.addf %abs3A_700, %abs3A_724 : vector<512x128xf32>
    %add3A_737 = arith.addf %add3A_735, %add3A_736 : vector<512x128xf32>
    %add3A_738 = arith.addf %add3A_734, %add3A_737 : vector<512x128xf32>
    %add3A_739 = arith.addf %add3A_731, %add3A_738 : vector<512x128xf32>
    %add3A_740 = arith.constant 640 : i32
    %add3A_741 = vector.broadcast %add3A_740 : i32 to vector<512x128xi32>
    %add3A_742 = arith.addi %add3A_741, %iota3A : vector<512x128xi32>
    %lt3A_743 = vector.broadcast %get3A_2 : i32 to vector<512x128xi32>
    %lt3A_744 = arith.cmpi slt, %add3A_742, %lt3A_743 : vector<512x128xi32>
    %and3A_745 = arith.andi %lt3A_16, %lt3A_744 : vector<512x128xi1>
    %jit3A_746 = arith.constant 3.40282347E+38 : f32
    %broadcast_in_dim3A_747 = vector.broadcast %jit3A_746 : f32 to vector<512x128xf32>
    %select_n3A_748 = arith.select %and3A_745, %add3A_739, %broadcast_in_dim3A_747 : vector<512x128xi1>, vector<512x128xf32>
    %eq3A_749 = arith.cmpi eq, %add3A_15, %add3A_742 : vector<512x128xi32>
    %jit3A_750 = arith.constant 0x7F800000 : f32
    %broadcast_in_dim3A_751 = vector.broadcast %jit3A_750 : f32 to vector<512x128xf32>
    %select_n3A_752 = arith.select %eq3A_749, %broadcast_in_dim3A_751, %select_n3A_748 : vector<512x128xi1>, vector<512x128xf32>
    %slice3A_753 = vector.extract_strided_slice %get3A_7 {offsets = [0, 0], sizes = [512, 1], strides = [1, 1]} : vector<512x16xf32> to vector<512x1xf32>
    %slice3A_754 = vector.extract_strided_slice %get3A_12 {offsets = [0, 768], sizes = [1, 128], strides = [1, 1]} : vector<16x1024xf32> to vector<1x128xf32>
    %sub3A_755 = vector.broadcast %slice3A_753 : vector<512x1xf32> to vector<512x128xf32>
    %sub3A_756 = vector.broadcast %slice3A_754 : vector<1x128xf32> to vector<512x128xf32>
    %sub3A_757 = arith.subf %sub3A_755, %sub3A_756 : vector<512x128xf32>
    %abs3A_758 = math.absf %sub3A_757 : vector<512x128xf32>
    %slice3A_759 = vector.extract_strided_slice %get3A_7 {offsets = [0, 1], sizes = [512, 1], strides = [1, 1]} : vector<512x16xf32> to vector<512x1xf32>
    %slice3A_760 = vector.extract_strided_slice %get3A_12 {offsets = [1, 768], sizes = [1, 128], strides = [1, 1]} : vector<16x1024xf32> to vector<1x128xf32>
    %sub3A_761 = vector.broadcast %slice3A_759 : vector<512x1xf32> to vector<512x128xf32>
    %sub3A_762 = vector.broadcast %slice3A_760 : vector<1x128xf32> to vector<512x128xf32>
    %sub3A_763 = arith.subf %sub3A_761, %sub3A_762 : vector<512x128xf32>
    %abs3A_764 = math.absf %sub3A_763 : vector<512x128xf32>
    %slice3A_765 = vector.extract_strided_slice %get3A_7 {offsets = [0, 2], sizes = [512, 1], strides = [1, 1]} : vector<512x16xf32> to vector<512x1xf32>
    %slice3A_766 = vector.extract_strided_slice %get3A_12 {offsets = [2, 768], sizes = [1, 128], strides = [1, 1]} : vector<16x1024xf32> to vector<1x128xf32>
    %sub3A_767 = vector.broadcast %slice3A_765 : vector<512x1xf32> to vector<512x128xf32>
    %sub3A_768 = vector.broadcast %slice3A_766 : vector<1x128xf32> to vector<512x128xf32>
    %sub3A_769 = arith.subf %sub3A_767, %sub3A_768 : vector<512x128xf32>
    %abs3A_770 = math.absf %sub3A_769 : vector<512x128xf32>
    %slice3A_771 = vector.extract_strided_slice %get3A_7 {offsets = [0, 3], sizes = [512, 1], strides = [1, 1]} : vector<512x16xf32> to vector<512x1xf32>
    %slice3A_772 = vector.extract_strided_slice %get3A_12 {offsets = [3, 768], sizes = [1, 128], strides = [1, 1]} : vector<16x1024xf32> to vector<1x128xf32>
    %sub3A_773 = vector.broadcast %slice3A_771 : vector<512x1xf32> to vector<512x128xf32>
    %sub3A_774 = vector.broadcast %slice3A_772 : vector<1x128xf32> to vector<512x128xf32>
    %sub3A_775 = arith.subf %sub3A_773, %sub3A_774 : vector<512x128xf32>
    %abs3A_776 = math.absf %sub3A_775 : vector<512x128xf32>
    %slice3A_777 = vector.extract_strided_slice %get3A_7 {offsets = [0, 4], sizes = [512, 1], strides = [1, 1]} : vector<512x16xf32> to vector<512x1xf32>
    %slice3A_778 = vector.extract_strided_slice %get3A_12 {offsets = [4, 768], sizes = [1, 128], strides = [1, 1]} : vector<16x1024xf32> to vector<1x128xf32>
    %sub3A_779 = vector.broadcast %slice3A_777 : vector<512x1xf32> to vector<512x128xf32>
    %sub3A_780 = vector.broadcast %slice3A_778 : vector<1x128xf32> to vector<512x128xf32>
    %sub3A_781 = arith.subf %sub3A_779, %sub3A_780 : vector<512x128xf32>
    %abs3A_782 = math.absf %sub3A_781 : vector<512x128xf32>
    %slice3A_783 = vector.extract_strided_slice %get3A_7 {offsets = [0, 5], sizes = [512, 1], strides = [1, 1]} : vector<512x16xf32> to vector<512x1xf32>
    %slice3A_784 = vector.extract_strided_slice %get3A_12 {offsets = [5, 768], sizes = [1, 128], strides = [1, 1]} : vector<16x1024xf32> to vector<1x128xf32>
    %sub3A_785 = vector.broadcast %slice3A_783 : vector<512x1xf32> to vector<512x128xf32>
    %sub3A_786 = vector.broadcast %slice3A_784 : vector<1x128xf32> to vector<512x128xf32>
    %sub3A_787 = arith.subf %sub3A_785, %sub3A_786 : vector<512x128xf32>
    %abs3A_788 = math.absf %sub3A_787 : vector<512x128xf32>
    %slice3A_789 = vector.extract_strided_slice %get3A_7 {offsets = [0, 6], sizes = [512, 1], strides = [1, 1]} : vector<512x16xf32> to vector<512x1xf32>
    %slice3A_790 = vector.extract_strided_slice %get3A_12 {offsets = [6, 768], sizes = [1, 128], strides = [1, 1]} : vector<16x1024xf32> to vector<1x128xf32>
    %sub3A_791 = vector.broadcast %slice3A_789 : vector<512x1xf32> to vector<512x128xf32>
    %sub3A_792 = vector.broadcast %slice3A_790 : vector<1x128xf32> to vector<512x128xf32>
    %sub3A_793 = arith.subf %sub3A_791, %sub3A_792 : vector<512x128xf32>
    %abs3A_794 = math.absf %sub3A_793 : vector<512x128xf32>
    %slice3A_795 = vector.extract_strided_slice %get3A_7 {offsets = [0, 7], sizes = [512, 1], strides = [1, 1]} : vector<512x16xf32> to vector<512x1xf32>
    %slice3A_796 = vector.extract_strided_slice %get3A_12 {offsets = [7, 768], sizes = [1, 128], strides = [1, 1]} : vector<16x1024xf32> to vector<1x128xf32>
    %sub3A_797 = vector.broadcast %slice3A_795 : vector<512x1xf32> to vector<512x128xf32>
    %sub3A_798 = vector.broadcast %slice3A_796 : vector<1x128xf32> to vector<512x128xf32>
    %sub3A_799 = arith.subf %sub3A_797, %sub3A_798 : vector<512x128xf32>
    %abs3A_800 = math.absf %sub3A_799 : vector<512x128xf32>
    %slice3A_801 = vector.extract_strided_slice %get3A_7 {offsets = [0, 8], sizes = [512, 1], strides = [1, 1]} : vector<512x16xf32> to vector<512x1xf32>
    %slice3A_802 = vector.extract_strided_slice %get3A_12 {offsets = [8, 768], sizes = [1, 128], strides = [1, 1]} : vector<16x1024xf32> to vector<1x128xf32>
    %sub3A_803 = vector.broadcast %slice3A_801 : vector<512x1xf32> to vector<512x128xf32>
    %sub3A_804 = vector.broadcast %slice3A_802 : vector<1x128xf32> to vector<512x128xf32>
    %sub3A_805 = arith.subf %sub3A_803, %sub3A_804 : vector<512x128xf32>
    %abs3A_806 = math.absf %sub3A_805 : vector<512x128xf32>
    %slice3A_807 = vector.extract_strided_slice %get3A_7 {offsets = [0, 9], sizes = [512, 1], strides = [1, 1]} : vector<512x16xf32> to vector<512x1xf32>
    %slice3A_808 = vector.extract_strided_slice %get3A_12 {offsets = [9, 768], sizes = [1, 128], strides = [1, 1]} : vector<16x1024xf32> to vector<1x128xf32>
    %sub3A_809 = vector.broadcast %slice3A_807 : vector<512x1xf32> to vector<512x128xf32>
    %sub3A_810 = vector.broadcast %slice3A_808 : vector<1x128xf32> to vector<512x128xf32>
    %sub3A_811 = arith.subf %sub3A_809, %sub3A_810 : vector<512x128xf32>
    %abs3A_812 = math.absf %sub3A_811 : vector<512x128xf32>
    %slice3A_813 = vector.extract_strided_slice %get3A_7 {offsets = [0, 10], sizes = [512, 1], strides = [1, 1]} : vector<512x16xf32> to vector<512x1xf32>
    %slice3A_814 = vector.extract_strided_slice %get3A_12 {offsets = [10, 768], sizes = [1, 128], strides = [1, 1]} : vector<16x1024xf32> to vector<1x128xf32>
    %sub3A_815 = vector.broadcast %slice3A_813 : vector<512x1xf32> to vector<512x128xf32>
    %sub3A_816 = vector.broadcast %slice3A_814 : vector<1x128xf32> to vector<512x128xf32>
    %sub3A_817 = arith.subf %sub3A_815, %sub3A_816 : vector<512x128xf32>
    %abs3A_818 = math.absf %sub3A_817 : vector<512x128xf32>
    %slice3A_819 = vector.extract_strided_slice %get3A_7 {offsets = [0, 11], sizes = [512, 1], strides = [1, 1]} : vector<512x16xf32> to vector<512x1xf32>
    %slice3A_820 = vector.extract_strided_slice %get3A_12 {offsets = [11, 768], sizes = [1, 128], strides = [1, 1]} : vector<16x1024xf32> to vector<1x128xf32>
    %sub3A_821 = vector.broadcast %slice3A_819 : vector<512x1xf32> to vector<512x128xf32>
    %sub3A_822 = vector.broadcast %slice3A_820 : vector<1x128xf32> to vector<512x128xf32>
    %sub3A_823 = arith.subf %sub3A_821, %sub3A_822 : vector<512x128xf32>
    %abs3A_824 = math.absf %sub3A_823 : vector<512x128xf32>
    %slice3A_825 = vector.extract_strided_slice %get3A_7 {offsets = [0, 12], sizes = [512, 1], strides = [1, 1]} : vector<512x16xf32> to vector<512x1xf32>
    %slice3A_826 = vector.extract_strided_slice %get3A_12 {offsets = [12, 768], sizes = [1, 128], strides = [1, 1]} : vector<16x1024xf32> to vector<1x128xf32>
    %sub3A_827 = vector.broadcast %slice3A_825 : vector<512x1xf32> to vector<512x128xf32>
    %sub3A_828 = vector.broadcast %slice3A_826 : vector<1x128xf32> to vector<512x128xf32>
    %sub3A_829 = arith.subf %sub3A_827, %sub3A_828 : vector<512x128xf32>
    %abs3A_830 = math.absf %sub3A_829 : vector<512x128xf32>
    %slice3A_831 = vector.extract_strided_slice %get3A_7 {offsets = [0, 13], sizes = [512, 1], strides = [1, 1]} : vector<512x16xf32> to vector<512x1xf32>
    %slice3A_832 = vector.extract_strided_slice %get3A_12 {offsets = [13, 768], sizes = [1, 128], strides = [1, 1]} : vector<16x1024xf32> to vector<1x128xf32>
    %sub3A_833 = vector.broadcast %slice3A_831 : vector<512x1xf32> to vector<512x128xf32>
    %sub3A_834 = vector.broadcast %slice3A_832 : vector<1x128xf32> to vector<512x128xf32>
    %sub3A_835 = arith.subf %sub3A_833, %sub3A_834 : vector<512x128xf32>
    %abs3A_836 = math.absf %sub3A_835 : vector<512x128xf32>
    %slice3A_837 = vector.extract_strided_slice %get3A_7 {offsets = [0, 14], sizes = [512, 1], strides = [1, 1]} : vector<512x16xf32> to vector<512x1xf32>
    %slice3A_838 = vector.extract_strided_slice %get3A_12 {offsets = [14, 768], sizes = [1, 128], strides = [1, 1]} : vector<16x1024xf32> to vector<1x128xf32>
    %sub3A_839 = vector.broadcast %slice3A_837 : vector<512x1xf32> to vector<512x128xf32>
    %sub3A_840 = vector.broadcast %slice3A_838 : vector<1x128xf32> to vector<512x128xf32>
    %sub3A_841 = arith.subf %sub3A_839, %sub3A_840 : vector<512x128xf32>
    %abs3A_842 = math.absf %sub3A_841 : vector<512x128xf32>
    %slice3A_843 = vector.extract_strided_slice %get3A_7 {offsets = [0, 15], sizes = [512, 1], strides = [1, 1]} : vector<512x16xf32> to vector<512x1xf32>
    %slice3A_844 = vector.extract_strided_slice %get3A_12 {offsets = [15, 768], sizes = [1, 128], strides = [1, 1]} : vector<16x1024xf32> to vector<1x128xf32>
    %sub3A_845 = vector.broadcast %slice3A_843 : vector<512x1xf32> to vector<512x128xf32>
    %sub3A_846 = vector.broadcast %slice3A_844 : vector<1x128xf32> to vector<512x128xf32>
    %sub3A_847 = arith.subf %sub3A_845, %sub3A_846 : vector<512x128xf32>
    %abs3A_848 = math.absf %sub3A_847 : vector<512x128xf32>
    %add3A_849 = arith.addf %abs3A_758, %abs3A_782 : vector<512x128xf32>
    %add3A_850 = arith.addf %abs3A_770, %abs3A_794 : vector<512x128xf32>
    %add3A_851 = arith.addf %add3A_849, %add3A_850 : vector<512x128xf32>
    %add3A_852 = arith.addf %abs3A_764, %abs3A_788 : vector<512x128xf32>
    %add3A_853 = arith.addf %abs3A_776, %abs3A_800 : vector<512x128xf32>
    %add3A_854 = arith.addf %add3A_852, %add3A_853 : vector<512x128xf32>
    %add3A_855 = arith.addf %add3A_851, %add3A_854 : vector<512x128xf32>
    %add3A_856 = arith.addf %abs3A_806, %abs3A_830 : vector<512x128xf32>
    %add3A_857 = arith.addf %abs3A_818, %abs3A_842 : vector<512x128xf32>
    %add3A_858 = arith.addf %add3A_856, %add3A_857 : vector<512x128xf32>
    %add3A_859 = arith.addf %abs3A_812, %abs3A_836 : vector<512x128xf32>
    %add3A_860 = arith.addf %abs3A_824, %abs3A_848 : vector<512x128xf32>
    %add3A_861 = arith.addf %add3A_859, %add3A_860 : vector<512x128xf32>
    %add3A_862 = arith.addf %add3A_858, %add3A_861 : vector<512x128xf32>
    %add3A_863 = arith.addf %add3A_855, %add3A_862 : vector<512x128xf32>
    %add3A_864 = arith.constant 768 : i32
    %add3A_865 = vector.broadcast %add3A_864 : i32 to vector<512x128xi32>
    %add3A_866 = arith.addi %add3A_865, %iota3A : vector<512x128xi32>
    %lt3A_867 = vector.broadcast %get3A_2 : i32 to vector<512x128xi32>
    %lt3A_868 = arith.cmpi slt, %add3A_866, %lt3A_867 : vector<512x128xi32>
    %and3A_869 = arith.andi %lt3A_16, %lt3A_868 : vector<512x128xi1>
    %jit3A_870 = arith.constant 3.40282347E+38 : f32
    %broadcast_in_dim3A_871 = vector.broadcast %jit3A_870 : f32 to vector<512x128xf32>
    %select_n3A_872 = arith.select %and3A_869, %add3A_863, %broadcast_in_dim3A_871 : vector<512x128xi1>, vector<512x128xf32>
    %eq3A_873 = arith.cmpi eq, %add3A_15, %add3A_866 : vector<512x128xi32>
    %jit3A_874 = arith.constant 0x7F800000 : f32
    %broadcast_in_dim3A_875 = vector.broadcast %jit3A_874 : f32 to vector<512x128xf32>
    %select_n3A_876 = arith.select %eq3A_873, %broadcast_in_dim3A_875, %select_n3A_872 : vector<512x128xi1>, vector<512x128xf32>
    %slice3A_877 = vector.extract_strided_slice %get3A_7 {offsets = [0, 0], sizes = [512, 1], strides = [1, 1]} : vector<512x16xf32> to vector<512x1xf32>
    %slice3A_878 = vector.extract_strided_slice %get3A_12 {offsets = [0, 896], sizes = [1, 128], strides = [1, 1]} : vector<16x1024xf32> to vector<1x128xf32>
    %sub3A_879 = vector.broadcast %slice3A_877 : vector<512x1xf32> to vector<512x128xf32>
    %sub3A_880 = vector.broadcast %slice3A_878 : vector<1x128xf32> to vector<512x128xf32>
    %sub3A_881 = arith.subf %sub3A_879, %sub3A_880 : vector<512x128xf32>
    %abs3A_882 = math.absf %sub3A_881 : vector<512x128xf32>
    %slice3A_883 = vector.extract_strided_slice %get3A_7 {offsets = [0, 1], sizes = [512, 1], strides = [1, 1]} : vector<512x16xf32> to vector<512x1xf32>
    %slice3A_884 = vector.extract_strided_slice %get3A_12 {offsets = [1, 896], sizes = [1, 128], strides = [1, 1]} : vector<16x1024xf32> to vector<1x128xf32>
    %sub3A_885 = vector.broadcast %slice3A_883 : vector<512x1xf32> to vector<512x128xf32>
    %sub3A_886 = vector.broadcast %slice3A_884 : vector<1x128xf32> to vector<512x128xf32>
    %sub3A_887 = arith.subf %sub3A_885, %sub3A_886 : vector<512x128xf32>
    %abs3A_888 = math.absf %sub3A_887 : vector<512x128xf32>
    %slice3A_889 = vector.extract_strided_slice %get3A_7 {offsets = [0, 2], sizes = [512, 1], strides = [1, 1]} : vector<512x16xf32> to vector<512x1xf32>
    %slice3A_890 = vector.extract_strided_slice %get3A_12 {offsets = [2, 896], sizes = [1, 128], strides = [1, 1]} : vector<16x1024xf32> to vector<1x128xf32>
    %sub3A_891 = vector.broadcast %slice3A_889 : vector<512x1xf32> to vector<512x128xf32>
    %sub3A_892 = vector.broadcast %slice3A_890 : vector<1x128xf32> to vector<512x128xf32>
    %sub3A_893 = arith.subf %sub3A_891, %sub3A_892 : vector<512x128xf32>
    %abs3A_894 = math.absf %sub3A_893 : vector<512x128xf32>
    %slice3A_895 = vector.extract_strided_slice %get3A_7 {offsets = [0, 3], sizes = [512, 1], strides = [1, 1]} : vector<512x16xf32> to vector<512x1xf32>
    %slice3A_896 = vector.extract_strided_slice %get3A_12 {offsets = [3, 896], sizes = [1, 128], strides = [1, 1]} : vector<16x1024xf32> to vector<1x128xf32>
    %sub3A_897 = vector.broadcast %slice3A_895 : vector<512x1xf32> to vector<512x128xf32>
    %sub3A_898 = vector.broadcast %slice3A_896 : vector<1x128xf32> to vector<512x128xf32>
    %sub3A_899 = arith.subf %sub3A_897, %sub3A_898 : vector<512x128xf32>
    %abs3A_900 = math.absf %sub3A_899 : vector<512x128xf32>
    %slice3A_901 = vector.extract_strided_slice %get3A_7 {offsets = [0, 4], sizes = [512, 1], strides = [1, 1]} : vector<512x16xf32> to vector<512x1xf32>
    %slice3A_902 = vector.extract_strided_slice %get3A_12 {offsets = [4, 896], sizes = [1, 128], strides = [1, 1]} : vector<16x1024xf32> to vector<1x128xf32>
    %sub3A_903 = vector.broadcast %slice3A_901 : vector<512x1xf32> to vector<512x128xf32>
    %sub3A_904 = vector.broadcast %slice3A_902 : vector<1x128xf32> to vector<512x128xf32>
    %sub3A_905 = arith.subf %sub3A_903, %sub3A_904 : vector<512x128xf32>
    %abs3A_906 = math.absf %sub3A_905 : vector<512x128xf32>
    %slice3A_907 = vector.extract_strided_slice %get3A_7 {offsets = [0, 5], sizes = [512, 1], strides = [1, 1]} : vector<512x16xf32> to vector<512x1xf32>
    %slice3A_908 = vector.extract_strided_slice %get3A_12 {offsets = [5, 896], sizes = [1, 128], strides = [1, 1]} : vector<16x1024xf32> to vector<1x128xf32>
    %sub3A_909 = vector.broadcast %slice3A_907 : vector<512x1xf32> to vector<512x128xf32>
    %sub3A_910 = vector.broadcast %slice3A_908 : vector<1x128xf32> to vector<512x128xf32>
    %sub3A_911 = arith.subf %sub3A_909, %sub3A_910 : vector<512x128xf32>
    %abs3A_912 = math.absf %sub3A_911 : vector<512x128xf32>
    %slice3A_913 = vector.extract_strided_slice %get3A_7 {offsets = [0, 6], sizes = [512, 1], strides = [1, 1]} : vector<512x16xf32> to vector<512x1xf32>
    %slice3A_914 = vector.extract_strided_slice %get3A_12 {offsets = [6, 896], sizes = [1, 128], strides = [1, 1]} : vector<16x1024xf32> to vector<1x128xf32>
    %sub3A_915 = vector.broadcast %slice3A_913 : vector<512x1xf32> to vector<512x128xf32>
    %sub3A_916 = vector.broadcast %slice3A_914 : vector<1x128xf32> to vector<512x128xf32>
    %sub3A_917 = arith.subf %sub3A_915, %sub3A_916 : vector<512x128xf32>
    %abs3A_918 = math.absf %sub3A_917 : vector<512x128xf32>
    %slice3A_919 = vector.extract_strided_slice %get3A_7 {offsets = [0, 7], sizes = [512, 1], strides = [1, 1]} : vector<512x16xf32> to vector<512x1xf32>
    %slice3A_920 = vector.extract_strided_slice %get3A_12 {offsets = [7, 896], sizes = [1, 128], strides = [1, 1]} : vector<16x1024xf32> to vector<1x128xf32>
    %sub3A_921 = vector.broadcast %slice3A_919 : vector<512x1xf32> to vector<512x128xf32>
    %sub3A_922 = vector.broadcast %slice3A_920 : vector<1x128xf32> to vector<512x128xf32>
    %sub3A_923 = arith.subf %sub3A_921, %sub3A_922 : vector<512x128xf32>
    %abs3A_924 = math.absf %sub3A_923 : vector<512x128xf32>
    %slice3A_925 = vector.extract_strided_slice %get3A_7 {offsets = [0, 8], sizes = [512, 1], strides = [1, 1]} : vector<512x16xf32> to vector<512x1xf32>
    %slice3A_926 = vector.extract_strided_slice %get3A_12 {offsets = [8, 896], sizes = [1, 128], strides = [1, 1]} : vector<16x1024xf32> to vector<1x128xf32>
    %sub3A_927 = vector.broadcast %slice3A_925 : vector<512x1xf32> to vector<512x128xf32>
    %sub3A_928 = vector.broadcast %slice3A_926 : vector<1x128xf32> to vector<512x128xf32>
    %sub3A_929 = arith.subf %sub3A_927, %sub3A_928 : vector<512x128xf32>
    %abs3A_930 = math.absf %sub3A_929 : vector<512x128xf32>
    %slice3A_931 = vector.extract_strided_slice %get3A_7 {offsets = [0, 9], sizes = [512, 1], strides = [1, 1]} : vector<512x16xf32> to vector<512x1xf32>
    %slice3A_932 = vector.extract_strided_slice %get3A_12 {offsets = [9, 896], sizes = [1, 128], strides = [1, 1]} : vector<16x1024xf32> to vector<1x128xf32>
    %sub3A_933 = vector.broadcast %slice3A_931 : vector<512x1xf32> to vector<512x128xf32>
    %sub3A_934 = vector.broadcast %slice3A_932 : vector<1x128xf32> to vector<512x128xf32>
    %sub3A_935 = arith.subf %sub3A_933, %sub3A_934 : vector<512x128xf32>
    %abs3A_936 = math.absf %sub3A_935 : vector<512x128xf32>
    %slice3A_937 = vector.extract_strided_slice %get3A_7 {offsets = [0, 10], sizes = [512, 1], strides = [1, 1]} : vector<512x16xf32> to vector<512x1xf32>
    %slice3A_938 = vector.extract_strided_slice %get3A_12 {offsets = [10, 896], sizes = [1, 128], strides = [1, 1]} : vector<16x1024xf32> to vector<1x128xf32>
    %sub3A_939 = vector.broadcast %slice3A_937 : vector<512x1xf32> to vector<512x128xf32>
    %sub3A_940 = vector.broadcast %slice3A_938 : vector<1x128xf32> to vector<512x128xf32>
    %sub3A_941 = arith.subf %sub3A_939, %sub3A_940 : vector<512x128xf32>
    %abs3A_942 = math.absf %sub3A_941 : vector<512x128xf32>
    %slice3A_943 = vector.extract_strided_slice %get3A_7 {offsets = [0, 11], sizes = [512, 1], strides = [1, 1]} : vector<512x16xf32> to vector<512x1xf32>
    %slice3A_944 = vector.extract_strided_slice %get3A_12 {offsets = [11, 896], sizes = [1, 128], strides = [1, 1]} : vector<16x1024xf32> to vector<1x128xf32>
    %sub3A_945 = vector.broadcast %slice3A_943 : vector<512x1xf32> to vector<512x128xf32>
    %sub3A_946 = vector.broadcast %slice3A_944 : vector<1x128xf32> to vector<512x128xf32>
    %sub3A_947 = arith.subf %sub3A_945, %sub3A_946 : vector<512x128xf32>
    %abs3A_948 = math.absf %sub3A_947 : vector<512x128xf32>
    %slice3A_949 = vector.extract_strided_slice %get3A_7 {offsets = [0, 12], sizes = [512, 1], strides = [1, 1]} : vector<512x16xf32> to vector<512x1xf32>
    %slice3A_950 = vector.extract_strided_slice %get3A_12 {offsets = [12, 896], sizes = [1, 128], strides = [1, 1]} : vector<16x1024xf32> to vector<1x128xf32>
    %sub3A_951 = vector.broadcast %slice3A_949 : vector<512x1xf32> to vector<512x128xf32>
    %sub3A_952 = vector.broadcast %slice3A_950 : vector<1x128xf32> to vector<512x128xf32>
    %sub3A_953 = arith.subf %sub3A_951, %sub3A_952 : vector<512x128xf32>
    %abs3A_954 = math.absf %sub3A_953 : vector<512x128xf32>
    %slice3A_955 = vector.extract_strided_slice %get3A_7 {offsets = [0, 13], sizes = [512, 1], strides = [1, 1]} : vector<512x16xf32> to vector<512x1xf32>
    %slice3A_956 = vector.extract_strided_slice %get3A_12 {offsets = [13, 896], sizes = [1, 128], strides = [1, 1]} : vector<16x1024xf32> to vector<1x128xf32>
    %sub3A_957 = vector.broadcast %slice3A_955 : vector<512x1xf32> to vector<512x128xf32>
    %sub3A_958 = vector.broadcast %slice3A_956 : vector<1x128xf32> to vector<512x128xf32>
    %sub3A_959 = arith.subf %sub3A_957, %sub3A_958 : vector<512x128xf32>
    %abs3A_960 = math.absf %sub3A_959 : vector<512x128xf32>
    %slice3A_961 = vector.extract_strided_slice %get3A_7 {offsets = [0, 14], sizes = [512, 1], strides = [1, 1]} : vector<512x16xf32> to vector<512x1xf32>
    %slice3A_962 = vector.extract_strided_slice %get3A_12 {offsets = [14, 896], sizes = [1, 128], strides = [1, 1]} : vector<16x1024xf32> to vector<1x128xf32>
    %sub3A_963 = vector.broadcast %slice3A_961 : vector<512x1xf32> to vector<512x128xf32>
    %sub3A_964 = vector.broadcast %slice3A_962 : vector<1x128xf32> to vector<512x128xf32>
    %sub3A_965 = arith.subf %sub3A_963, %sub3A_964 : vector<512x128xf32>
    %abs3A_966 = math.absf %sub3A_965 : vector<512x128xf32>
    %slice3A_967 = vector.extract_strided_slice %get3A_7 {offsets = [0, 15], sizes = [512, 1], strides = [1, 1]} : vector<512x16xf32> to vector<512x1xf32>
    %slice3A_968 = vector.extract_strided_slice %get3A_12 {offsets = [15, 896], sizes = [1, 128], strides = [1, 1]} : vector<16x1024xf32> to vector<1x128xf32>
    %sub3A_969 = vector.broadcast %slice3A_967 : vector<512x1xf32> to vector<512x128xf32>
    %sub3A_970 = vector.broadcast %slice3A_968 : vector<1x128xf32> to vector<512x128xf32>
    %sub3A_971 = arith.subf %sub3A_969, %sub3A_970 : vector<512x128xf32>
    %abs3A_972 = math.absf %sub3A_971 : vector<512x128xf32>
    %add3A_973 = arith.addf %abs3A_882, %abs3A_906 : vector<512x128xf32>
    %add3A_974 = arith.addf %abs3A_894, %abs3A_918 : vector<512x128xf32>
    %add3A_975 = arith.addf %add3A_973, %add3A_974 : vector<512x128xf32>
    %add3A_976 = arith.addf %abs3A_888, %abs3A_912 : vector<512x128xf32>
    %add3A_977 = arith.addf %abs3A_900, %abs3A_924 : vector<512x128xf32>
    %add3A_978 = arith.addf %add3A_976, %add3A_977 : vector<512x128xf32>
    %add3A_979 = arith.addf %add3A_975, %add3A_978 : vector<512x128xf32>
    %add3A_980 = arith.addf %abs3A_930, %abs3A_954 : vector<512x128xf32>
    %add3A_981 = arith.addf %abs3A_942, %abs3A_966 : vector<512x128xf32>
    %add3A_982 = arith.addf %add3A_980, %add3A_981 : vector<512x128xf32>
    %add3A_983 = arith.addf %abs3A_936, %abs3A_960 : vector<512x128xf32>
    %add3A_984 = arith.addf %abs3A_948, %abs3A_972 : vector<512x128xf32>
    %add3A_985 = arith.addf %add3A_983, %add3A_984 : vector<512x128xf32>
    %add3A_986 = arith.addf %add3A_982, %add3A_985 : vector<512x128xf32>
    %add3A_987 = arith.addf %add3A_979, %add3A_986 : vector<512x128xf32>
    %add3A_988 = arith.constant 896 : i32
    %add3A_989 = vector.broadcast %add3A_988 : i32 to vector<512x128xi32>
    %add3A_990 = arith.addi %add3A_989, %iota3A : vector<512x128xi32>
    %lt3A_991 = vector.broadcast %get3A_2 : i32 to vector<512x128xi32>
    %lt3A_992 = arith.cmpi slt, %add3A_990, %lt3A_991 : vector<512x128xi32>
    %and3A_993 = arith.andi %lt3A_16, %lt3A_992 : vector<512x128xi1>
    %jit3A_994 = arith.constant 3.40282347E+38 : f32
    %broadcast_in_dim3A_995 = vector.broadcast %jit3A_994 : f32 to vector<512x128xf32>
    %select_n3A_996 = arith.select %and3A_993, %add3A_987, %broadcast_in_dim3A_995 : vector<512x128xi1>, vector<512x128xf32>
    %eq3A_997 = arith.cmpi eq, %add3A_15, %add3A_990 : vector<512x128xi32>
    %jit3A_998 = arith.constant 0x7F800000 : f32
    %broadcast_in_dim3A_999 = vector.broadcast %jit3A_998 : f32 to vector<512x128xf32>
    %select_n3A_1000 = arith.select %eq3A_997, %broadcast_in_dim3A_999, %select_n3A_996 : vector<512x128xi1>, vector<512x128xf32>
    %mul3A_1001 = arith.constant 512 : i32
    %mul3A_1002 = arith.muli %arg1, %mul3A_1001 : i32
    %iota3A_1003 = tpu.iota {dimensions = array<i32: 0>} : vector<512x1xi32>
    %add3A_1004 = vector.broadcast %mul3A_1002 : i32 to vector<512x1xi32>
    %add3A_1005 = arith.addi %add3A_1004, %iota3A_1003 : vector<512x1xi32>
    %ge3A = vector.broadcast %get3A_2 : i32 to vector<512x1xi32>
    %ge3A_1006 = arith.cmpi sge, %add3A_1005, %ge3A : vector<512x1xi32>
    %iota3A_1007 = tpu.iota {dimensions = array<i32: 1>} : vector<512x128xi32>
    %convert_element_type3A = arith.sitofp %iota3A_1007 : vector<512x128xi32> to vector<512x128xf32>
    %lt3A_1008 = arith.cmpf olt, %select_n3A_256, %select_n3A_132 : vector<512x128xf32>
    %min3A = arith.minimumf %select_n3A_132, %select_n3A_256 : vector<512x128xf32>
    %jit3A_1009 = arith.constant 1.000000e+00 : f32
    %jit3A_1010 = arith.constant 0.000000e+00 : f32
    %broadcast_in_dim3A_1011 = vector.broadcast %jit3A_1009 : f32 to vector<512x128xf32>
    %broadcast_in_dim3A_1012 = vector.broadcast %jit3A_1010 : f32 to vector<512x128xf32>
    %select_n3A_1013 = arith.select %lt3A_1008, %broadcast_in_dim3A_1011, %broadcast_in_dim3A_1012 : vector<512x128xi1>, vector<512x128xf32>
    %lt3A_1014 = arith.cmpf olt, %select_n3A_504, %select_n3A_380 : vector<512x128xf32>
    %min3A_1015 = arith.minimumf %select_n3A_380, %select_n3A_504 : vector<512x128xf32>
    %jit3A_1016 = arith.constant 3.000000e+00 : f32
    %jit3A_1017 = arith.constant 2.000000e+00 : f32
    %broadcast_in_dim3A_1018 = vector.broadcast %jit3A_1016 : f32 to vector<512x128xf32>
    %broadcast_in_dim3A_1019 = vector.broadcast %jit3A_1017 : f32 to vector<512x128xf32>
    %select_n3A_1020 = arith.select %lt3A_1014, %broadcast_in_dim3A_1018, %broadcast_in_dim3A_1019 : vector<512x128xi1>, vector<512x128xf32>
    %lt3A_1021 = arith.cmpf olt, %select_n3A_752, %select_n3A_628 : vector<512x128xf32>
    %min3A_1022 = arith.minimumf %select_n3A_628, %select_n3A_752 : vector<512x128xf32>
    %jit3A_1023 = arith.constant 5.000000e+00 : f32
    %jit3A_1024 = arith.constant 4.000000e+00 : f32
    %broadcast_in_dim3A_1025 = vector.broadcast %jit3A_1023 : f32 to vector<512x128xf32>
    %broadcast_in_dim3A_1026 = vector.broadcast %jit3A_1024 : f32 to vector<512x128xf32>
    %select_n3A_1027 = arith.select %lt3A_1021, %broadcast_in_dim3A_1025, %broadcast_in_dim3A_1026 : vector<512x128xi1>, vector<512x128xf32>
    %lt3A_1028 = arith.cmpf olt, %select_n3A_1000, %select_n3A_876 : vector<512x128xf32>
    %min3A_1029 = arith.minimumf %select_n3A_876, %select_n3A_1000 : vector<512x128xf32>
    %jit3A_1030 = arith.constant 7.000000e+00 : f32
    %jit3A_1031 = arith.constant 6.000000e+00 : f32
    %broadcast_in_dim3A_1032 = vector.broadcast %jit3A_1030 : f32 to vector<512x128xf32>
    %broadcast_in_dim3A_1033 = vector.broadcast %jit3A_1031 : f32 to vector<512x128xf32>
    %select_n3A_1034 = arith.select %lt3A_1028, %broadcast_in_dim3A_1032, %broadcast_in_dim3A_1033 : vector<512x128xi1>, vector<512x128xf32>
    %lt3A_1035 = arith.cmpf olt, %min3A_1015, %min3A : vector<512x128xf32>
    %min3A_1036 = arith.minimumf %min3A, %min3A_1015 : vector<512x128xf32>
    %select_n3A_1037 = arith.select %lt3A_1035, %select_n3A_1020, %select_n3A_1013 : vector<512x128xi1>, vector<512x128xf32>
    %lt3A_1038 = arith.cmpf olt, %min3A_1029, %min3A_1022 : vector<512x128xf32>
    %min3A_1039 = arith.minimumf %min3A_1022, %min3A_1029 : vector<512x128xf32>
    %select_n3A_1040 = arith.select %lt3A_1038, %select_n3A_1034, %select_n3A_1027 : vector<512x128xi1>, vector<512x128xf32>
    %lt3A_1041 = arith.cmpf olt, %min3A_1039, %min3A_1036 : vector<512x128xf32>
    %min3A_1042 = arith.minimumf %min3A_1036, %min3A_1039 : vector<512x128xf32>
    %select_n3A_1043 = arith.select %lt3A_1041, %select_n3A_1040, %select_n3A_1037 : vector<512x128xi1>, vector<512x128xf32>
    %reduce_min3A = arith.constant dense<0x7F800000> : vector<512xf32>
    %reduce_min3A_1044 = vector.multi_reduction <minimumf>, %min3A_1042, %reduce_min3A [1] : vector<512x128xf32> to vector<512xf32>
    %broadcast_in_dim3A_1045 = vector.shape_cast %reduce_min3A_1044 : vector<512xf32> to vector<512x1xf32>
    %eq3A_1046 = vector.broadcast %broadcast_in_dim3A_1045 : vector<512x1xf32> to vector<512x128xf32>
    %eq3A_1047 = arith.cmpf oeq, %min3A_1042, %eq3A_1046 : vector<512x128xf32>
    %mul3A_1048 = arith.constant 1.280000e+02 : f32
    %mul3A_1049 = vector.broadcast %mul3A_1048 : f32 to vector<512x128xf32>
    %mul3A_1050 = arith.mulf %select_n3A_1043, %mul3A_1049 : vector<512x128xf32>
    %add3A_1051 = arith.addf %mul3A_1050, %convert_element_type3A : vector<512x128xf32>
    %jit3A_1052 = arith.constant 1.024000e+03 : f32
    %broadcast_in_dim3A_1053 = vector.broadcast %jit3A_1052 : f32 to vector<512x128xf32>
    %select_n3A_1054 = arith.select %eq3A_1047, %add3A_1051, %broadcast_in_dim3A_1053 : vector<512x128xi1>, vector<512x128xf32>
    %reduce_min3A_1055 = arith.constant dense<0x7F800000> : vector<512xf32>
    %reduce_min3A_1056 = vector.multi_reduction <minimumf>, %select_n3A_1054, %reduce_min3A_1055 [1] : vector<512x128xf32> to vector<512xf32>
    %broadcast_in_dim3A_1057 = vector.shape_cast %reduce_min3A_1056 : vector<512xf32> to vector<512x1xf32>
    %jit3A_1058 = arith.constant 3.40282347E+38 : f32
    %broadcast_in_dim3A_1059 = vector.broadcast %jit3A_1058 : f32 to vector<512x1xf32>
    %select_n3A_1060 = arith.select %ge3A_1006, %broadcast_in_dim3A_1059, %broadcast_in_dim3A_1045 : vector<512x1xi1>, vector<512x1xf32>
    %convert_element_type3A_1061 = arith.fptosi %broadcast_in_dim3A_1057 : vector<512x1xf32> to vector<512x1xi32>
    %jit3A_1062 = arith.constant 1 : i32
    %broadcast_in_dim3A_1063 = vector.broadcast %jit3A_1062 : i32 to vector<512x1xi32>
    %select_n3A_1064 = arith.select %ge3A_1006, %broadcast_in_dim3A_1063, %convert_element_type3A_1061 : vector<512x1xi1>, vector<512x1xi32>
    %add3A_1065 = arith.constant 0.000000e+00 : f32
    %add3A_1066 = vector.broadcast %add3A_1065 : f32 to vector<512x128xf32>
    %add3A_1067 = arith.addf %add3A_1066, %convert_element_type3A : vector<512x128xf32>
    %eq3A_1068 = vector.broadcast %broadcast_in_dim3A_1057 : vector<512x1xf32> to vector<512x128xf32>
    %eq3A_1069 = arith.cmpf oeq, %add3A_1067, %eq3A_1068 : vector<512x128xf32>
    %jit3A_1070 = arith.constant 0x7F800000 : f32
    %broadcast_in_dim3A_1071 = vector.broadcast %jit3A_1070 : f32 to vector<512x128xf32>
    %select_n3A_1072 = arith.select %eq3A_1069, %broadcast_in_dim3A_1071, %select_n3A_132 : vector<512x128xi1>, vector<512x128xf32>
    %add3A_1073 = arith.constant 1.280000e+02 : f32
    %add3A_1074 = vector.broadcast %add3A_1073 : f32 to vector<512x128xf32>
    %add3A_1075 = arith.addf %add3A_1074, %convert_element_type3A : vector<512x128xf32>
    %eq3A_1076 = vector.broadcast %broadcast_in_dim3A_1057 : vector<512x1xf32> to vector<512x128xf32>
    %eq3A_1077 = arith.cmpf oeq, %add3A_1075, %eq3A_1076 : vector<512x128xf32>
    %jit3A_1078 = arith.constant 0x7F800000 : f32
    %broadcast_in_dim3A_1079 = vector.broadcast %jit3A_1078 : f32 to vector<512x128xf32>
    %select_n3A_1080 = arith.select %eq3A_1077, %broadcast_in_dim3A_1079, %select_n3A_256 : vector<512x128xi1>, vector<512x128xf32>
    %add3A_1081 = arith.constant 2.560000e+02 : f32
    %add3A_1082 = vector.broadcast %add3A_1081 : f32 to vector<512x128xf32>
    %add3A_1083 = arith.addf %add3A_1082, %convert_element_type3A : vector<512x128xf32>
    %eq3A_1084 = vector.broadcast %broadcast_in_dim3A_1057 : vector<512x1xf32> to vector<512x128xf32>
    %eq3A_1085 = arith.cmpf oeq, %add3A_1083, %eq3A_1084 : vector<512x128xf32>
    %jit3A_1086 = arith.constant 0x7F800000 : f32
    %broadcast_in_dim3A_1087 = vector.broadcast %jit3A_1086 : f32 to vector<512x128xf32>
    %select_n3A_1088 = arith.select %eq3A_1085, %broadcast_in_dim3A_1087, %select_n3A_380 : vector<512x128xi1>, vector<512x128xf32>
    %add3A_1089 = arith.constant 3.840000e+02 : f32
    %add3A_1090 = vector.broadcast %add3A_1089 : f32 to vector<512x128xf32>
    %add3A_1091 = arith.addf %add3A_1090, %convert_element_type3A : vector<512x128xf32>
    %eq3A_1092 = vector.broadcast %broadcast_in_dim3A_1057 : vector<512x1xf32> to vector<512x128xf32>
    %eq3A_1093 = arith.cmpf oeq, %add3A_1091, %eq3A_1092 : vector<512x128xf32>
    %jit3A_1094 = arith.constant 0x7F800000 : f32
    %broadcast_in_dim3A_1095 = vector.broadcast %jit3A_1094 : f32 to vector<512x128xf32>
    %select_n3A_1096 = arith.select %eq3A_1093, %broadcast_in_dim3A_1095, %select_n3A_504 : vector<512x128xi1>, vector<512x128xf32>
    %add3A_1097 = arith.constant 5.120000e+02 : f32
    %add3A_1098 = vector.broadcast %add3A_1097 : f32 to vector<512x128xf32>
    %add3A_1099 = arith.addf %add3A_1098, %convert_element_type3A : vector<512x128xf32>
    %eq3A_1100 = vector.broadcast %broadcast_in_dim3A_1057 : vector<512x1xf32> to vector<512x128xf32>
    %eq3A_1101 = arith.cmpf oeq, %add3A_1099, %eq3A_1100 : vector<512x128xf32>
    %jit3A_1102 = arith.constant 0x7F800000 : f32
    %broadcast_in_dim3A_1103 = vector.broadcast %jit3A_1102 : f32 to vector<512x128xf32>
    %select_n3A_1104 = arith.select %eq3A_1101, %broadcast_in_dim3A_1103, %select_n3A_628 : vector<512x128xi1>, vector<512x128xf32>
    %add3A_1105 = arith.constant 6.400000e+02 : f32
    %add3A_1106 = vector.broadcast %add3A_1105 : f32 to vector<512x128xf32>
    %add3A_1107 = arith.addf %add3A_1106, %convert_element_type3A : vector<512x128xf32>
    %eq3A_1108 = vector.broadcast %broadcast_in_dim3A_1057 : vector<512x1xf32> to vector<512x128xf32>
    %eq3A_1109 = arith.cmpf oeq, %add3A_1107, %eq3A_1108 : vector<512x128xf32>
    %jit3A_1110 = arith.constant 0x7F800000 : f32
    %broadcast_in_dim3A_1111 = vector.broadcast %jit3A_1110 : f32 to vector<512x128xf32>
    %select_n3A_1112 = arith.select %eq3A_1109, %broadcast_in_dim3A_1111, %select_n3A_752 : vector<512x128xi1>, vector<512x128xf32>
    %add3A_1113 = arith.constant 7.680000e+02 : f32
    %add3A_1114 = vector.broadcast %add3A_1113 : f32 to vector<512x128xf32>
    %add3A_1115 = arith.addf %add3A_1114, %convert_element_type3A : vector<512x128xf32>
    %eq3A_1116 = vector.broadcast %broadcast_in_dim3A_1057 : vector<512x1xf32> to vector<512x128xf32>
    %eq3A_1117 = arith.cmpf oeq, %add3A_1115, %eq3A_1116 : vector<512x128xf32>
    %jit3A_1118 = arith.constant 0x7F800000 : f32
    %broadcast_in_dim3A_1119 = vector.broadcast %jit3A_1118 : f32 to vector<512x128xf32>
    %select_n3A_1120 = arith.select %eq3A_1117, %broadcast_in_dim3A_1119, %select_n3A_876 : vector<512x128xi1>, vector<512x128xf32>
    %add3A_1121 = arith.constant 8.960000e+02 : f32
    %add3A_1122 = vector.broadcast %add3A_1121 : f32 to vector<512x128xf32>
    %add3A_1123 = arith.addf %add3A_1122, %convert_element_type3A : vector<512x128xf32>
    %eq3A_1124 = vector.broadcast %broadcast_in_dim3A_1057 : vector<512x1xf32> to vector<512x128xf32>
    %eq3A_1125 = arith.cmpf oeq, %add3A_1123, %eq3A_1124 : vector<512x128xf32>
    %jit3A_1126 = arith.constant 0x7F800000 : f32
    %broadcast_in_dim3A_1127 = vector.broadcast %jit3A_1126 : f32 to vector<512x128xf32>
    %select_n3A_1128 = arith.select %eq3A_1125, %broadcast_in_dim3A_1127, %select_n3A_1000 : vector<512x128xi1>, vector<512x128xf32>
    %lt3A_1129 = arith.cmpf olt, %select_n3A_1080, %select_n3A_1072 : vector<512x128xf32>
    %min3A_1130 = arith.minimumf %select_n3A_1072, %select_n3A_1080 : vector<512x128xf32>
    %jit3A_1131 = arith.constant 1.000000e+00 : f32
    %jit3A_1132 = arith.constant 0.000000e+00 : f32
    %broadcast_in_dim3A_1133 = vector.broadcast %jit3A_1131 : f32 to vector<512x128xf32>
    %broadcast_in_dim3A_1134 = vector.broadcast %jit3A_1132 : f32 to vector<512x128xf32>
    %select_n3A_1135 = arith.select %lt3A_1129, %broadcast_in_dim3A_1133, %broadcast_in_dim3A_1134 : vector<512x128xi1>, vector<512x128xf32>
    %lt3A_1136 = arith.cmpf olt, %select_n3A_1096, %select_n3A_1088 : vector<512x128xf32>
    %min3A_1137 = arith.minimumf %select_n3A_1088, %select_n3A_1096 : vector<512x128xf32>
    %jit3A_1138 = arith.constant 3.000000e+00 : f32
    %jit3A_1139 = arith.constant 2.000000e+00 : f32
    %broadcast_in_dim3A_1140 = vector.broadcast %jit3A_1138 : f32 to vector<512x128xf32>
    %broadcast_in_dim3A_1141 = vector.broadcast %jit3A_1139 : f32 to vector<512x128xf32>
    %select_n3A_1142 = arith.select %lt3A_1136, %broadcast_in_dim3A_1140, %broadcast_in_dim3A_1141 : vector<512x128xi1>, vector<512x128xf32>
    %lt3A_1143 = arith.cmpf olt, %select_n3A_1112, %select_n3A_1104 : vector<512x128xf32>
    %min3A_1144 = arith.minimumf %select_n3A_1104, %select_n3A_1112 : vector<512x128xf32>
    %jit3A_1145 = arith.constant 5.000000e+00 : f32
    %jit3A_1146 = arith.constant 4.000000e+00 : f32
    %broadcast_in_dim3A_1147 = vector.broadcast %jit3A_1145 : f32 to vector<512x128xf32>
    %broadcast_in_dim3A_1148 = vector.broadcast %jit3A_1146 : f32 to vector<512x128xf32>
    %select_n3A_1149 = arith.select %lt3A_1143, %broadcast_in_dim3A_1147, %broadcast_in_dim3A_1148 : vector<512x128xi1>, vector<512x128xf32>
    %lt3A_1150 = arith.cmpf olt, %select_n3A_1128, %select_n3A_1120 : vector<512x128xf32>
    %min3A_1151 = arith.minimumf %select_n3A_1120, %select_n3A_1128 : vector<512x128xf32>
    %jit3A_1152 = arith.constant 7.000000e+00 : f32
    %jit3A_1153 = arith.constant 6.000000e+00 : f32
    %broadcast_in_dim3A_1154 = vector.broadcast %jit3A_1152 : f32 to vector<512x128xf32>
    %broadcast_in_dim3A_1155 = vector.broadcast %jit3A_1153 : f32 to vector<512x128xf32>
    %select_n3A_1156 = arith.select %lt3A_1150, %broadcast_in_dim3A_1154, %broadcast_in_dim3A_1155 : vector<512x128xi1>, vector<512x128xf32>
    %lt3A_1157 = arith.cmpf olt, %min3A_1137, %min3A_1130 : vector<512x128xf32>
    %min3A_1158 = arith.minimumf %min3A_1130, %min3A_1137 : vector<512x128xf32>
    %select_n3A_1159 = arith.select %lt3A_1157, %select_n3A_1142, %select_n3A_1135 : vector<512x128xi1>, vector<512x128xf32>
    %lt3A_1160 = arith.cmpf olt, %min3A_1151, %min3A_1144 : vector<512x128xf32>
    %min3A_1161 = arith.minimumf %min3A_1144, %min3A_1151 : vector<512x128xf32>
    %select_n3A_1162 = arith.select %lt3A_1160, %select_n3A_1156, %select_n3A_1149 : vector<512x128xi1>, vector<512x128xf32>
    %lt3A_1163 = arith.cmpf olt, %min3A_1161, %min3A_1158 : vector<512x128xf32>
    %min3A_1164 = arith.minimumf %min3A_1158, %min3A_1161 : vector<512x128xf32>
    %select_n3A_1165 = arith.select %lt3A_1163, %select_n3A_1162, %select_n3A_1159 : vector<512x128xi1>, vector<512x128xf32>
    %reduce_min3A_1166 = arith.constant dense<0x7F800000> : vector<512xf32>
    %reduce_min3A_1167 = vector.multi_reduction <minimumf>, %min3A_1164, %reduce_min3A_1166 [1] : vector<512x128xf32> to vector<512xf32>
    %broadcast_in_dim3A_1168 = vector.shape_cast %reduce_min3A_1167 : vector<512xf32> to vector<512x1xf32>
    %eq3A_1169 = vector.broadcast %broadcast_in_dim3A_1168 : vector<512x1xf32> to vector<512x128xf32>
    %eq3A_1170 = arith.cmpf oeq, %min3A_1164, %eq3A_1169 : vector<512x128xf32>
    %mul3A_1171 = arith.constant 1.280000e+02 : f32
    %mul3A_1172 = vector.broadcast %mul3A_1171 : f32 to vector<512x128xf32>
    %mul3A_1173 = arith.mulf %select_n3A_1165, %mul3A_1172 : vector<512x128xf32>
    %add3A_1174 = arith.addf %mul3A_1173, %convert_element_type3A : vector<512x128xf32>
    %jit3A_1175 = arith.constant 1.024000e+03 : f32
    %broadcast_in_dim3A_1176 = vector.broadcast %jit3A_1175 : f32 to vector<512x128xf32>
    %select_n3A_1177 = arith.select %eq3A_1170, %add3A_1174, %broadcast_in_dim3A_1176 : vector<512x128xi1>, vector<512x128xf32>
    %reduce_min3A_1178 = arith.constant dense<0x7F800000> : vector<512xf32>
    %reduce_min3A_1179 = vector.multi_reduction <minimumf>, %select_n3A_1177, %reduce_min3A_1178 [1] : vector<512x128xf32> to vector<512xf32>
    %broadcast_in_dim3A_1180 = vector.shape_cast %reduce_min3A_1179 : vector<512xf32> to vector<512x1xf32>
    %jit3A_1181 = arith.constant 3.40282347E+38 : f32
    %broadcast_in_dim3A_1182 = vector.broadcast %jit3A_1181 : f32 to vector<512x1xf32>
    %select_n3A_1183 = arith.select %ge3A_1006, %broadcast_in_dim3A_1182, %broadcast_in_dim3A_1168 : vector<512x1xi1>, vector<512x1xf32>
    %convert_element_type3A_1184 = arith.fptosi %broadcast_in_dim3A_1180 : vector<512x1xf32> to vector<512x1xi32>
    %jit3A_1185 = arith.constant 2 : i32
    %broadcast_in_dim3A_1186 = vector.broadcast %jit3A_1185 : i32 to vector<512x1xi32>
    %select_n3A_1187 = arith.select %ge3A_1006, %broadcast_in_dim3A_1186, %convert_element_type3A_1184 : vector<512x1xi1>, vector<512x1xi32>
    %add3A_1188 = arith.constant 0.000000e+00 : f32
    %add3A_1189 = vector.broadcast %add3A_1188 : f32 to vector<512x128xf32>
    %add3A_1190 = arith.addf %add3A_1189, %convert_element_type3A : vector<512x128xf32>
    %eq3A_1191 = vector.broadcast %broadcast_in_dim3A_1180 : vector<512x1xf32> to vector<512x128xf32>
    %eq3A_1192 = arith.cmpf oeq, %add3A_1190, %eq3A_1191 : vector<512x128xf32>
    %jit3A_1193 = arith.constant 0x7F800000 : f32
    %broadcast_in_dim3A_1194 = vector.broadcast %jit3A_1193 : f32 to vector<512x128xf32>
    %select_n3A_1195 = arith.select %eq3A_1192, %broadcast_in_dim3A_1194, %select_n3A_1072 : vector<512x128xi1>, vector<512x128xf32>
    %add3A_1196 = arith.constant 1.280000e+02 : f32
    %add3A_1197 = vector.broadcast %add3A_1196 : f32 to vector<512x128xf32>
    %add3A_1198 = arith.addf %add3A_1197, %convert_element_type3A : vector<512x128xf32>
    %eq3A_1199 = vector.broadcast %broadcast_in_dim3A_1180 : vector<512x1xf32> to vector<512x128xf32>
    %eq3A_1200 = arith.cmpf oeq, %add3A_1198, %eq3A_1199 : vector<512x128xf32>
    %jit3A_1201 = arith.constant 0x7F800000 : f32
    %broadcast_in_dim3A_1202 = vector.broadcast %jit3A_1201 : f32 to vector<512x128xf32>
    %select_n3A_1203 = arith.select %eq3A_1200, %broadcast_in_dim3A_1202, %select_n3A_1080 : vector<512x128xi1>, vector<512x128xf32>
    %add3A_1204 = arith.constant 2.560000e+02 : f32
    %add3A_1205 = vector.broadcast %add3A_1204 : f32 to vector<512x128xf32>
    %add3A_1206 = arith.addf %add3A_1205, %convert_element_type3A : vector<512x128xf32>
    %eq3A_1207 = vector.broadcast %broadcast_in_dim3A_1180 : vector<512x1xf32> to vector<512x128xf32>
    %eq3A_1208 = arith.cmpf oeq, %add3A_1206, %eq3A_1207 : vector<512x128xf32>
    %jit3A_1209 = arith.constant 0x7F800000 : f32
    %broadcast_in_dim3A_1210 = vector.broadcast %jit3A_1209 : f32 to vector<512x128xf32>
    %select_n3A_1211 = arith.select %eq3A_1208, %broadcast_in_dim3A_1210, %select_n3A_1088 : vector<512x128xi1>, vector<512x128xf32>
    %add3A_1212 = arith.constant 3.840000e+02 : f32
    %add3A_1213 = vector.broadcast %add3A_1212 : f32 to vector<512x128xf32>
    %add3A_1214 = arith.addf %add3A_1213, %convert_element_type3A : vector<512x128xf32>
    %eq3A_1215 = vector.broadcast %broadcast_in_dim3A_1180 : vector<512x1xf32> to vector<512x128xf32>
    %eq3A_1216 = arith.cmpf oeq, %add3A_1214, %eq3A_1215 : vector<512x128xf32>
    %jit3A_1217 = arith.constant 0x7F800000 : f32
    %broadcast_in_dim3A_1218 = vector.broadcast %jit3A_1217 : f32 to vector<512x128xf32>
    %select_n3A_1219 = arith.select %eq3A_1216, %broadcast_in_dim3A_1218, %select_n3A_1096 : vector<512x128xi1>, vector<512x128xf32>
    %add3A_1220 = arith.constant 5.120000e+02 : f32
    %add3A_1221 = vector.broadcast %add3A_1220 : f32 to vector<512x128xf32>
    %add3A_1222 = arith.addf %add3A_1221, %convert_element_type3A : vector<512x128xf32>
    %eq3A_1223 = vector.broadcast %broadcast_in_dim3A_1180 : vector<512x1xf32> to vector<512x128xf32>
    %eq3A_1224 = arith.cmpf oeq, %add3A_1222, %eq3A_1223 : vector<512x128xf32>
    %jit3A_1225 = arith.constant 0x7F800000 : f32
    %broadcast_in_dim3A_1226 = vector.broadcast %jit3A_1225 : f32 to vector<512x128xf32>
    %select_n3A_1227 = arith.select %eq3A_1224, %broadcast_in_dim3A_1226, %select_n3A_1104 : vector<512x128xi1>, vector<512x128xf32>
    %add3A_1228 = arith.constant 6.400000e+02 : f32
    %add3A_1229 = vector.broadcast %add3A_1228 : f32 to vector<512x128xf32>
    %add3A_1230 = arith.addf %add3A_1229, %convert_element_type3A : vector<512x128xf32>
    %eq3A_1231 = vector.broadcast %broadcast_in_dim3A_1180 : vector<512x1xf32> to vector<512x128xf32>
    %eq3A_1232 = arith.cmpf oeq, %add3A_1230, %eq3A_1231 : vector<512x128xf32>
    %jit3A_1233 = arith.constant 0x7F800000 : f32
    %broadcast_in_dim3A_1234 = vector.broadcast %jit3A_1233 : f32 to vector<512x128xf32>
    %select_n3A_1235 = arith.select %eq3A_1232, %broadcast_in_dim3A_1234, %select_n3A_1112 : vector<512x128xi1>, vector<512x128xf32>
    %add3A_1236 = arith.constant 7.680000e+02 : f32
    %add3A_1237 = vector.broadcast %add3A_1236 : f32 to vector<512x128xf32>
    %add3A_1238 = arith.addf %add3A_1237, %convert_element_type3A : vector<512x128xf32>
    %eq3A_1239 = vector.broadcast %broadcast_in_dim3A_1180 : vector<512x1xf32> to vector<512x128xf32>
    %eq3A_1240 = arith.cmpf oeq, %add3A_1238, %eq3A_1239 : vector<512x128xf32>
    %jit3A_1241 = arith.constant 0x7F800000 : f32
    %broadcast_in_dim3A_1242 = vector.broadcast %jit3A_1241 : f32 to vector<512x128xf32>
    %select_n3A_1243 = arith.select %eq3A_1240, %broadcast_in_dim3A_1242, %select_n3A_1120 : vector<512x128xi1>, vector<512x128xf32>
    %add3A_1244 = arith.constant 8.960000e+02 : f32
    %add3A_1245 = vector.broadcast %add3A_1244 : f32 to vector<512x128xf32>
    %add3A_1246 = arith.addf %add3A_1245, %convert_element_type3A : vector<512x128xf32>
    %eq3A_1247 = vector.broadcast %broadcast_in_dim3A_1180 : vector<512x1xf32> to vector<512x128xf32>
    %eq3A_1248 = arith.cmpf oeq, %add3A_1246, %eq3A_1247 : vector<512x128xf32>
    %jit3A_1249 = arith.constant 0x7F800000 : f32
    %broadcast_in_dim3A_1250 = vector.broadcast %jit3A_1249 : f32 to vector<512x128xf32>
    %select_n3A_1251 = arith.select %eq3A_1248, %broadcast_in_dim3A_1250, %select_n3A_1128 : vector<512x128xi1>, vector<512x128xf32>
    %lt3A_1252 = arith.cmpf olt, %select_n3A_1203, %select_n3A_1195 : vector<512x128xf32>
    %min3A_1253 = arith.minimumf %select_n3A_1195, %select_n3A_1203 : vector<512x128xf32>
    %jit3A_1254 = arith.constant 1.000000e+00 : f32
    %jit3A_1255 = arith.constant 0.000000e+00 : f32
    %broadcast_in_dim3A_1256 = vector.broadcast %jit3A_1254 : f32 to vector<512x128xf32>
    %broadcast_in_dim3A_1257 = vector.broadcast %jit3A_1255 : f32 to vector<512x128xf32>
    %select_n3A_1258 = arith.select %lt3A_1252, %broadcast_in_dim3A_1256, %broadcast_in_dim3A_1257 : vector<512x128xi1>, vector<512x128xf32>
    %lt3A_1259 = arith.cmpf olt, %select_n3A_1219, %select_n3A_1211 : vector<512x128xf32>
    %min3A_1260 = arith.minimumf %select_n3A_1211, %select_n3A_1219 : vector<512x128xf32>
    %jit3A_1261 = arith.constant 3.000000e+00 : f32
    %jit3A_1262 = arith.constant 2.000000e+00 : f32
    %broadcast_in_dim3A_1263 = vector.broadcast %jit3A_1261 : f32 to vector<512x128xf32>
    %broadcast_in_dim3A_1264 = vector.broadcast %jit3A_1262 : f32 to vector<512x128xf32>
    %select_n3A_1265 = arith.select %lt3A_1259, %broadcast_in_dim3A_1263, %broadcast_in_dim3A_1264 : vector<512x128xi1>, vector<512x128xf32>
    %lt3A_1266 = arith.cmpf olt, %select_n3A_1235, %select_n3A_1227 : vector<512x128xf32>
    %min3A_1267 = arith.minimumf %select_n3A_1227, %select_n3A_1235 : vector<512x128xf32>
    %jit3A_1268 = arith.constant 5.000000e+00 : f32
    %jit3A_1269 = arith.constant 4.000000e+00 : f32
    %broadcast_in_dim3A_1270 = vector.broadcast %jit3A_1268 : f32 to vector<512x128xf32>
    %broadcast_in_dim3A_1271 = vector.broadcast %jit3A_1269 : f32 to vector<512x128xf32>
    %select_n3A_1272 = arith.select %lt3A_1266, %broadcast_in_dim3A_1270, %broadcast_in_dim3A_1271 : vector<512x128xi1>, vector<512x128xf32>
    %lt3A_1273 = arith.cmpf olt, %select_n3A_1251, %select_n3A_1243 : vector<512x128xf32>
    %min3A_1274 = arith.minimumf %select_n3A_1243, %select_n3A_1251 : vector<512x128xf32>
    %jit3A_1275 = arith.constant 7.000000e+00 : f32
    %jit3A_1276 = arith.constant 6.000000e+00 : f32
    %broadcast_in_dim3A_1277 = vector.broadcast %jit3A_1275 : f32 to vector<512x128xf32>
    %broadcast_in_dim3A_1278 = vector.broadcast %jit3A_1276 : f32 to vector<512x128xf32>
    %select_n3A_1279 = arith.select %lt3A_1273, %broadcast_in_dim3A_1277, %broadcast_in_dim3A_1278 : vector<512x128xi1>, vector<512x128xf32>
    %lt3A_1280 = arith.cmpf olt, %min3A_1260, %min3A_1253 : vector<512x128xf32>
    %min3A_1281 = arith.minimumf %min3A_1253, %min3A_1260 : vector<512x128xf32>
    %select_n3A_1282 = arith.select %lt3A_1280, %select_n3A_1265, %select_n3A_1258 : vector<512x128xi1>, vector<512x128xf32>
    %lt3A_1283 = arith.cmpf olt, %min3A_1274, %min3A_1267 : vector<512x128xf32>
    %min3A_1284 = arith.minimumf %min3A_1267, %min3A_1274 : vector<512x128xf32>
    %select_n3A_1285 = arith.select %lt3A_1283, %select_n3A_1279, %select_n3A_1272 : vector<512x128xi1>, vector<512x128xf32>
    %lt3A_1286 = arith.cmpf olt, %min3A_1284, %min3A_1281 : vector<512x128xf32>
    %min3A_1287 = arith.minimumf %min3A_1281, %min3A_1284 : vector<512x128xf32>
    %select_n3A_1288 = arith.select %lt3A_1286, %select_n3A_1285, %select_n3A_1282 : vector<512x128xi1>, vector<512x128xf32>
    %reduce_min3A_1289 = arith.constant dense<0x7F800000> : vector<512xf32>
    %reduce_min3A_1290 = vector.multi_reduction <minimumf>, %min3A_1287, %reduce_min3A_1289 [1] : vector<512x128xf32> to vector<512xf32>
    %broadcast_in_dim3A_1291 = vector.shape_cast %reduce_min3A_1290 : vector<512xf32> to vector<512x1xf32>
    %eq3A_1292 = vector.broadcast %broadcast_in_dim3A_1291 : vector<512x1xf32> to vector<512x128xf32>
    %eq3A_1293 = arith.cmpf oeq, %min3A_1287, %eq3A_1292 : vector<512x128xf32>
    %mul3A_1294 = arith.constant 1.280000e+02 : f32
    %mul3A_1295 = vector.broadcast %mul3A_1294 : f32 to vector<512x128xf32>
    %mul3A_1296 = arith.mulf %select_n3A_1288, %mul3A_1295 : vector<512x128xf32>
    %add3A_1297 = arith.addf %mul3A_1296, %convert_element_type3A : vector<512x128xf32>
    %jit3A_1298 = arith.constant 1.024000e+03 : f32
    %broadcast_in_dim3A_1299 = vector.broadcast %jit3A_1298 : f32 to vector<512x128xf32>
    %select_n3A_1300 = arith.select %eq3A_1293, %add3A_1297, %broadcast_in_dim3A_1299 : vector<512x128xi1>, vector<512x128xf32>
    %reduce_min3A_1301 = arith.constant dense<0x7F800000> : vector<512xf32>
    %reduce_min3A_1302 = vector.multi_reduction <minimumf>, %select_n3A_1300, %reduce_min3A_1301 [1] : vector<512x128xf32> to vector<512xf32>
    %broadcast_in_dim3A_1303 = vector.shape_cast %reduce_min3A_1302 : vector<512xf32> to vector<512x1xf32>
    %jit3A_1304 = arith.constant 3.40282347E+38 : f32
    %broadcast_in_dim3A_1305 = vector.broadcast %jit3A_1304 : f32 to vector<512x1xf32>
    %select_n3A_1306 = arith.select %ge3A_1006, %broadcast_in_dim3A_1305, %broadcast_in_dim3A_1291 : vector<512x1xi1>, vector<512x1xf32>
    %convert_element_type3A_1307 = arith.fptosi %broadcast_in_dim3A_1303 : vector<512x1xf32> to vector<512x1xi32>
    %jit3A_1308 = arith.constant 3 : i32
    %broadcast_in_dim3A_1309 = vector.broadcast %jit3A_1308 : i32 to vector<512x1xi32>
    %select_n3A_1310 = arith.select %ge3A_1006, %broadcast_in_dim3A_1309, %convert_element_type3A_1307 : vector<512x1xi1>, vector<512x1xi32>
    %add3A_1311 = arith.constant 0.000000e+00 : f32
    %add3A_1312 = vector.broadcast %add3A_1311 : f32 to vector<512x128xf32>
    %add3A_1313 = arith.addf %add3A_1312, %convert_element_type3A : vector<512x128xf32>
    %eq3A_1314 = vector.broadcast %broadcast_in_dim3A_1303 : vector<512x1xf32> to vector<512x128xf32>
    %eq3A_1315 = arith.cmpf oeq, %add3A_1313, %eq3A_1314 : vector<512x128xf32>
    %jit3A_1316 = arith.constant 0x7F800000 : f32
    %broadcast_in_dim3A_1317 = vector.broadcast %jit3A_1316 : f32 to vector<512x128xf32>
    %select_n3A_1318 = arith.select %eq3A_1315, %broadcast_in_dim3A_1317, %select_n3A_1195 : vector<512x128xi1>, vector<512x128xf32>
    %add3A_1319 = arith.constant 1.280000e+02 : f32
    %add3A_1320 = vector.broadcast %add3A_1319 : f32 to vector<512x128xf32>
    %add3A_1321 = arith.addf %add3A_1320, %convert_element_type3A : vector<512x128xf32>
    %eq3A_1322 = vector.broadcast %broadcast_in_dim3A_1303 : vector<512x1xf32> to vector<512x128xf32>
    %eq3A_1323 = arith.cmpf oeq, %add3A_1321, %eq3A_1322 : vector<512x128xf32>
    %jit3A_1324 = arith.constant 0x7F800000 : f32
    %broadcast_in_dim3A_1325 = vector.broadcast %jit3A_1324 : f32 to vector<512x128xf32>
    %select_n3A_1326 = arith.select %eq3A_1323, %broadcast_in_dim3A_1325, %select_n3A_1203 : vector<512x128xi1>, vector<512x128xf32>
    %add3A_1327 = arith.constant 2.560000e+02 : f32
    %add3A_1328 = vector.broadcast %add3A_1327 : f32 to vector<512x128xf32>
    %add3A_1329 = arith.addf %add3A_1328, %convert_element_type3A : vector<512x128xf32>
    %eq3A_1330 = vector.broadcast %broadcast_in_dim3A_1303 : vector<512x1xf32> to vector<512x128xf32>
    %eq3A_1331 = arith.cmpf oeq, %add3A_1329, %eq3A_1330 : vector<512x128xf32>
    %jit3A_1332 = arith.constant 0x7F800000 : f32
    %broadcast_in_dim3A_1333 = vector.broadcast %jit3A_1332 : f32 to vector<512x128xf32>
    %select_n3A_1334 = arith.select %eq3A_1331, %broadcast_in_dim3A_1333, %select_n3A_1211 : vector<512x128xi1>, vector<512x128xf32>
    %add3A_1335 = arith.constant 3.840000e+02 : f32
    %add3A_1336 = vector.broadcast %add3A_1335 : f32 to vector<512x128xf32>
    %add3A_1337 = arith.addf %add3A_1336, %convert_element_type3A : vector<512x128xf32>
    %eq3A_1338 = vector.broadcast %broadcast_in_dim3A_1303 : vector<512x1xf32> to vector<512x128xf32>
    %eq3A_1339 = arith.cmpf oeq, %add3A_1337, %eq3A_1338 : vector<512x128xf32>
    %jit3A_1340 = arith.constant 0x7F800000 : f32
    %broadcast_in_dim3A_1341 = vector.broadcast %jit3A_1340 : f32 to vector<512x128xf32>
    %select_n3A_1342 = arith.select %eq3A_1339, %broadcast_in_dim3A_1341, %select_n3A_1219 : vector<512x128xi1>, vector<512x128xf32>
    %add3A_1343 = arith.constant 5.120000e+02 : f32
    %add3A_1344 = vector.broadcast %add3A_1343 : f32 to vector<512x128xf32>
    %add3A_1345 = arith.addf %add3A_1344, %convert_element_type3A : vector<512x128xf32>
    %eq3A_1346 = vector.broadcast %broadcast_in_dim3A_1303 : vector<512x1xf32> to vector<512x128xf32>
    %eq3A_1347 = arith.cmpf oeq, %add3A_1345, %eq3A_1346 : vector<512x128xf32>
    %jit3A_1348 = arith.constant 0x7F800000 : f32
    %broadcast_in_dim3A_1349 = vector.broadcast %jit3A_1348 : f32 to vector<512x128xf32>
    %select_n3A_1350 = arith.select %eq3A_1347, %broadcast_in_dim3A_1349, %select_n3A_1227 : vector<512x128xi1>, vector<512x128xf32>
    %add3A_1351 = arith.constant 6.400000e+02 : f32
    %add3A_1352 = vector.broadcast %add3A_1351 : f32 to vector<512x128xf32>
    %add3A_1353 = arith.addf %add3A_1352, %convert_element_type3A : vector<512x128xf32>
    %eq3A_1354 = vector.broadcast %broadcast_in_dim3A_1303 : vector<512x1xf32> to vector<512x128xf32>
    %eq3A_1355 = arith.cmpf oeq, %add3A_1353, %eq3A_1354 : vector<512x128xf32>
    %jit3A_1356 = arith.constant 0x7F800000 : f32
    %broadcast_in_dim3A_1357 = vector.broadcast %jit3A_1356 : f32 to vector<512x128xf32>
    %select_n3A_1358 = arith.select %eq3A_1355, %broadcast_in_dim3A_1357, %select_n3A_1235 : vector<512x128xi1>, vector<512x128xf32>
    %add3A_1359 = arith.constant 7.680000e+02 : f32
    %add3A_1360 = vector.broadcast %add3A_1359 : f32 to vector<512x128xf32>
    %add3A_1361 = arith.addf %add3A_1360, %convert_element_type3A : vector<512x128xf32>
    %eq3A_1362 = vector.broadcast %broadcast_in_dim3A_1303 : vector<512x1xf32> to vector<512x128xf32>
    %eq3A_1363 = arith.cmpf oeq, %add3A_1361, %eq3A_1362 : vector<512x128xf32>
    %jit3A_1364 = arith.constant 0x7F800000 : f32
    %broadcast_in_dim3A_1365 = vector.broadcast %jit3A_1364 : f32 to vector<512x128xf32>
    %select_n3A_1366 = arith.select %eq3A_1363, %broadcast_in_dim3A_1365, %select_n3A_1243 : vector<512x128xi1>, vector<512x128xf32>
    %add3A_1367 = arith.constant 8.960000e+02 : f32
    %add3A_1368 = vector.broadcast %add3A_1367 : f32 to vector<512x128xf32>
    %add3A_1369 = arith.addf %add3A_1368, %convert_element_type3A : vector<512x128xf32>
    %eq3A_1370 = vector.broadcast %broadcast_in_dim3A_1303 : vector<512x1xf32> to vector<512x128xf32>
    %eq3A_1371 = arith.cmpf oeq, %add3A_1369, %eq3A_1370 : vector<512x128xf32>
    %jit3A_1372 = arith.constant 0x7F800000 : f32
    %broadcast_in_dim3A_1373 = vector.broadcast %jit3A_1372 : f32 to vector<512x128xf32>
    %select_n3A_1374 = arith.select %eq3A_1371, %broadcast_in_dim3A_1373, %select_n3A_1251 : vector<512x128xi1>, vector<512x128xf32>
    %lt3A_1375 = arith.cmpf olt, %select_n3A_1326, %select_n3A_1318 : vector<512x128xf32>
    %min3A_1376 = arith.minimumf %select_n3A_1318, %select_n3A_1326 : vector<512x128xf32>
    %jit3A_1377 = arith.constant 1.000000e+00 : f32
    %jit3A_1378 = arith.constant 0.000000e+00 : f32
    %broadcast_in_dim3A_1379 = vector.broadcast %jit3A_1377 : f32 to vector<512x128xf32>
    %broadcast_in_dim3A_1380 = vector.broadcast %jit3A_1378 : f32 to vector<512x128xf32>
    %select_n3A_1381 = arith.select %lt3A_1375, %broadcast_in_dim3A_1379, %broadcast_in_dim3A_1380 : vector<512x128xi1>, vector<512x128xf32>
    %lt3A_1382 = arith.cmpf olt, %select_n3A_1342, %select_n3A_1334 : vector<512x128xf32>
    %min3A_1383 = arith.minimumf %select_n3A_1334, %select_n3A_1342 : vector<512x128xf32>
    %jit3A_1384 = arith.constant 3.000000e+00 : f32
    %jit3A_1385 = arith.constant 2.000000e+00 : f32
    %broadcast_in_dim3A_1386 = vector.broadcast %jit3A_1384 : f32 to vector<512x128xf32>
    %broadcast_in_dim3A_1387 = vector.broadcast %jit3A_1385 : f32 to vector<512x128xf32>
    %select_n3A_1388 = arith.select %lt3A_1382, %broadcast_in_dim3A_1386, %broadcast_in_dim3A_1387 : vector<512x128xi1>, vector<512x128xf32>
    %lt3A_1389 = arith.cmpf olt, %select_n3A_1358, %select_n3A_1350 : vector<512x128xf32>
    %min3A_1390 = arith.minimumf %select_n3A_1350, %select_n3A_1358 : vector<512x128xf32>
    %jit3A_1391 = arith.constant 5.000000e+00 : f32
    %jit3A_1392 = arith.constant 4.000000e+00 : f32
    %broadcast_in_dim3A_1393 = vector.broadcast %jit3A_1391 : f32 to vector<512x128xf32>
    %broadcast_in_dim3A_1394 = vector.broadcast %jit3A_1392 : f32 to vector<512x128xf32>
    %select_n3A_1395 = arith.select %lt3A_1389, %broadcast_in_dim3A_1393, %broadcast_in_dim3A_1394 : vector<512x128xi1>, vector<512x128xf32>
    %lt3A_1396 = arith.cmpf olt, %select_n3A_1374, %select_n3A_1366 : vector<512x128xf32>
    %min3A_1397 = arith.minimumf %select_n3A_1366, %select_n3A_1374 : vector<512x128xf32>
    %jit3A_1398 = arith.constant 7.000000e+00 : f32
    %jit3A_1399 = arith.constant 6.000000e+00 : f32
    %broadcast_in_dim3A_1400 = vector.broadcast %jit3A_1398 : f32 to vector<512x128xf32>
    %broadcast_in_dim3A_1401 = vector.broadcast %jit3A_1399 : f32 to vector<512x128xf32>
    %select_n3A_1402 = arith.select %lt3A_1396, %broadcast_in_dim3A_1400, %broadcast_in_dim3A_1401 : vector<512x128xi1>, vector<512x128xf32>
    %lt3A_1403 = arith.cmpf olt, %min3A_1383, %min3A_1376 : vector<512x128xf32>
    %min3A_1404 = arith.minimumf %min3A_1376, %min3A_1383 : vector<512x128xf32>
    %select_n3A_1405 = arith.select %lt3A_1403, %select_n3A_1388, %select_n3A_1381 : vector<512x128xi1>, vector<512x128xf32>
    %lt3A_1406 = arith.cmpf olt, %min3A_1397, %min3A_1390 : vector<512x128xf32>
    %min3A_1407 = arith.minimumf %min3A_1390, %min3A_1397 : vector<512x128xf32>
    %select_n3A_1408 = arith.select %lt3A_1406, %select_n3A_1402, %select_n3A_1395 : vector<512x128xi1>, vector<512x128xf32>
    %lt3A_1409 = arith.cmpf olt, %min3A_1407, %min3A_1404 : vector<512x128xf32>
    %min3A_1410 = arith.minimumf %min3A_1404, %min3A_1407 : vector<512x128xf32>
    %select_n3A_1411 = arith.select %lt3A_1409, %select_n3A_1408, %select_n3A_1405 : vector<512x128xi1>, vector<512x128xf32>
    %reduce_min3A_1412 = arith.constant dense<0x7F800000> : vector<512xf32>
    %reduce_min3A_1413 = vector.multi_reduction <minimumf>, %min3A_1410, %reduce_min3A_1412 [1] : vector<512x128xf32> to vector<512xf32>
    %broadcast_in_dim3A_1414 = vector.shape_cast %reduce_min3A_1413 : vector<512xf32> to vector<512x1xf32>
    %eq3A_1415 = vector.broadcast %broadcast_in_dim3A_1414 : vector<512x1xf32> to vector<512x128xf32>
    %eq3A_1416 = arith.cmpf oeq, %min3A_1410, %eq3A_1415 : vector<512x128xf32>
    %mul3A_1417 = arith.constant 1.280000e+02 : f32
    %mul3A_1418 = vector.broadcast %mul3A_1417 : f32 to vector<512x128xf32>
    %mul3A_1419 = arith.mulf %select_n3A_1411, %mul3A_1418 : vector<512x128xf32>
    %add3A_1420 = arith.addf %mul3A_1419, %convert_element_type3A : vector<512x128xf32>
    %jit3A_1421 = arith.constant 1.024000e+03 : f32
    %broadcast_in_dim3A_1422 = vector.broadcast %jit3A_1421 : f32 to vector<512x128xf32>
    %select_n3A_1423 = arith.select %eq3A_1416, %add3A_1420, %broadcast_in_dim3A_1422 : vector<512x128xi1>, vector<512x128xf32>
    %reduce_min3A_1424 = arith.constant dense<0x7F800000> : vector<512xf32>
    %reduce_min3A_1425 = vector.multi_reduction <minimumf>, %select_n3A_1423, %reduce_min3A_1424 [1] : vector<512x128xf32> to vector<512xf32>
    %broadcast_in_dim3A_1426 = vector.shape_cast %reduce_min3A_1425 : vector<512xf32> to vector<512x1xf32>
    %jit3A_1427 = arith.constant 3.40282347E+38 : f32
    %broadcast_in_dim3A_1428 = vector.broadcast %jit3A_1427 : f32 to vector<512x1xf32>
    %select_n3A_1429 = arith.select %ge3A_1006, %broadcast_in_dim3A_1428, %broadcast_in_dim3A_1414 : vector<512x1xi1>, vector<512x1xf32>
    %convert_element_type3A_1430 = arith.fptosi %broadcast_in_dim3A_1426 : vector<512x1xf32> to vector<512x1xi32>
    %jit3A_1431 = arith.constant 4 : i32
    %broadcast_in_dim3A_1432 = vector.broadcast %jit3A_1431 : i32 to vector<512x1xi32>
    %select_n3A_1433 = arith.select %ge3A_1006, %broadcast_in_dim3A_1432, %convert_element_type3A_1430 : vector<512x1xi1>, vector<512x1xi32>
    %add3A_1434 = arith.constant 0.000000e+00 : f32
    %add3A_1435 = vector.broadcast %add3A_1434 : f32 to vector<512x128xf32>
    %add3A_1436 = arith.addf %add3A_1435, %convert_element_type3A : vector<512x128xf32>
    %eq3A_1437 = vector.broadcast %broadcast_in_dim3A_1426 : vector<512x1xf32> to vector<512x128xf32>
    %eq3A_1438 = arith.cmpf oeq, %add3A_1436, %eq3A_1437 : vector<512x128xf32>
    %jit3A_1439 = arith.constant 0x7F800000 : f32
    %broadcast_in_dim3A_1440 = vector.broadcast %jit3A_1439 : f32 to vector<512x128xf32>
    %select_n3A_1441 = arith.select %eq3A_1438, %broadcast_in_dim3A_1440, %select_n3A_1318 : vector<512x128xi1>, vector<512x128xf32>
    %add3A_1442 = arith.constant 1.280000e+02 : f32
    %add3A_1443 = vector.broadcast %add3A_1442 : f32 to vector<512x128xf32>
    %add3A_1444 = arith.addf %add3A_1443, %convert_element_type3A : vector<512x128xf32>
    %eq3A_1445 = vector.broadcast %broadcast_in_dim3A_1426 : vector<512x1xf32> to vector<512x128xf32>
    %eq3A_1446 = arith.cmpf oeq, %add3A_1444, %eq3A_1445 : vector<512x128xf32>
    %jit3A_1447 = arith.constant 0x7F800000 : f32
    %broadcast_in_dim3A_1448 = vector.broadcast %jit3A_1447 : f32 to vector<512x128xf32>
    %select_n3A_1449 = arith.select %eq3A_1446, %broadcast_in_dim3A_1448, %select_n3A_1326 : vector<512x128xi1>, vector<512x128xf32>
    %add3A_1450 = arith.constant 2.560000e+02 : f32
    %add3A_1451 = vector.broadcast %add3A_1450 : f32 to vector<512x128xf32>
    %add3A_1452 = arith.addf %add3A_1451, %convert_element_type3A : vector<512x128xf32>
    %eq3A_1453 = vector.broadcast %broadcast_in_dim3A_1426 : vector<512x1xf32> to vector<512x128xf32>
    %eq3A_1454 = arith.cmpf oeq, %add3A_1452, %eq3A_1453 : vector<512x128xf32>
    %jit3A_1455 = arith.constant 0x7F800000 : f32
    %broadcast_in_dim3A_1456 = vector.broadcast %jit3A_1455 : f32 to vector<512x128xf32>
    %select_n3A_1457 = arith.select %eq3A_1454, %broadcast_in_dim3A_1456, %select_n3A_1334 : vector<512x128xi1>, vector<512x128xf32>
    %add3A_1458 = arith.constant 3.840000e+02 : f32
    %add3A_1459 = vector.broadcast %add3A_1458 : f32 to vector<512x128xf32>
    %add3A_1460 = arith.addf %add3A_1459, %convert_element_type3A : vector<512x128xf32>
    %eq3A_1461 = vector.broadcast %broadcast_in_dim3A_1426 : vector<512x1xf32> to vector<512x128xf32>
    %eq3A_1462 = arith.cmpf oeq, %add3A_1460, %eq3A_1461 : vector<512x128xf32>
    %jit3A_1463 = arith.constant 0x7F800000 : f32
    %broadcast_in_dim3A_1464 = vector.broadcast %jit3A_1463 : f32 to vector<512x128xf32>
    %select_n3A_1465 = arith.select %eq3A_1462, %broadcast_in_dim3A_1464, %select_n3A_1342 : vector<512x128xi1>, vector<512x128xf32>
    %add3A_1466 = arith.constant 5.120000e+02 : f32
    %add3A_1467 = vector.broadcast %add3A_1466 : f32 to vector<512x128xf32>
    %add3A_1468 = arith.addf %add3A_1467, %convert_element_type3A : vector<512x128xf32>
    %eq3A_1469 = vector.broadcast %broadcast_in_dim3A_1426 : vector<512x1xf32> to vector<512x128xf32>
    %eq3A_1470 = arith.cmpf oeq, %add3A_1468, %eq3A_1469 : vector<512x128xf32>
    %jit3A_1471 = arith.constant 0x7F800000 : f32
    %broadcast_in_dim3A_1472 = vector.broadcast %jit3A_1471 : f32 to vector<512x128xf32>
    %select_n3A_1473 = arith.select %eq3A_1470, %broadcast_in_dim3A_1472, %select_n3A_1350 : vector<512x128xi1>, vector<512x128xf32>
    %add3A_1474 = arith.constant 6.400000e+02 : f32
    %add3A_1475 = vector.broadcast %add3A_1474 : f32 to vector<512x128xf32>
    %add3A_1476 = arith.addf %add3A_1475, %convert_element_type3A : vector<512x128xf32>
    %eq3A_1477 = vector.broadcast %broadcast_in_dim3A_1426 : vector<512x1xf32> to vector<512x128xf32>
    %eq3A_1478 = arith.cmpf oeq, %add3A_1476, %eq3A_1477 : vector<512x128xf32>
    %jit3A_1479 = arith.constant 0x7F800000 : f32
    %broadcast_in_dim3A_1480 = vector.broadcast %jit3A_1479 : f32 to vector<512x128xf32>
    %select_n3A_1481 = arith.select %eq3A_1478, %broadcast_in_dim3A_1480, %select_n3A_1358 : vector<512x128xi1>, vector<512x128xf32>
    %add3A_1482 = arith.constant 7.680000e+02 : f32
    %add3A_1483 = vector.broadcast %add3A_1482 : f32 to vector<512x128xf32>
    %add3A_1484 = arith.addf %add3A_1483, %convert_element_type3A : vector<512x128xf32>
    %eq3A_1485 = vector.broadcast %broadcast_in_dim3A_1426 : vector<512x1xf32> to vector<512x128xf32>
    %eq3A_1486 = arith.cmpf oeq, %add3A_1484, %eq3A_1485 : vector<512x128xf32>
    %jit3A_1487 = arith.constant 0x7F800000 : f32
    %broadcast_in_dim3A_1488 = vector.broadcast %jit3A_1487 : f32 to vector<512x128xf32>
    %select_n3A_1489 = arith.select %eq3A_1486, %broadcast_in_dim3A_1488, %select_n3A_1366 : vector<512x128xi1>, vector<512x128xf32>
    %add3A_1490 = arith.constant 8.960000e+02 : f32
    %add3A_1491 = vector.broadcast %add3A_1490 : f32 to vector<512x128xf32>
    %add3A_1492 = arith.addf %add3A_1491, %convert_element_type3A : vector<512x128xf32>
    %eq3A_1493 = vector.broadcast %broadcast_in_dim3A_1426 : vector<512x1xf32> to vector<512x128xf32>
    %eq3A_1494 = arith.cmpf oeq, %add3A_1492, %eq3A_1493 : vector<512x128xf32>
    %jit3A_1495 = arith.constant 0x7F800000 : f32
    %broadcast_in_dim3A_1496 = vector.broadcast %jit3A_1495 : f32 to vector<512x128xf32>
    %select_n3A_1497 = arith.select %eq3A_1494, %broadcast_in_dim3A_1496, %select_n3A_1374 : vector<512x128xi1>, vector<512x128xf32>
    %lt3A_1498 = arith.cmpf olt, %select_n3A_1449, %select_n3A_1441 : vector<512x128xf32>
    %min3A_1499 = arith.minimumf %select_n3A_1441, %select_n3A_1449 : vector<512x128xf32>
    %jit3A_1500 = arith.constant 1.000000e+00 : f32
    %jit3A_1501 = arith.constant 0.000000e+00 : f32
    %broadcast_in_dim3A_1502 = vector.broadcast %jit3A_1500 : f32 to vector<512x128xf32>
    %broadcast_in_dim3A_1503 = vector.broadcast %jit3A_1501 : f32 to vector<512x128xf32>
    %select_n3A_1504 = arith.select %lt3A_1498, %broadcast_in_dim3A_1502, %broadcast_in_dim3A_1503 : vector<512x128xi1>, vector<512x128xf32>
    %lt3A_1505 = arith.cmpf olt, %select_n3A_1465, %select_n3A_1457 : vector<512x128xf32>
    %min3A_1506 = arith.minimumf %select_n3A_1457, %select_n3A_1465 : vector<512x128xf32>
    %jit3A_1507 = arith.constant 3.000000e+00 : f32
    %jit3A_1508 = arith.constant 2.000000e+00 : f32
    %broadcast_in_dim3A_1509 = vector.broadcast %jit3A_1507 : f32 to vector<512x128xf32>
    %broadcast_in_dim3A_1510 = vector.broadcast %jit3A_1508 : f32 to vector<512x128xf32>
    %select_n3A_1511 = arith.select %lt3A_1505, %broadcast_in_dim3A_1509, %broadcast_in_dim3A_1510 : vector<512x128xi1>, vector<512x128xf32>
    %lt3A_1512 = arith.cmpf olt, %select_n3A_1481, %select_n3A_1473 : vector<512x128xf32>
    %min3A_1513 = arith.minimumf %select_n3A_1473, %select_n3A_1481 : vector<512x128xf32>
    %jit3A_1514 = arith.constant 5.000000e+00 : f32
    %jit3A_1515 = arith.constant 4.000000e+00 : f32
    %broadcast_in_dim3A_1516 = vector.broadcast %jit3A_1514 : f32 to vector<512x128xf32>
    %broadcast_in_dim3A_1517 = vector.broadcast %jit3A_1515 : f32 to vector<512x128xf32>
    %select_n3A_1518 = arith.select %lt3A_1512, %broadcast_in_dim3A_1516, %broadcast_in_dim3A_1517 : vector<512x128xi1>, vector<512x128xf32>
    %lt3A_1519 = arith.cmpf olt, %select_n3A_1497, %select_n3A_1489 : vector<512x128xf32>
    %min3A_1520 = arith.minimumf %select_n3A_1489, %select_n3A_1497 : vector<512x128xf32>
    %jit3A_1521 = arith.constant 7.000000e+00 : f32
    %jit3A_1522 = arith.constant 6.000000e+00 : f32
    %broadcast_in_dim3A_1523 = vector.broadcast %jit3A_1521 : f32 to vector<512x128xf32>
    %broadcast_in_dim3A_1524 = vector.broadcast %jit3A_1522 : f32 to vector<512x128xf32>
    %select_n3A_1525 = arith.select %lt3A_1519, %broadcast_in_dim3A_1523, %broadcast_in_dim3A_1524 : vector<512x128xi1>, vector<512x128xf32>
    %lt3A_1526 = arith.cmpf olt, %min3A_1506, %min3A_1499 : vector<512x128xf32>
    %min3A_1527 = arith.minimumf %min3A_1499, %min3A_1506 : vector<512x128xf32>
    %select_n3A_1528 = arith.select %lt3A_1526, %select_n3A_1511, %select_n3A_1504 : vector<512x128xi1>, vector<512x128xf32>
    %lt3A_1529 = arith.cmpf olt, %min3A_1520, %min3A_1513 : vector<512x128xf32>
    %min3A_1530 = arith.minimumf %min3A_1513, %min3A_1520 : vector<512x128xf32>
    %select_n3A_1531 = arith.select %lt3A_1529, %select_n3A_1525, %select_n3A_1518 : vector<512x128xi1>, vector<512x128xf32>
    %lt3A_1532 = arith.cmpf olt, %min3A_1530, %min3A_1527 : vector<512x128xf32>
    %min3A_1533 = arith.minimumf %min3A_1527, %min3A_1530 : vector<512x128xf32>
    %select_n3A_1534 = arith.select %lt3A_1532, %select_n3A_1531, %select_n3A_1528 : vector<512x128xi1>, vector<512x128xf32>
    %reduce_min3A_1535 = arith.constant dense<0x7F800000> : vector<512xf32>
    %reduce_min3A_1536 = vector.multi_reduction <minimumf>, %min3A_1533, %reduce_min3A_1535 [1] : vector<512x128xf32> to vector<512xf32>
    %broadcast_in_dim3A_1537 = vector.shape_cast %reduce_min3A_1536 : vector<512xf32> to vector<512x1xf32>
    %eq3A_1538 = vector.broadcast %broadcast_in_dim3A_1537 : vector<512x1xf32> to vector<512x128xf32>
    %eq3A_1539 = arith.cmpf oeq, %min3A_1533, %eq3A_1538 : vector<512x128xf32>
    %mul3A_1540 = arith.constant 1.280000e+02 : f32
    %mul3A_1541 = vector.broadcast %mul3A_1540 : f32 to vector<512x128xf32>
    %mul3A_1542 = arith.mulf %select_n3A_1534, %mul3A_1541 : vector<512x128xf32>
    %add3A_1543 = arith.addf %mul3A_1542, %convert_element_type3A : vector<512x128xf32>
    %jit3A_1544 = arith.constant 1.024000e+03 : f32
    %broadcast_in_dim3A_1545 = vector.broadcast %jit3A_1544 : f32 to vector<512x128xf32>
    %select_n3A_1546 = arith.select %eq3A_1539, %add3A_1543, %broadcast_in_dim3A_1545 : vector<512x128xi1>, vector<512x128xf32>
    %reduce_min3A_1547 = arith.constant dense<0x7F800000> : vector<512xf32>
    %reduce_min3A_1548 = vector.multi_reduction <minimumf>, %select_n3A_1546, %reduce_min3A_1547 [1] : vector<512x128xf32> to vector<512xf32>
    %broadcast_in_dim3A_1549 = vector.shape_cast %reduce_min3A_1548 : vector<512xf32> to vector<512x1xf32>
    %jit3A_1550 = arith.constant 3.40282347E+38 : f32
    %broadcast_in_dim3A_1551 = vector.broadcast %jit3A_1550 : f32 to vector<512x1xf32>
    %select_n3A_1552 = arith.select %ge3A_1006, %broadcast_in_dim3A_1551, %broadcast_in_dim3A_1537 : vector<512x1xi1>, vector<512x1xf32>
    %convert_element_type3A_1553 = arith.fptosi %broadcast_in_dim3A_1549 : vector<512x1xf32> to vector<512x1xi32>
    %jit3A_1554 = arith.constant 5 : i32
    %broadcast_in_dim3A_1555 = vector.broadcast %jit3A_1554 : i32 to vector<512x1xi32>
    %select_n3A_1556 = arith.select %ge3A_1006, %broadcast_in_dim3A_1555, %convert_element_type3A_1553 : vector<512x1xi1>, vector<512x1xi32>
    %add3A_1557 = arith.constant 0.000000e+00 : f32
    %add3A_1558 = vector.broadcast %add3A_1557 : f32 to vector<512x128xf32>
    %add3A_1559 = arith.addf %add3A_1558, %convert_element_type3A : vector<512x128xf32>
    %eq3A_1560 = vector.broadcast %broadcast_in_dim3A_1549 : vector<512x1xf32> to vector<512x128xf32>
    %eq3A_1561 = arith.cmpf oeq, %add3A_1559, %eq3A_1560 : vector<512x128xf32>
    %jit3A_1562 = arith.constant 0x7F800000 : f32
    %broadcast_in_dim3A_1563 = vector.broadcast %jit3A_1562 : f32 to vector<512x128xf32>
    %select_n3A_1564 = arith.select %eq3A_1561, %broadcast_in_dim3A_1563, %select_n3A_1441 : vector<512x128xi1>, vector<512x128xf32>
    %add3A_1565 = arith.constant 1.280000e+02 : f32
    %add3A_1566 = vector.broadcast %add3A_1565 : f32 to vector<512x128xf32>
    %add3A_1567 = arith.addf %add3A_1566, %convert_element_type3A : vector<512x128xf32>
    %eq3A_1568 = vector.broadcast %broadcast_in_dim3A_1549 : vector<512x1xf32> to vector<512x128xf32>
    %eq3A_1569 = arith.cmpf oeq, %add3A_1567, %eq3A_1568 : vector<512x128xf32>
    %jit3A_1570 = arith.constant 0x7F800000 : f32
    %broadcast_in_dim3A_1571 = vector.broadcast %jit3A_1570 : f32 to vector<512x128xf32>
    %select_n3A_1572 = arith.select %eq3A_1569, %broadcast_in_dim3A_1571, %select_n3A_1449 : vector<512x128xi1>, vector<512x128xf32>
    %add3A_1573 = arith.constant 2.560000e+02 : f32
    %add3A_1574 = vector.broadcast %add3A_1573 : f32 to vector<512x128xf32>
    %add3A_1575 = arith.addf %add3A_1574, %convert_element_type3A : vector<512x128xf32>
    %eq3A_1576 = vector.broadcast %broadcast_in_dim3A_1549 : vector<512x1xf32> to vector<512x128xf32>
    %eq3A_1577 = arith.cmpf oeq, %add3A_1575, %eq3A_1576 : vector<512x128xf32>
    %jit3A_1578 = arith.constant 0x7F800000 : f32
    %broadcast_in_dim3A_1579 = vector.broadcast %jit3A_1578 : f32 to vector<512x128xf32>
    %select_n3A_1580 = arith.select %eq3A_1577, %broadcast_in_dim3A_1579, %select_n3A_1457 : vector<512x128xi1>, vector<512x128xf32>
    %add3A_1581 = arith.constant 3.840000e+02 : f32
    %add3A_1582 = vector.broadcast %add3A_1581 : f32 to vector<512x128xf32>
    %add3A_1583 = arith.addf %add3A_1582, %convert_element_type3A : vector<512x128xf32>
    %eq3A_1584 = vector.broadcast %broadcast_in_dim3A_1549 : vector<512x1xf32> to vector<512x128xf32>
    %eq3A_1585 = arith.cmpf oeq, %add3A_1583, %eq3A_1584 : vector<512x128xf32>
    %jit3A_1586 = arith.constant 0x7F800000 : f32
    %broadcast_in_dim3A_1587 = vector.broadcast %jit3A_1586 : f32 to vector<512x128xf32>
    %select_n3A_1588 = arith.select %eq3A_1585, %broadcast_in_dim3A_1587, %select_n3A_1465 : vector<512x128xi1>, vector<512x128xf32>
    %add3A_1589 = arith.constant 5.120000e+02 : f32
    %add3A_1590 = vector.broadcast %add3A_1589 : f32 to vector<512x128xf32>
    %add3A_1591 = arith.addf %add3A_1590, %convert_element_type3A : vector<512x128xf32>
    %eq3A_1592 = vector.broadcast %broadcast_in_dim3A_1549 : vector<512x1xf32> to vector<512x128xf32>
    %eq3A_1593 = arith.cmpf oeq, %add3A_1591, %eq3A_1592 : vector<512x128xf32>
    %jit3A_1594 = arith.constant 0x7F800000 : f32
    %broadcast_in_dim3A_1595 = vector.broadcast %jit3A_1594 : f32 to vector<512x128xf32>
    %select_n3A_1596 = arith.select %eq3A_1593, %broadcast_in_dim3A_1595, %select_n3A_1473 : vector<512x128xi1>, vector<512x128xf32>
    %add3A_1597 = arith.constant 6.400000e+02 : f32
    %add3A_1598 = vector.broadcast %add3A_1597 : f32 to vector<512x128xf32>
    %add3A_1599 = arith.addf %add3A_1598, %convert_element_type3A : vector<512x128xf32>
    %eq3A_1600 = vector.broadcast %broadcast_in_dim3A_1549 : vector<512x1xf32> to vector<512x128xf32>
    %eq3A_1601 = arith.cmpf oeq, %add3A_1599, %eq3A_1600 : vector<512x128xf32>
    %jit3A_1602 = arith.constant 0x7F800000 : f32
    %broadcast_in_dim3A_1603 = vector.broadcast %jit3A_1602 : f32 to vector<512x128xf32>
    %select_n3A_1604 = arith.select %eq3A_1601, %broadcast_in_dim3A_1603, %select_n3A_1481 : vector<512x128xi1>, vector<512x128xf32>
    %add3A_1605 = arith.constant 7.680000e+02 : f32
    %add3A_1606 = vector.broadcast %add3A_1605 : f32 to vector<512x128xf32>
    %add3A_1607 = arith.addf %add3A_1606, %convert_element_type3A : vector<512x128xf32>
    %eq3A_1608 = vector.broadcast %broadcast_in_dim3A_1549 : vector<512x1xf32> to vector<512x128xf32>
    %eq3A_1609 = arith.cmpf oeq, %add3A_1607, %eq3A_1608 : vector<512x128xf32>
    %jit3A_1610 = arith.constant 0x7F800000 : f32
    %broadcast_in_dim3A_1611 = vector.broadcast %jit3A_1610 : f32 to vector<512x128xf32>
    %select_n3A_1612 = arith.select %eq3A_1609, %broadcast_in_dim3A_1611, %select_n3A_1489 : vector<512x128xi1>, vector<512x128xf32>
    %add3A_1613 = arith.constant 8.960000e+02 : f32
    %add3A_1614 = vector.broadcast %add3A_1613 : f32 to vector<512x128xf32>
    %add3A_1615 = arith.addf %add3A_1614, %convert_element_type3A : vector<512x128xf32>
    %eq3A_1616 = vector.broadcast %broadcast_in_dim3A_1549 : vector<512x1xf32> to vector<512x128xf32>
    %eq3A_1617 = arith.cmpf oeq, %add3A_1615, %eq3A_1616 : vector<512x128xf32>
    %jit3A_1618 = arith.constant 0x7F800000 : f32
    %broadcast_in_dim3A_1619 = vector.broadcast %jit3A_1618 : f32 to vector<512x128xf32>
    %select_n3A_1620 = arith.select %eq3A_1617, %broadcast_in_dim3A_1619, %select_n3A_1497 : vector<512x128xi1>, vector<512x128xf32>
    %lt3A_1621 = arith.cmpf olt, %select_n3A_1572, %select_n3A_1564 : vector<512x128xf32>
    %min3A_1622 = arith.minimumf %select_n3A_1564, %select_n3A_1572 : vector<512x128xf32>
    %jit3A_1623 = arith.constant 1.000000e+00 : f32
    %jit3A_1624 = arith.constant 0.000000e+00 : f32
    %broadcast_in_dim3A_1625 = vector.broadcast %jit3A_1623 : f32 to vector<512x128xf32>
    %broadcast_in_dim3A_1626 = vector.broadcast %jit3A_1624 : f32 to vector<512x128xf32>
    %select_n3A_1627 = arith.select %lt3A_1621, %broadcast_in_dim3A_1625, %broadcast_in_dim3A_1626 : vector<512x128xi1>, vector<512x128xf32>
    %lt3A_1628 = arith.cmpf olt, %select_n3A_1588, %select_n3A_1580 : vector<512x128xf32>
    %min3A_1629 = arith.minimumf %select_n3A_1580, %select_n3A_1588 : vector<512x128xf32>
    %jit3A_1630 = arith.constant 3.000000e+00 : f32
    %jit3A_1631 = arith.constant 2.000000e+00 : f32
    %broadcast_in_dim3A_1632 = vector.broadcast %jit3A_1630 : f32 to vector<512x128xf32>
    %broadcast_in_dim3A_1633 = vector.broadcast %jit3A_1631 : f32 to vector<512x128xf32>
    %select_n3A_1634 = arith.select %lt3A_1628, %broadcast_in_dim3A_1632, %broadcast_in_dim3A_1633 : vector<512x128xi1>, vector<512x128xf32>
    %lt3A_1635 = arith.cmpf olt, %select_n3A_1604, %select_n3A_1596 : vector<512x128xf32>
    %min3A_1636 = arith.minimumf %select_n3A_1596, %select_n3A_1604 : vector<512x128xf32>
    %jit3A_1637 = arith.constant 5.000000e+00 : f32
    %jit3A_1638 = arith.constant 4.000000e+00 : f32
    %broadcast_in_dim3A_1639 = vector.broadcast %jit3A_1637 : f32 to vector<512x128xf32>
    %broadcast_in_dim3A_1640 = vector.broadcast %jit3A_1638 : f32 to vector<512x128xf32>
    %select_n3A_1641 = arith.select %lt3A_1635, %broadcast_in_dim3A_1639, %broadcast_in_dim3A_1640 : vector<512x128xi1>, vector<512x128xf32>
    %lt3A_1642 = arith.cmpf olt, %select_n3A_1620, %select_n3A_1612 : vector<512x128xf32>
    %min3A_1643 = arith.minimumf %select_n3A_1612, %select_n3A_1620 : vector<512x128xf32>
    %jit3A_1644 = arith.constant 7.000000e+00 : f32
    %jit3A_1645 = arith.constant 6.000000e+00 : f32
    %broadcast_in_dim3A_1646 = vector.broadcast %jit3A_1644 : f32 to vector<512x128xf32>
    %broadcast_in_dim3A_1647 = vector.broadcast %jit3A_1645 : f32 to vector<512x128xf32>
    %select_n3A_1648 = arith.select %lt3A_1642, %broadcast_in_dim3A_1646, %broadcast_in_dim3A_1647 : vector<512x128xi1>, vector<512x128xf32>
    %lt3A_1649 = arith.cmpf olt, %min3A_1629, %min3A_1622 : vector<512x128xf32>
    %min3A_1650 = arith.minimumf %min3A_1622, %min3A_1629 : vector<512x128xf32>
    %select_n3A_1651 = arith.select %lt3A_1649, %select_n3A_1634, %select_n3A_1627 : vector<512x128xi1>, vector<512x128xf32>
    %lt3A_1652 = arith.cmpf olt, %min3A_1643, %min3A_1636 : vector<512x128xf32>
    %min3A_1653 = arith.minimumf %min3A_1636, %min3A_1643 : vector<512x128xf32>
    %select_n3A_1654 = arith.select %lt3A_1652, %select_n3A_1648, %select_n3A_1641 : vector<512x128xi1>, vector<512x128xf32>
    %lt3A_1655 = arith.cmpf olt, %min3A_1653, %min3A_1650 : vector<512x128xf32>
    %min3A_1656 = arith.minimumf %min3A_1650, %min3A_1653 : vector<512x128xf32>
    %select_n3A_1657 = arith.select %lt3A_1655, %select_n3A_1654, %select_n3A_1651 : vector<512x128xi1>, vector<512x128xf32>
    %reduce_min3A_1658 = arith.constant dense<0x7F800000> : vector<512xf32>
    %reduce_min3A_1659 = vector.multi_reduction <minimumf>, %min3A_1656, %reduce_min3A_1658 [1] : vector<512x128xf32> to vector<512xf32>
    %broadcast_in_dim3A_1660 = vector.shape_cast %reduce_min3A_1659 : vector<512xf32> to vector<512x1xf32>
    %eq3A_1661 = vector.broadcast %broadcast_in_dim3A_1660 : vector<512x1xf32> to vector<512x128xf32>
    %eq3A_1662 = arith.cmpf oeq, %min3A_1656, %eq3A_1661 : vector<512x128xf32>
    %mul3A_1663 = arith.constant 1.280000e+02 : f32
    %mul3A_1664 = vector.broadcast %mul3A_1663 : f32 to vector<512x128xf32>
    %mul3A_1665 = arith.mulf %select_n3A_1657, %mul3A_1664 : vector<512x128xf32>
    %add3A_1666 = arith.addf %mul3A_1665, %convert_element_type3A : vector<512x128xf32>
    %jit3A_1667 = arith.constant 1.024000e+03 : f32
    %broadcast_in_dim3A_1668 = vector.broadcast %jit3A_1667 : f32 to vector<512x128xf32>
    %select_n3A_1669 = arith.select %eq3A_1662, %add3A_1666, %broadcast_in_dim3A_1668 : vector<512x128xi1>, vector<512x128xf32>
    %reduce_min3A_1670 = arith.constant dense<0x7F800000> : vector<512xf32>
    %reduce_min3A_1671 = vector.multi_reduction <minimumf>, %select_n3A_1669, %reduce_min3A_1670 [1] : vector<512x128xf32> to vector<512xf32>
    %broadcast_in_dim3A_1672 = vector.shape_cast %reduce_min3A_1671 : vector<512xf32> to vector<512x1xf32>
    %jit3A_1673 = arith.constant 3.40282347E+38 : f32
    %broadcast_in_dim3A_1674 = vector.broadcast %jit3A_1673 : f32 to vector<512x1xf32>
    %select_n3A_1675 = arith.select %ge3A_1006, %broadcast_in_dim3A_1674, %broadcast_in_dim3A_1660 : vector<512x1xi1>, vector<512x1xf32>
    %convert_element_type3A_1676 = arith.fptosi %broadcast_in_dim3A_1672 : vector<512x1xf32> to vector<512x1xi32>
    %jit3A_1677 = arith.constant 6 : i32
    %broadcast_in_dim3A_1678 = vector.broadcast %jit3A_1677 : i32 to vector<512x1xi32>
    %select_n3A_1679 = arith.select %ge3A_1006, %broadcast_in_dim3A_1678, %convert_element_type3A_1676 : vector<512x1xi1>, vector<512x1xi32>
    %add3A_1680 = arith.constant 0.000000e+00 : f32
    %add3A_1681 = vector.broadcast %add3A_1680 : f32 to vector<512x128xf32>
    %add3A_1682 = arith.addf %add3A_1681, %convert_element_type3A : vector<512x128xf32>
    %eq3A_1683 = vector.broadcast %broadcast_in_dim3A_1672 : vector<512x1xf32> to vector<512x128xf32>
    %eq3A_1684 = arith.cmpf oeq, %add3A_1682, %eq3A_1683 : vector<512x128xf32>
    %jit3A_1685 = arith.constant 0x7F800000 : f32
    %broadcast_in_dim3A_1686 = vector.broadcast %jit3A_1685 : f32 to vector<512x128xf32>
    %select_n3A_1687 = arith.select %eq3A_1684, %broadcast_in_dim3A_1686, %select_n3A_1564 : vector<512x128xi1>, vector<512x128xf32>
    %add3A_1688 = arith.constant 1.280000e+02 : f32
    %add3A_1689 = vector.broadcast %add3A_1688 : f32 to vector<512x128xf32>
    %add3A_1690 = arith.addf %add3A_1689, %convert_element_type3A : vector<512x128xf32>
    %eq3A_1691 = vector.broadcast %broadcast_in_dim3A_1672 : vector<512x1xf32> to vector<512x128xf32>
    %eq3A_1692 = arith.cmpf oeq, %add3A_1690, %eq3A_1691 : vector<512x128xf32>
    %jit3A_1693 = arith.constant 0x7F800000 : f32
    %broadcast_in_dim3A_1694 = vector.broadcast %jit3A_1693 : f32 to vector<512x128xf32>
    %select_n3A_1695 = arith.select %eq3A_1692, %broadcast_in_dim3A_1694, %select_n3A_1572 : vector<512x128xi1>, vector<512x128xf32>
    %add3A_1696 = arith.constant 2.560000e+02 : f32
    %add3A_1697 = vector.broadcast %add3A_1696 : f32 to vector<512x128xf32>
    %add3A_1698 = arith.addf %add3A_1697, %convert_element_type3A : vector<512x128xf32>
    %eq3A_1699 = vector.broadcast %broadcast_in_dim3A_1672 : vector<512x1xf32> to vector<512x128xf32>
    %eq3A_1700 = arith.cmpf oeq, %add3A_1698, %eq3A_1699 : vector<512x128xf32>
    %jit3A_1701 = arith.constant 0x7F800000 : f32
    %broadcast_in_dim3A_1702 = vector.broadcast %jit3A_1701 : f32 to vector<512x128xf32>
    %select_n3A_1703 = arith.select %eq3A_1700, %broadcast_in_dim3A_1702, %select_n3A_1580 : vector<512x128xi1>, vector<512x128xf32>
    %add3A_1704 = arith.constant 3.840000e+02 : f32
    %add3A_1705 = vector.broadcast %add3A_1704 : f32 to vector<512x128xf32>
    %add3A_1706 = arith.addf %add3A_1705, %convert_element_type3A : vector<512x128xf32>
    %eq3A_1707 = vector.broadcast %broadcast_in_dim3A_1672 : vector<512x1xf32> to vector<512x128xf32>
    %eq3A_1708 = arith.cmpf oeq, %add3A_1706, %eq3A_1707 : vector<512x128xf32>
    %jit3A_1709 = arith.constant 0x7F800000 : f32
    %broadcast_in_dim3A_1710 = vector.broadcast %jit3A_1709 : f32 to vector<512x128xf32>
    %select_n3A_1711 = arith.select %eq3A_1708, %broadcast_in_dim3A_1710, %select_n3A_1588 : vector<512x128xi1>, vector<512x128xf32>
    %add3A_1712 = arith.constant 5.120000e+02 : f32
    %add3A_1713 = vector.broadcast %add3A_1712 : f32 to vector<512x128xf32>
    %add3A_1714 = arith.addf %add3A_1713, %convert_element_type3A : vector<512x128xf32>
    %eq3A_1715 = vector.broadcast %broadcast_in_dim3A_1672 : vector<512x1xf32> to vector<512x128xf32>
    %eq3A_1716 = arith.cmpf oeq, %add3A_1714, %eq3A_1715 : vector<512x128xf32>
    %jit3A_1717 = arith.constant 0x7F800000 : f32
    %broadcast_in_dim3A_1718 = vector.broadcast %jit3A_1717 : f32 to vector<512x128xf32>
    %select_n3A_1719 = arith.select %eq3A_1716, %broadcast_in_dim3A_1718, %select_n3A_1596 : vector<512x128xi1>, vector<512x128xf32>
    %add3A_1720 = arith.constant 6.400000e+02 : f32
    %add3A_1721 = vector.broadcast %add3A_1720 : f32 to vector<512x128xf32>
    %add3A_1722 = arith.addf %add3A_1721, %convert_element_type3A : vector<512x128xf32>
    %eq3A_1723 = vector.broadcast %broadcast_in_dim3A_1672 : vector<512x1xf32> to vector<512x128xf32>
    %eq3A_1724 = arith.cmpf oeq, %add3A_1722, %eq3A_1723 : vector<512x128xf32>
    %jit3A_1725 = arith.constant 0x7F800000 : f32
    %broadcast_in_dim3A_1726 = vector.broadcast %jit3A_1725 : f32 to vector<512x128xf32>
    %select_n3A_1727 = arith.select %eq3A_1724, %broadcast_in_dim3A_1726, %select_n3A_1604 : vector<512x128xi1>, vector<512x128xf32>
    %add3A_1728 = arith.constant 7.680000e+02 : f32
    %add3A_1729 = vector.broadcast %add3A_1728 : f32 to vector<512x128xf32>
    %add3A_1730 = arith.addf %add3A_1729, %convert_element_type3A : vector<512x128xf32>
    %eq3A_1731 = vector.broadcast %broadcast_in_dim3A_1672 : vector<512x1xf32> to vector<512x128xf32>
    %eq3A_1732 = arith.cmpf oeq, %add3A_1730, %eq3A_1731 : vector<512x128xf32>
    %jit3A_1733 = arith.constant 0x7F800000 : f32
    %broadcast_in_dim3A_1734 = vector.broadcast %jit3A_1733 : f32 to vector<512x128xf32>
    %select_n3A_1735 = arith.select %eq3A_1732, %broadcast_in_dim3A_1734, %select_n3A_1612 : vector<512x128xi1>, vector<512x128xf32>
    %add3A_1736 = arith.constant 8.960000e+02 : f32
    %add3A_1737 = vector.broadcast %add3A_1736 : f32 to vector<512x128xf32>
    %add3A_1738 = arith.addf %add3A_1737, %convert_element_type3A : vector<512x128xf32>
    %eq3A_1739 = vector.broadcast %broadcast_in_dim3A_1672 : vector<512x1xf32> to vector<512x128xf32>
    %eq3A_1740 = arith.cmpf oeq, %add3A_1738, %eq3A_1739 : vector<512x128xf32>
    %jit3A_1741 = arith.constant 0x7F800000 : f32
    %broadcast_in_dim3A_1742 = vector.broadcast %jit3A_1741 : f32 to vector<512x128xf32>
    %select_n3A_1743 = arith.select %eq3A_1740, %broadcast_in_dim3A_1742, %select_n3A_1620 : vector<512x128xi1>, vector<512x128xf32>
    %lt3A_1744 = arith.cmpf olt, %select_n3A_1695, %select_n3A_1687 : vector<512x128xf32>
    %min3A_1745 = arith.minimumf %select_n3A_1687, %select_n3A_1695 : vector<512x128xf32>
    %jit3A_1746 = arith.constant 1.000000e+00 : f32
    %jit3A_1747 = arith.constant 0.000000e+00 : f32
    %broadcast_in_dim3A_1748 = vector.broadcast %jit3A_1746 : f32 to vector<512x128xf32>
    %broadcast_in_dim3A_1749 = vector.broadcast %jit3A_1747 : f32 to vector<512x128xf32>
    %select_n3A_1750 = arith.select %lt3A_1744, %broadcast_in_dim3A_1748, %broadcast_in_dim3A_1749 : vector<512x128xi1>, vector<512x128xf32>
    %lt3A_1751 = arith.cmpf olt, %select_n3A_1711, %select_n3A_1703 : vector<512x128xf32>
    %min3A_1752 = arith.minimumf %select_n3A_1703, %select_n3A_1711 : vector<512x128xf32>
    %jit3A_1753 = arith.constant 3.000000e+00 : f32
    %jit3A_1754 = arith.constant 2.000000e+00 : f32
    %broadcast_in_dim3A_1755 = vector.broadcast %jit3A_1753 : f32 to vector<512x128xf32>
    %broadcast_in_dim3A_1756 = vector.broadcast %jit3A_1754 : f32 to vector<512x128xf32>
    %select_n3A_1757 = arith.select %lt3A_1751, %broadcast_in_dim3A_1755, %broadcast_in_dim3A_1756 : vector<512x128xi1>, vector<512x128xf32>
    %lt3A_1758 = arith.cmpf olt, %select_n3A_1727, %select_n3A_1719 : vector<512x128xf32>
    %min3A_1759 = arith.minimumf %select_n3A_1719, %select_n3A_1727 : vector<512x128xf32>
    %jit3A_1760 = arith.constant 5.000000e+00 : f32
    %jit3A_1761 = arith.constant 4.000000e+00 : f32
    %broadcast_in_dim3A_1762 = vector.broadcast %jit3A_1760 : f32 to vector<512x128xf32>
    %broadcast_in_dim3A_1763 = vector.broadcast %jit3A_1761 : f32 to vector<512x128xf32>
    %select_n3A_1764 = arith.select %lt3A_1758, %broadcast_in_dim3A_1762, %broadcast_in_dim3A_1763 : vector<512x128xi1>, vector<512x128xf32>
    %lt3A_1765 = arith.cmpf olt, %select_n3A_1743, %select_n3A_1735 : vector<512x128xf32>
    %min3A_1766 = arith.minimumf %select_n3A_1735, %select_n3A_1743 : vector<512x128xf32>
    %jit3A_1767 = arith.constant 7.000000e+00 : f32
    %jit3A_1768 = arith.constant 6.000000e+00 : f32
    %broadcast_in_dim3A_1769 = vector.broadcast %jit3A_1767 : f32 to vector<512x128xf32>
    %broadcast_in_dim3A_1770 = vector.broadcast %jit3A_1768 : f32 to vector<512x128xf32>
    %select_n3A_1771 = arith.select %lt3A_1765, %broadcast_in_dim3A_1769, %broadcast_in_dim3A_1770 : vector<512x128xi1>, vector<512x128xf32>
    %lt3A_1772 = arith.cmpf olt, %min3A_1752, %min3A_1745 : vector<512x128xf32>
    %min3A_1773 = arith.minimumf %min3A_1745, %min3A_1752 : vector<512x128xf32>
    %select_n3A_1774 = arith.select %lt3A_1772, %select_n3A_1757, %select_n3A_1750 : vector<512x128xi1>, vector<512x128xf32>
    %lt3A_1775 = arith.cmpf olt, %min3A_1766, %min3A_1759 : vector<512x128xf32>
    %min3A_1776 = arith.minimumf %min3A_1759, %min3A_1766 : vector<512x128xf32>
    %select_n3A_1777 = arith.select %lt3A_1775, %select_n3A_1771, %select_n3A_1764 : vector<512x128xi1>, vector<512x128xf32>
    %lt3A_1778 = arith.cmpf olt, %min3A_1776, %min3A_1773 : vector<512x128xf32>
    %min3A_1779 = arith.minimumf %min3A_1773, %min3A_1776 : vector<512x128xf32>
    %select_n3A_1780 = arith.select %lt3A_1778, %select_n3A_1777, %select_n3A_1774 : vector<512x128xi1>, vector<512x128xf32>
    %reduce_min3A_1781 = arith.constant dense<0x7F800000> : vector<512xf32>
    %reduce_min3A_1782 = vector.multi_reduction <minimumf>, %min3A_1779, %reduce_min3A_1781 [1] : vector<512x128xf32> to vector<512xf32>
    %broadcast_in_dim3A_1783 = vector.shape_cast %reduce_min3A_1782 : vector<512xf32> to vector<512x1xf32>
    %eq3A_1784 = vector.broadcast %broadcast_in_dim3A_1783 : vector<512x1xf32> to vector<512x128xf32>
    %eq3A_1785 = arith.cmpf oeq, %min3A_1779, %eq3A_1784 : vector<512x128xf32>
    %mul3A_1786 = arith.constant 1.280000e+02 : f32
    %mul3A_1787 = vector.broadcast %mul3A_1786 : f32 to vector<512x128xf32>
    %mul3A_1788 = arith.mulf %select_n3A_1780, %mul3A_1787 : vector<512x128xf32>
    %add3A_1789 = arith.addf %mul3A_1788, %convert_element_type3A : vector<512x128xf32>
    %jit3A_1790 = arith.constant 1.024000e+03 : f32
    %broadcast_in_dim3A_1791 = vector.broadcast %jit3A_1790 : f32 to vector<512x128xf32>
    %select_n3A_1792 = arith.select %eq3A_1785, %add3A_1789, %broadcast_in_dim3A_1791 : vector<512x128xi1>, vector<512x128xf32>
    %reduce_min3A_1793 = arith.constant dense<0x7F800000> : vector<512xf32>
    %reduce_min3A_1794 = vector.multi_reduction <minimumf>, %select_n3A_1792, %reduce_min3A_1793 [1] : vector<512x128xf32> to vector<512xf32>
    %broadcast_in_dim3A_1795 = vector.shape_cast %reduce_min3A_1794 : vector<512xf32> to vector<512x1xf32>
    %jit3A_1796 = arith.constant 3.40282347E+38 : f32
    %broadcast_in_dim3A_1797 = vector.broadcast %jit3A_1796 : f32 to vector<512x1xf32>
    %select_n3A_1798 = arith.select %ge3A_1006, %broadcast_in_dim3A_1797, %broadcast_in_dim3A_1783 : vector<512x1xi1>, vector<512x1xf32>
    %convert_element_type3A_1799 = arith.fptosi %broadcast_in_dim3A_1795 : vector<512x1xf32> to vector<512x1xi32>
    %jit3A_1800 = arith.constant 7 : i32
    %broadcast_in_dim3A_1801 = vector.broadcast %jit3A_1800 : i32 to vector<512x1xi32>
    %select_n3A_1802 = arith.select %ge3A_1006, %broadcast_in_dim3A_1801, %convert_element_type3A_1799 : vector<512x1xi1>, vector<512x1xi32>
    %add3A_1803 = arith.constant 0.000000e+00 : f32
    %add3A_1804 = vector.broadcast %add3A_1803 : f32 to vector<512x128xf32>
    %add3A_1805 = arith.addf %add3A_1804, %convert_element_type3A : vector<512x128xf32>
    %eq3A_1806 = vector.broadcast %broadcast_in_dim3A_1795 : vector<512x1xf32> to vector<512x128xf32>
    %eq3A_1807 = arith.cmpf oeq, %add3A_1805, %eq3A_1806 : vector<512x128xf32>
    %jit3A_1808 = arith.constant 0x7F800000 : f32
    %broadcast_in_dim3A_1809 = vector.broadcast %jit3A_1808 : f32 to vector<512x128xf32>
    %select_n3A_1810 = arith.select %eq3A_1807, %broadcast_in_dim3A_1809, %select_n3A_1687 : vector<512x128xi1>, vector<512x128xf32>
    %add3A_1811 = arith.constant 1.280000e+02 : f32
    %add3A_1812 = vector.broadcast %add3A_1811 : f32 to vector<512x128xf32>
    %add3A_1813 = arith.addf %add3A_1812, %convert_element_type3A : vector<512x128xf32>
    %eq3A_1814 = vector.broadcast %broadcast_in_dim3A_1795 : vector<512x1xf32> to vector<512x128xf32>
    %eq3A_1815 = arith.cmpf oeq, %add3A_1813, %eq3A_1814 : vector<512x128xf32>
    %jit3A_1816 = arith.constant 0x7F800000 : f32
    %broadcast_in_dim3A_1817 = vector.broadcast %jit3A_1816 : f32 to vector<512x128xf32>
    %select_n3A_1818 = arith.select %eq3A_1815, %broadcast_in_dim3A_1817, %select_n3A_1695 : vector<512x128xi1>, vector<512x128xf32>
    %add3A_1819 = arith.constant 2.560000e+02 : f32
    %add3A_1820 = vector.broadcast %add3A_1819 : f32 to vector<512x128xf32>
    %add3A_1821 = arith.addf %add3A_1820, %convert_element_type3A : vector<512x128xf32>
    %eq3A_1822 = vector.broadcast %broadcast_in_dim3A_1795 : vector<512x1xf32> to vector<512x128xf32>
    %eq3A_1823 = arith.cmpf oeq, %add3A_1821, %eq3A_1822 : vector<512x128xf32>
    %jit3A_1824 = arith.constant 0x7F800000 : f32
    %broadcast_in_dim3A_1825 = vector.broadcast %jit3A_1824 : f32 to vector<512x128xf32>
    %select_n3A_1826 = arith.select %eq3A_1823, %broadcast_in_dim3A_1825, %select_n3A_1703 : vector<512x128xi1>, vector<512x128xf32>
    %add3A_1827 = arith.constant 3.840000e+02 : f32
    %add3A_1828 = vector.broadcast %add3A_1827 : f32 to vector<512x128xf32>
    %add3A_1829 = arith.addf %add3A_1828, %convert_element_type3A : vector<512x128xf32>
    %eq3A_1830 = vector.broadcast %broadcast_in_dim3A_1795 : vector<512x1xf32> to vector<512x128xf32>
    %eq3A_1831 = arith.cmpf oeq, %add3A_1829, %eq3A_1830 : vector<512x128xf32>
    %jit3A_1832 = arith.constant 0x7F800000 : f32
    %broadcast_in_dim3A_1833 = vector.broadcast %jit3A_1832 : f32 to vector<512x128xf32>
    %select_n3A_1834 = arith.select %eq3A_1831, %broadcast_in_dim3A_1833, %select_n3A_1711 : vector<512x128xi1>, vector<512x128xf32>
    %add3A_1835 = arith.constant 5.120000e+02 : f32
    %add3A_1836 = vector.broadcast %add3A_1835 : f32 to vector<512x128xf32>
    %add3A_1837 = arith.addf %add3A_1836, %convert_element_type3A : vector<512x128xf32>
    %eq3A_1838 = vector.broadcast %broadcast_in_dim3A_1795 : vector<512x1xf32> to vector<512x128xf32>
    %eq3A_1839 = arith.cmpf oeq, %add3A_1837, %eq3A_1838 : vector<512x128xf32>
    %jit3A_1840 = arith.constant 0x7F800000 : f32
    %broadcast_in_dim3A_1841 = vector.broadcast %jit3A_1840 : f32 to vector<512x128xf32>
    %select_n3A_1842 = arith.select %eq3A_1839, %broadcast_in_dim3A_1841, %select_n3A_1719 : vector<512x128xi1>, vector<512x128xf32>
    %add3A_1843 = arith.constant 6.400000e+02 : f32
    %add3A_1844 = vector.broadcast %add3A_1843 : f32 to vector<512x128xf32>
    %add3A_1845 = arith.addf %add3A_1844, %convert_element_type3A : vector<512x128xf32>
    %eq3A_1846 = vector.broadcast %broadcast_in_dim3A_1795 : vector<512x1xf32> to vector<512x128xf32>
    %eq3A_1847 = arith.cmpf oeq, %add3A_1845, %eq3A_1846 : vector<512x128xf32>
    %jit3A_1848 = arith.constant 0x7F800000 : f32
    %broadcast_in_dim3A_1849 = vector.broadcast %jit3A_1848 : f32 to vector<512x128xf32>
    %select_n3A_1850 = arith.select %eq3A_1847, %broadcast_in_dim3A_1849, %select_n3A_1727 : vector<512x128xi1>, vector<512x128xf32>
    %add3A_1851 = arith.constant 7.680000e+02 : f32
    %add3A_1852 = vector.broadcast %add3A_1851 : f32 to vector<512x128xf32>
    %add3A_1853 = arith.addf %add3A_1852, %convert_element_type3A : vector<512x128xf32>
    %eq3A_1854 = vector.broadcast %broadcast_in_dim3A_1795 : vector<512x1xf32> to vector<512x128xf32>
    %eq3A_1855 = arith.cmpf oeq, %add3A_1853, %eq3A_1854 : vector<512x128xf32>
    %jit3A_1856 = arith.constant 0x7F800000 : f32
    %broadcast_in_dim3A_1857 = vector.broadcast %jit3A_1856 : f32 to vector<512x128xf32>
    %select_n3A_1858 = arith.select %eq3A_1855, %broadcast_in_dim3A_1857, %select_n3A_1735 : vector<512x128xi1>, vector<512x128xf32>
    %add3A_1859 = arith.constant 8.960000e+02 : f32
    %add3A_1860 = vector.broadcast %add3A_1859 : f32 to vector<512x128xf32>
    %add3A_1861 = arith.addf %add3A_1860, %convert_element_type3A : vector<512x128xf32>
    %eq3A_1862 = vector.broadcast %broadcast_in_dim3A_1795 : vector<512x1xf32> to vector<512x128xf32>
    %eq3A_1863 = arith.cmpf oeq, %add3A_1861, %eq3A_1862 : vector<512x128xf32>
    %jit3A_1864 = arith.constant 0x7F800000 : f32
    %broadcast_in_dim3A_1865 = vector.broadcast %jit3A_1864 : f32 to vector<512x128xf32>
    %select_n3A_1866 = arith.select %eq3A_1863, %broadcast_in_dim3A_1865, %select_n3A_1743 : vector<512x128xi1>, vector<512x128xf32>
    %lt3A_1867 = arith.cmpf olt, %select_n3A_1818, %select_n3A_1810 : vector<512x128xf32>
    %min3A_1868 = arith.minimumf %select_n3A_1810, %select_n3A_1818 : vector<512x128xf32>
    %jit3A_1869 = arith.constant 1.000000e+00 : f32
    %jit3A_1870 = arith.constant 0.000000e+00 : f32
    %broadcast_in_dim3A_1871 = vector.broadcast %jit3A_1869 : f32 to vector<512x128xf32>
    %broadcast_in_dim3A_1872 = vector.broadcast %jit3A_1870 : f32 to vector<512x128xf32>
    %select_n3A_1873 = arith.select %lt3A_1867, %broadcast_in_dim3A_1871, %broadcast_in_dim3A_1872 : vector<512x128xi1>, vector<512x128xf32>
    %lt3A_1874 = arith.cmpf olt, %select_n3A_1834, %select_n3A_1826 : vector<512x128xf32>
    %min3A_1875 = arith.minimumf %select_n3A_1826, %select_n3A_1834 : vector<512x128xf32>
    %jit3A_1876 = arith.constant 3.000000e+00 : f32
    %jit3A_1877 = arith.constant 2.000000e+00 : f32
    %broadcast_in_dim3A_1878 = vector.broadcast %jit3A_1876 : f32 to vector<512x128xf32>
    %broadcast_in_dim3A_1879 = vector.broadcast %jit3A_1877 : f32 to vector<512x128xf32>
    %select_n3A_1880 = arith.select %lt3A_1874, %broadcast_in_dim3A_1878, %broadcast_in_dim3A_1879 : vector<512x128xi1>, vector<512x128xf32>
    %lt3A_1881 = arith.cmpf olt, %select_n3A_1850, %select_n3A_1842 : vector<512x128xf32>
    %min3A_1882 = arith.minimumf %select_n3A_1842, %select_n3A_1850 : vector<512x128xf32>
    %jit3A_1883 = arith.constant 5.000000e+00 : f32
    %jit3A_1884 = arith.constant 4.000000e+00 : f32
    %broadcast_in_dim3A_1885 = vector.broadcast %jit3A_1883 : f32 to vector<512x128xf32>
    %broadcast_in_dim3A_1886 = vector.broadcast %jit3A_1884 : f32 to vector<512x128xf32>
    %select_n3A_1887 = arith.select %lt3A_1881, %broadcast_in_dim3A_1885, %broadcast_in_dim3A_1886 : vector<512x128xi1>, vector<512x128xf32>
    %lt3A_1888 = arith.cmpf olt, %select_n3A_1866, %select_n3A_1858 : vector<512x128xf32>
    %min3A_1889 = arith.minimumf %select_n3A_1858, %select_n3A_1866 : vector<512x128xf32>
    %jit3A_1890 = arith.constant 7.000000e+00 : f32
    %jit3A_1891 = arith.constant 6.000000e+00 : f32
    %broadcast_in_dim3A_1892 = vector.broadcast %jit3A_1890 : f32 to vector<512x128xf32>
    %broadcast_in_dim3A_1893 = vector.broadcast %jit3A_1891 : f32 to vector<512x128xf32>
    %select_n3A_1894 = arith.select %lt3A_1888, %broadcast_in_dim3A_1892, %broadcast_in_dim3A_1893 : vector<512x128xi1>, vector<512x128xf32>
    %lt3A_1895 = arith.cmpf olt, %min3A_1875, %min3A_1868 : vector<512x128xf32>
    %min3A_1896 = arith.minimumf %min3A_1868, %min3A_1875 : vector<512x128xf32>
    %select_n3A_1897 = arith.select %lt3A_1895, %select_n3A_1880, %select_n3A_1873 : vector<512x128xi1>, vector<512x128xf32>
    %lt3A_1898 = arith.cmpf olt, %min3A_1889, %min3A_1882 : vector<512x128xf32>
    %min3A_1899 = arith.minimumf %min3A_1882, %min3A_1889 : vector<512x128xf32>
    %select_n3A_1900 = arith.select %lt3A_1898, %select_n3A_1894, %select_n3A_1887 : vector<512x128xi1>, vector<512x128xf32>
    %lt3A_1901 = arith.cmpf olt, %min3A_1899, %min3A_1896 : vector<512x128xf32>
    %min3A_1902 = arith.minimumf %min3A_1896, %min3A_1899 : vector<512x128xf32>
    %select_n3A_1903 = arith.select %lt3A_1901, %select_n3A_1900, %select_n3A_1897 : vector<512x128xi1>, vector<512x128xf32>
    %reduce_min3A_1904 = arith.constant dense<0x7F800000> : vector<512xf32>
    %reduce_min3A_1905 = vector.multi_reduction <minimumf>, %min3A_1902, %reduce_min3A_1904 [1] : vector<512x128xf32> to vector<512xf32>
    %broadcast_in_dim3A_1906 = vector.shape_cast %reduce_min3A_1905 : vector<512xf32> to vector<512x1xf32>
    %eq3A_1907 = vector.broadcast %broadcast_in_dim3A_1906 : vector<512x1xf32> to vector<512x128xf32>
    %eq3A_1908 = arith.cmpf oeq, %min3A_1902, %eq3A_1907 : vector<512x128xf32>
    %mul3A_1909 = arith.constant 1.280000e+02 : f32
    %mul3A_1910 = vector.broadcast %mul3A_1909 : f32 to vector<512x128xf32>
    %mul3A_1911 = arith.mulf %select_n3A_1903, %mul3A_1910 : vector<512x128xf32>
    %add3A_1912 = arith.addf %mul3A_1911, %convert_element_type3A : vector<512x128xf32>
    %jit3A_1913 = arith.constant 1.024000e+03 : f32
    %broadcast_in_dim3A_1914 = vector.broadcast %jit3A_1913 : f32 to vector<512x128xf32>
    %select_n3A_1915 = arith.select %eq3A_1908, %add3A_1912, %broadcast_in_dim3A_1914 : vector<512x128xi1>, vector<512x128xf32>
    %reduce_min3A_1916 = arith.constant dense<0x7F800000> : vector<512xf32>
    %reduce_min3A_1917 = vector.multi_reduction <minimumf>, %select_n3A_1915, %reduce_min3A_1916 [1] : vector<512x128xf32> to vector<512xf32>
    %broadcast_in_dim3A_1918 = vector.shape_cast %reduce_min3A_1917 : vector<512xf32> to vector<512x1xf32>
    %jit3A_1919 = arith.constant 3.40282347E+38 : f32
    %broadcast_in_dim3A_1920 = vector.broadcast %jit3A_1919 : f32 to vector<512x1xf32>
    %select_n3A_1921 = arith.select %ge3A_1006, %broadcast_in_dim3A_1920, %broadcast_in_dim3A_1906 : vector<512x1xi1>, vector<512x1xf32>
    %convert_element_type3A_1922 = arith.fptosi %broadcast_in_dim3A_1918 : vector<512x1xf32> to vector<512x1xi32>
    %jit3A_1923 = arith.constant 8 : i32
    %broadcast_in_dim3A_1924 = vector.broadcast %jit3A_1923 : i32 to vector<512x1xi32>
    %select_n3A_1925 = arith.select %ge3A_1006, %broadcast_in_dim3A_1924, %convert_element_type3A_1922 : vector<512x1xi1>, vector<512x1xi32>
    %add3A_1926 = arith.constant 0.000000e+00 : f32
    %add3A_1927 = vector.broadcast %add3A_1926 : f32 to vector<512x128xf32>
    %add3A_1928 = arith.addf %add3A_1927, %convert_element_type3A : vector<512x128xf32>
    %eq3A_1929 = vector.broadcast %broadcast_in_dim3A_1918 : vector<512x1xf32> to vector<512x128xf32>
    %eq3A_1930 = arith.cmpf oeq, %add3A_1928, %eq3A_1929 : vector<512x128xf32>
    %jit3A_1931 = arith.constant 0x7F800000 : f32
    %broadcast_in_dim3A_1932 = vector.broadcast %jit3A_1931 : f32 to vector<512x128xf32>
    %select_n3A_1933 = arith.select %eq3A_1930, %broadcast_in_dim3A_1932, %select_n3A_1810 : vector<512x128xi1>, vector<512x128xf32>
    %add3A_1934 = arith.constant 1.280000e+02 : f32
    %add3A_1935 = vector.broadcast %add3A_1934 : f32 to vector<512x128xf32>
    %add3A_1936 = arith.addf %add3A_1935, %convert_element_type3A : vector<512x128xf32>
    %eq3A_1937 = vector.broadcast %broadcast_in_dim3A_1918 : vector<512x1xf32> to vector<512x128xf32>
    %eq3A_1938 = arith.cmpf oeq, %add3A_1936, %eq3A_1937 : vector<512x128xf32>
    %jit3A_1939 = arith.constant 0x7F800000 : f32
    %broadcast_in_dim3A_1940 = vector.broadcast %jit3A_1939 : f32 to vector<512x128xf32>
    %select_n3A_1941 = arith.select %eq3A_1938, %broadcast_in_dim3A_1940, %select_n3A_1818 : vector<512x128xi1>, vector<512x128xf32>
    %add3A_1942 = arith.constant 2.560000e+02 : f32
    %add3A_1943 = vector.broadcast %add3A_1942 : f32 to vector<512x128xf32>
    %add3A_1944 = arith.addf %add3A_1943, %convert_element_type3A : vector<512x128xf32>
    %eq3A_1945 = vector.broadcast %broadcast_in_dim3A_1918 : vector<512x1xf32> to vector<512x128xf32>
    %eq3A_1946 = arith.cmpf oeq, %add3A_1944, %eq3A_1945 : vector<512x128xf32>
    %jit3A_1947 = arith.constant 0x7F800000 : f32
    %broadcast_in_dim3A_1948 = vector.broadcast %jit3A_1947 : f32 to vector<512x128xf32>
    %select_n3A_1949 = arith.select %eq3A_1946, %broadcast_in_dim3A_1948, %select_n3A_1826 : vector<512x128xi1>, vector<512x128xf32>
    %add3A_1950 = arith.constant 3.840000e+02 : f32
    %add3A_1951 = vector.broadcast %add3A_1950 : f32 to vector<512x128xf32>
    %add3A_1952 = arith.addf %add3A_1951, %convert_element_type3A : vector<512x128xf32>
    %eq3A_1953 = vector.broadcast %broadcast_in_dim3A_1918 : vector<512x1xf32> to vector<512x128xf32>
    %eq3A_1954 = arith.cmpf oeq, %add3A_1952, %eq3A_1953 : vector<512x128xf32>
    %jit3A_1955 = arith.constant 0x7F800000 : f32
    %broadcast_in_dim3A_1956 = vector.broadcast %jit3A_1955 : f32 to vector<512x128xf32>
    %select_n3A_1957 = arith.select %eq3A_1954, %broadcast_in_dim3A_1956, %select_n3A_1834 : vector<512x128xi1>, vector<512x128xf32>
    %add3A_1958 = arith.constant 5.120000e+02 : f32
    %add3A_1959 = vector.broadcast %add3A_1958 : f32 to vector<512x128xf32>
    %add3A_1960 = arith.addf %add3A_1959, %convert_element_type3A : vector<512x128xf32>
    %eq3A_1961 = vector.broadcast %broadcast_in_dim3A_1918 : vector<512x1xf32> to vector<512x128xf32>
    %eq3A_1962 = arith.cmpf oeq, %add3A_1960, %eq3A_1961 : vector<512x128xf32>
    %jit3A_1963 = arith.constant 0x7F800000 : f32
    %broadcast_in_dim3A_1964 = vector.broadcast %jit3A_1963 : f32 to vector<512x128xf32>
    %select_n3A_1965 = arith.select %eq3A_1962, %broadcast_in_dim3A_1964, %select_n3A_1842 : vector<512x128xi1>, vector<512x128xf32>
    %add3A_1966 = arith.constant 6.400000e+02 : f32
    %add3A_1967 = vector.broadcast %add3A_1966 : f32 to vector<512x128xf32>
    %add3A_1968 = arith.addf %add3A_1967, %convert_element_type3A : vector<512x128xf32>
    %eq3A_1969 = vector.broadcast %broadcast_in_dim3A_1918 : vector<512x1xf32> to vector<512x128xf32>
    %eq3A_1970 = arith.cmpf oeq, %add3A_1968, %eq3A_1969 : vector<512x128xf32>
    %jit3A_1971 = arith.constant 0x7F800000 : f32
    %broadcast_in_dim3A_1972 = vector.broadcast %jit3A_1971 : f32 to vector<512x128xf32>
    %select_n3A_1973 = arith.select %eq3A_1970, %broadcast_in_dim3A_1972, %select_n3A_1850 : vector<512x128xi1>, vector<512x128xf32>
    %add3A_1974 = arith.constant 7.680000e+02 : f32
    %add3A_1975 = vector.broadcast %add3A_1974 : f32 to vector<512x128xf32>
    %add3A_1976 = arith.addf %add3A_1975, %convert_element_type3A : vector<512x128xf32>
    %eq3A_1977 = vector.broadcast %broadcast_in_dim3A_1918 : vector<512x1xf32> to vector<512x128xf32>
    %eq3A_1978 = arith.cmpf oeq, %add3A_1976, %eq3A_1977 : vector<512x128xf32>
    %jit3A_1979 = arith.constant 0x7F800000 : f32
    %broadcast_in_dim3A_1980 = vector.broadcast %jit3A_1979 : f32 to vector<512x128xf32>
    %select_n3A_1981 = arith.select %eq3A_1978, %broadcast_in_dim3A_1980, %select_n3A_1858 : vector<512x128xi1>, vector<512x128xf32>
    %add3A_1982 = arith.constant 8.960000e+02 : f32
    %add3A_1983 = vector.broadcast %add3A_1982 : f32 to vector<512x128xf32>
    %add3A_1984 = arith.addf %add3A_1983, %convert_element_type3A : vector<512x128xf32>
    %eq3A_1985 = vector.broadcast %broadcast_in_dim3A_1918 : vector<512x1xf32> to vector<512x128xf32>
    %eq3A_1986 = arith.cmpf oeq, %add3A_1984, %eq3A_1985 : vector<512x128xf32>
    %jit3A_1987 = arith.constant 0x7F800000 : f32
    %broadcast_in_dim3A_1988 = vector.broadcast %jit3A_1987 : f32 to vector<512x128xf32>
    %select_n3A_1989 = arith.select %eq3A_1986, %broadcast_in_dim3A_1988, %select_n3A_1866 : vector<512x128xi1>, vector<512x128xf32>
    %lt3A_1990 = arith.cmpf olt, %select_n3A_1941, %select_n3A_1933 : vector<512x128xf32>
    %min3A_1991 = arith.minimumf %select_n3A_1933, %select_n3A_1941 : vector<512x128xf32>
    %jit3A_1992 = arith.constant 1.000000e+00 : f32
    %jit3A_1993 = arith.constant 0.000000e+00 : f32
    %broadcast_in_dim3A_1994 = vector.broadcast %jit3A_1992 : f32 to vector<512x128xf32>
    %broadcast_in_dim3A_1995 = vector.broadcast %jit3A_1993 : f32 to vector<512x128xf32>
    %select_n3A_1996 = arith.select %lt3A_1990, %broadcast_in_dim3A_1994, %broadcast_in_dim3A_1995 : vector<512x128xi1>, vector<512x128xf32>
    %lt3A_1997 = arith.cmpf olt, %select_n3A_1957, %select_n3A_1949 : vector<512x128xf32>
    %min3A_1998 = arith.minimumf %select_n3A_1949, %select_n3A_1957 : vector<512x128xf32>
    %jit3A_1999 = arith.constant 3.000000e+00 : f32
    %jit3A_2000 = arith.constant 2.000000e+00 : f32
    %broadcast_in_dim3A_2001 = vector.broadcast %jit3A_1999 : f32 to vector<512x128xf32>
    %broadcast_in_dim3A_2002 = vector.broadcast %jit3A_2000 : f32 to vector<512x128xf32>
    %select_n3A_2003 = arith.select %lt3A_1997, %broadcast_in_dim3A_2001, %broadcast_in_dim3A_2002 : vector<512x128xi1>, vector<512x128xf32>
    %lt3A_2004 = arith.cmpf olt, %select_n3A_1973, %select_n3A_1965 : vector<512x128xf32>
    %min3A_2005 = arith.minimumf %select_n3A_1965, %select_n3A_1973 : vector<512x128xf32>
    %jit3A_2006 = arith.constant 5.000000e+00 : f32
    %jit3A_2007 = arith.constant 4.000000e+00 : f32
    %broadcast_in_dim3A_2008 = vector.broadcast %jit3A_2006 : f32 to vector<512x128xf32>
    %broadcast_in_dim3A_2009 = vector.broadcast %jit3A_2007 : f32 to vector<512x128xf32>
    %select_n3A_2010 = arith.select %lt3A_2004, %broadcast_in_dim3A_2008, %broadcast_in_dim3A_2009 : vector<512x128xi1>, vector<512x128xf32>
    %lt3A_2011 = arith.cmpf olt, %select_n3A_1989, %select_n3A_1981 : vector<512x128xf32>
    %min3A_2012 = arith.minimumf %select_n3A_1981, %select_n3A_1989 : vector<512x128xf32>
    %jit3A_2013 = arith.constant 7.000000e+00 : f32
    %jit3A_2014 = arith.constant 6.000000e+00 : f32
    %broadcast_in_dim3A_2015 = vector.broadcast %jit3A_2013 : f32 to vector<512x128xf32>
    %broadcast_in_dim3A_2016 = vector.broadcast %jit3A_2014 : f32 to vector<512x128xf32>
    %select_n3A_2017 = arith.select %lt3A_2011, %broadcast_in_dim3A_2015, %broadcast_in_dim3A_2016 : vector<512x128xi1>, vector<512x128xf32>
    %lt3A_2018 = arith.cmpf olt, %min3A_1998, %min3A_1991 : vector<512x128xf32>
    %min3A_2019 = arith.minimumf %min3A_1991, %min3A_1998 : vector<512x128xf32>
    %select_n3A_2020 = arith.select %lt3A_2018, %select_n3A_2003, %select_n3A_1996 : vector<512x128xi1>, vector<512x128xf32>
    %lt3A_2021 = arith.cmpf olt, %min3A_2012, %min3A_2005 : vector<512x128xf32>
    %min3A_2022 = arith.minimumf %min3A_2005, %min3A_2012 : vector<512x128xf32>
    %select_n3A_2023 = arith.select %lt3A_2021, %select_n3A_2017, %select_n3A_2010 : vector<512x128xi1>, vector<512x128xf32>
    %lt3A_2024 = arith.cmpf olt, %min3A_2022, %min3A_2019 : vector<512x128xf32>
    %min3A_2025 = arith.minimumf %min3A_2019, %min3A_2022 : vector<512x128xf32>
    %select_n3A_2026 = arith.select %lt3A_2024, %select_n3A_2023, %select_n3A_2020 : vector<512x128xi1>, vector<512x128xf32>
    %reduce_min3A_2027 = arith.constant dense<0x7F800000> : vector<512xf32>
    %reduce_min3A_2028 = vector.multi_reduction <minimumf>, %min3A_2025, %reduce_min3A_2027 [1] : vector<512x128xf32> to vector<512xf32>
    %broadcast_in_dim3A_2029 = vector.shape_cast %reduce_min3A_2028 : vector<512xf32> to vector<512x1xf32>
    %eq3A_2030 = vector.broadcast %broadcast_in_dim3A_2029 : vector<512x1xf32> to vector<512x128xf32>
    %eq3A_2031 = arith.cmpf oeq, %min3A_2025, %eq3A_2030 : vector<512x128xf32>
    %mul3A_2032 = arith.constant 1.280000e+02 : f32
    %mul3A_2033 = vector.broadcast %mul3A_2032 : f32 to vector<512x128xf32>
    %mul3A_2034 = arith.mulf %select_n3A_2026, %mul3A_2033 : vector<512x128xf32>
    %add3A_2035 = arith.addf %mul3A_2034, %convert_element_type3A : vector<512x128xf32>
    %jit3A_2036 = arith.constant 1.024000e+03 : f32
    %broadcast_in_dim3A_2037 = vector.broadcast %jit3A_2036 : f32 to vector<512x128xf32>
    %select_n3A_2038 = arith.select %eq3A_2031, %add3A_2035, %broadcast_in_dim3A_2037 : vector<512x128xi1>, vector<512x128xf32>
    %reduce_min3A_2039 = arith.constant dense<0x7F800000> : vector<512xf32>
    %reduce_min3A_2040 = vector.multi_reduction <minimumf>, %select_n3A_2038, %reduce_min3A_2039 [1] : vector<512x128xf32> to vector<512xf32>
    %broadcast_in_dim3A_2041 = vector.shape_cast %reduce_min3A_2040 : vector<512xf32> to vector<512x1xf32>
    %jit3A_2042 = arith.constant 3.40282347E+38 : f32
    %broadcast_in_dim3A_2043 = vector.broadcast %jit3A_2042 : f32 to vector<512x1xf32>
    %select_n3A_2044 = arith.select %ge3A_1006, %broadcast_in_dim3A_2043, %broadcast_in_dim3A_2029 : vector<512x1xi1>, vector<512x1xf32>
    %convert_element_type3A_2045 = arith.fptosi %broadcast_in_dim3A_2041 : vector<512x1xf32> to vector<512x1xi32>
    %jit3A_2046 = arith.constant 9 : i32
    %broadcast_in_dim3A_2047 = vector.broadcast %jit3A_2046 : i32 to vector<512x1xi32>
    %select_n3A_2048 = arith.select %ge3A_1006, %broadcast_in_dim3A_2047, %convert_element_type3A_2045 : vector<512x1xi1>, vector<512x1xi32>
    %add3A_2049 = arith.constant 0.000000e+00 : f32
    %add3A_2050 = vector.broadcast %add3A_2049 : f32 to vector<512x128xf32>
    %add3A_2051 = arith.addf %add3A_2050, %convert_element_type3A : vector<512x128xf32>
    %eq3A_2052 = vector.broadcast %broadcast_in_dim3A_2041 : vector<512x1xf32> to vector<512x128xf32>
    %eq3A_2053 = arith.cmpf oeq, %add3A_2051, %eq3A_2052 : vector<512x128xf32>
    %jit3A_2054 = arith.constant 0x7F800000 : f32
    %broadcast_in_dim3A_2055 = vector.broadcast %jit3A_2054 : f32 to vector<512x128xf32>
    %select_n3A_2056 = arith.select %eq3A_2053, %broadcast_in_dim3A_2055, %select_n3A_1933 : vector<512x128xi1>, vector<512x128xf32>
    %add3A_2057 = arith.constant 1.280000e+02 : f32
    %add3A_2058 = vector.broadcast %add3A_2057 : f32 to vector<512x128xf32>
    %add3A_2059 = arith.addf %add3A_2058, %convert_element_type3A : vector<512x128xf32>
    %eq3A_2060 = vector.broadcast %broadcast_in_dim3A_2041 : vector<512x1xf32> to vector<512x128xf32>
    %eq3A_2061 = arith.cmpf oeq, %add3A_2059, %eq3A_2060 : vector<512x128xf32>
    %jit3A_2062 = arith.constant 0x7F800000 : f32
    %broadcast_in_dim3A_2063 = vector.broadcast %jit3A_2062 : f32 to vector<512x128xf32>
    %select_n3A_2064 = arith.select %eq3A_2061, %broadcast_in_dim3A_2063, %select_n3A_1941 : vector<512x128xi1>, vector<512x128xf32>
    %add3A_2065 = arith.constant 2.560000e+02 : f32
    %add3A_2066 = vector.broadcast %add3A_2065 : f32 to vector<512x128xf32>
    %add3A_2067 = arith.addf %add3A_2066, %convert_element_type3A : vector<512x128xf32>
    %eq3A_2068 = vector.broadcast %broadcast_in_dim3A_2041 : vector<512x1xf32> to vector<512x128xf32>
    %eq3A_2069 = arith.cmpf oeq, %add3A_2067, %eq3A_2068 : vector<512x128xf32>
    %jit3A_2070 = arith.constant 0x7F800000 : f32
    %broadcast_in_dim3A_2071 = vector.broadcast %jit3A_2070 : f32 to vector<512x128xf32>
    %select_n3A_2072 = arith.select %eq3A_2069, %broadcast_in_dim3A_2071, %select_n3A_1949 : vector<512x128xi1>, vector<512x128xf32>
    %add3A_2073 = arith.constant 3.840000e+02 : f32
    %add3A_2074 = vector.broadcast %add3A_2073 : f32 to vector<512x128xf32>
    %add3A_2075 = arith.addf %add3A_2074, %convert_element_type3A : vector<512x128xf32>
    %eq3A_2076 = vector.broadcast %broadcast_in_dim3A_2041 : vector<512x1xf32> to vector<512x128xf32>
    %eq3A_2077 = arith.cmpf oeq, %add3A_2075, %eq3A_2076 : vector<512x128xf32>
    %jit3A_2078 = arith.constant 0x7F800000 : f32
    %broadcast_in_dim3A_2079 = vector.broadcast %jit3A_2078 : f32 to vector<512x128xf32>
    %select_n3A_2080 = arith.select %eq3A_2077, %broadcast_in_dim3A_2079, %select_n3A_1957 : vector<512x128xi1>, vector<512x128xf32>
    %add3A_2081 = arith.constant 5.120000e+02 : f32
    %add3A_2082 = vector.broadcast %add3A_2081 : f32 to vector<512x128xf32>
    %add3A_2083 = arith.addf %add3A_2082, %convert_element_type3A : vector<512x128xf32>
    %eq3A_2084 = vector.broadcast %broadcast_in_dim3A_2041 : vector<512x1xf32> to vector<512x128xf32>
    %eq3A_2085 = arith.cmpf oeq, %add3A_2083, %eq3A_2084 : vector<512x128xf32>
    %jit3A_2086 = arith.constant 0x7F800000 : f32
    %broadcast_in_dim3A_2087 = vector.broadcast %jit3A_2086 : f32 to vector<512x128xf32>
    %select_n3A_2088 = arith.select %eq3A_2085, %broadcast_in_dim3A_2087, %select_n3A_1965 : vector<512x128xi1>, vector<512x128xf32>
    %add3A_2089 = arith.constant 6.400000e+02 : f32
    %add3A_2090 = vector.broadcast %add3A_2089 : f32 to vector<512x128xf32>
    %add3A_2091 = arith.addf %add3A_2090, %convert_element_type3A : vector<512x128xf32>
    %eq3A_2092 = vector.broadcast %broadcast_in_dim3A_2041 : vector<512x1xf32> to vector<512x128xf32>
    %eq3A_2093 = arith.cmpf oeq, %add3A_2091, %eq3A_2092 : vector<512x128xf32>
    %jit3A_2094 = arith.constant 0x7F800000 : f32
    %broadcast_in_dim3A_2095 = vector.broadcast %jit3A_2094 : f32 to vector<512x128xf32>
    %select_n3A_2096 = arith.select %eq3A_2093, %broadcast_in_dim3A_2095, %select_n3A_1973 : vector<512x128xi1>, vector<512x128xf32>
    %add3A_2097 = arith.constant 7.680000e+02 : f32
    %add3A_2098 = vector.broadcast %add3A_2097 : f32 to vector<512x128xf32>
    %add3A_2099 = arith.addf %add3A_2098, %convert_element_type3A : vector<512x128xf32>
    %eq3A_2100 = vector.broadcast %broadcast_in_dim3A_2041 : vector<512x1xf32> to vector<512x128xf32>
    %eq3A_2101 = arith.cmpf oeq, %add3A_2099, %eq3A_2100 : vector<512x128xf32>
    %jit3A_2102 = arith.constant 0x7F800000 : f32
    %broadcast_in_dim3A_2103 = vector.broadcast %jit3A_2102 : f32 to vector<512x128xf32>
    %select_n3A_2104 = arith.select %eq3A_2101, %broadcast_in_dim3A_2103, %select_n3A_1981 : vector<512x128xi1>, vector<512x128xf32>
    %add3A_2105 = arith.constant 8.960000e+02 : f32
    %add3A_2106 = vector.broadcast %add3A_2105 : f32 to vector<512x128xf32>
    %add3A_2107 = arith.addf %add3A_2106, %convert_element_type3A : vector<512x128xf32>
    %eq3A_2108 = vector.broadcast %broadcast_in_dim3A_2041 : vector<512x1xf32> to vector<512x128xf32>
    %eq3A_2109 = arith.cmpf oeq, %add3A_2107, %eq3A_2108 : vector<512x128xf32>
    %jit3A_2110 = arith.constant 0x7F800000 : f32
    %broadcast_in_dim3A_2111 = vector.broadcast %jit3A_2110 : f32 to vector<512x128xf32>
    %select_n3A_2112 = arith.select %eq3A_2109, %broadcast_in_dim3A_2111, %select_n3A_1989 : vector<512x128xi1>, vector<512x128xf32>
    %lt3A_2113 = arith.cmpf olt, %select_n3A_2064, %select_n3A_2056 : vector<512x128xf32>
    %min3A_2114 = arith.minimumf %select_n3A_2056, %select_n3A_2064 : vector<512x128xf32>
    %jit3A_2115 = arith.constant 1.000000e+00 : f32
    %jit3A_2116 = arith.constant 0.000000e+00 : f32
    %broadcast_in_dim3A_2117 = vector.broadcast %jit3A_2115 : f32 to vector<512x128xf32>
    %broadcast_in_dim3A_2118 = vector.broadcast %jit3A_2116 : f32 to vector<512x128xf32>
    %select_n3A_2119 = arith.select %lt3A_2113, %broadcast_in_dim3A_2117, %broadcast_in_dim3A_2118 : vector<512x128xi1>, vector<512x128xf32>
    %lt3A_2120 = arith.cmpf olt, %select_n3A_2080, %select_n3A_2072 : vector<512x128xf32>
    %min3A_2121 = arith.minimumf %select_n3A_2072, %select_n3A_2080 : vector<512x128xf32>
    %jit3A_2122 = arith.constant 3.000000e+00 : f32
    %jit3A_2123 = arith.constant 2.000000e+00 : f32
    %broadcast_in_dim3A_2124 = vector.broadcast %jit3A_2122 : f32 to vector<512x128xf32>
    %broadcast_in_dim3A_2125 = vector.broadcast %jit3A_2123 : f32 to vector<512x128xf32>
    %select_n3A_2126 = arith.select %lt3A_2120, %broadcast_in_dim3A_2124, %broadcast_in_dim3A_2125 : vector<512x128xi1>, vector<512x128xf32>
    %lt3A_2127 = arith.cmpf olt, %select_n3A_2096, %select_n3A_2088 : vector<512x128xf32>
    %min3A_2128 = arith.minimumf %select_n3A_2088, %select_n3A_2096 : vector<512x128xf32>
    %jit3A_2129 = arith.constant 5.000000e+00 : f32
    %jit3A_2130 = arith.constant 4.000000e+00 : f32
    %broadcast_in_dim3A_2131 = vector.broadcast %jit3A_2129 : f32 to vector<512x128xf32>
    %broadcast_in_dim3A_2132 = vector.broadcast %jit3A_2130 : f32 to vector<512x128xf32>
    %select_n3A_2133 = arith.select %lt3A_2127, %broadcast_in_dim3A_2131, %broadcast_in_dim3A_2132 : vector<512x128xi1>, vector<512x128xf32>
    %lt3A_2134 = arith.cmpf olt, %select_n3A_2112, %select_n3A_2104 : vector<512x128xf32>
    %min3A_2135 = arith.minimumf %select_n3A_2104, %select_n3A_2112 : vector<512x128xf32>
    %jit3A_2136 = arith.constant 7.000000e+00 : f32
    %jit3A_2137 = arith.constant 6.000000e+00 : f32
    %broadcast_in_dim3A_2138 = vector.broadcast %jit3A_2136 : f32 to vector<512x128xf32>
    %broadcast_in_dim3A_2139 = vector.broadcast %jit3A_2137 : f32 to vector<512x128xf32>
    %select_n3A_2140 = arith.select %lt3A_2134, %broadcast_in_dim3A_2138, %broadcast_in_dim3A_2139 : vector<512x128xi1>, vector<512x128xf32>
    %lt3A_2141 = arith.cmpf olt, %min3A_2121, %min3A_2114 : vector<512x128xf32>
    %min3A_2142 = arith.minimumf %min3A_2114, %min3A_2121 : vector<512x128xf32>
    %select_n3A_2143 = arith.select %lt3A_2141, %select_n3A_2126, %select_n3A_2119 : vector<512x128xi1>, vector<512x128xf32>
    %lt3A_2144 = arith.cmpf olt, %min3A_2135, %min3A_2128 : vector<512x128xf32>
    %min3A_2145 = arith.minimumf %min3A_2128, %min3A_2135 : vector<512x128xf32>
    %select_n3A_2146 = arith.select %lt3A_2144, %select_n3A_2140, %select_n3A_2133 : vector<512x128xi1>, vector<512x128xf32>
    %lt3A_2147 = arith.cmpf olt, %min3A_2145, %min3A_2142 : vector<512x128xf32>
    %min3A_2148 = arith.minimumf %min3A_2142, %min3A_2145 : vector<512x128xf32>
    %select_n3A_2149 = arith.select %lt3A_2147, %select_n3A_2146, %select_n3A_2143 : vector<512x128xi1>, vector<512x128xf32>
    %reduce_min3A_2150 = arith.constant dense<0x7F800000> : vector<512xf32>
    %reduce_min3A_2151 = vector.multi_reduction <minimumf>, %min3A_2148, %reduce_min3A_2150 [1] : vector<512x128xf32> to vector<512xf32>
    %broadcast_in_dim3A_2152 = vector.shape_cast %reduce_min3A_2151 : vector<512xf32> to vector<512x1xf32>
    %eq3A_2153 = vector.broadcast %broadcast_in_dim3A_2152 : vector<512x1xf32> to vector<512x128xf32>
    %eq3A_2154 = arith.cmpf oeq, %min3A_2148, %eq3A_2153 : vector<512x128xf32>
    %mul3A_2155 = arith.constant 1.280000e+02 : f32
    %mul3A_2156 = vector.broadcast %mul3A_2155 : f32 to vector<512x128xf32>
    %mul3A_2157 = arith.mulf %select_n3A_2149, %mul3A_2156 : vector<512x128xf32>
    %add3A_2158 = arith.addf %mul3A_2157, %convert_element_type3A : vector<512x128xf32>
    %jit3A_2159 = arith.constant 1.024000e+03 : f32
    %broadcast_in_dim3A_2160 = vector.broadcast %jit3A_2159 : f32 to vector<512x128xf32>
    %select_n3A_2161 = arith.select %eq3A_2154, %add3A_2158, %broadcast_in_dim3A_2160 : vector<512x128xi1>, vector<512x128xf32>
    %reduce_min3A_2162 = arith.constant dense<0x7F800000> : vector<512xf32>
    %reduce_min3A_2163 = vector.multi_reduction <minimumf>, %select_n3A_2161, %reduce_min3A_2162 [1] : vector<512x128xf32> to vector<512xf32>
    %broadcast_in_dim3A_2164 = vector.shape_cast %reduce_min3A_2163 : vector<512xf32> to vector<512x1xf32>
    %jit3A_2165 = arith.constant 3.40282347E+38 : f32
    %broadcast_in_dim3A_2166 = vector.broadcast %jit3A_2165 : f32 to vector<512x1xf32>
    %select_n3A_2167 = arith.select %ge3A_1006, %broadcast_in_dim3A_2166, %broadcast_in_dim3A_2152 : vector<512x1xi1>, vector<512x1xf32>
    %convert_element_type3A_2168 = arith.fptosi %broadcast_in_dim3A_2164 : vector<512x1xf32> to vector<512x1xi32>
    %jit3A_2169 = arith.constant 10 : i32
    %broadcast_in_dim3A_2170 = vector.broadcast %jit3A_2169 : i32 to vector<512x1xi32>
    %select_n3A_2171 = arith.select %ge3A_1006, %broadcast_in_dim3A_2170, %convert_element_type3A_2168 : vector<512x1xi1>, vector<512x1xi32>
    %add3A_2172 = arith.constant 0.000000e+00 : f32
    %add3A_2173 = vector.broadcast %add3A_2172 : f32 to vector<512x128xf32>
    %add3A_2174 = arith.addf %add3A_2173, %convert_element_type3A : vector<512x128xf32>
    %eq3A_2175 = vector.broadcast %broadcast_in_dim3A_2164 : vector<512x1xf32> to vector<512x128xf32>
    %eq3A_2176 = arith.cmpf oeq, %add3A_2174, %eq3A_2175 : vector<512x128xf32>
    %jit3A_2177 = arith.constant 0x7F800000 : f32
    %broadcast_in_dim3A_2178 = vector.broadcast %jit3A_2177 : f32 to vector<512x128xf32>
    %select_n3A_2179 = arith.select %eq3A_2176, %broadcast_in_dim3A_2178, %select_n3A_2056 : vector<512x128xi1>, vector<512x128xf32>
    %add3A_2180 = arith.constant 1.280000e+02 : f32
    %add3A_2181 = vector.broadcast %add3A_2180 : f32 to vector<512x128xf32>
    %add3A_2182 = arith.addf %add3A_2181, %convert_element_type3A : vector<512x128xf32>
    %eq3A_2183 = vector.broadcast %broadcast_in_dim3A_2164 : vector<512x1xf32> to vector<512x128xf32>
    %eq3A_2184 = arith.cmpf oeq, %add3A_2182, %eq3A_2183 : vector<512x128xf32>
    %jit3A_2185 = arith.constant 0x7F800000 : f32
    %broadcast_in_dim3A_2186 = vector.broadcast %jit3A_2185 : f32 to vector<512x128xf32>
    %select_n3A_2187 = arith.select %eq3A_2184, %broadcast_in_dim3A_2186, %select_n3A_2064 : vector<512x128xi1>, vector<512x128xf32>
    %add3A_2188 = arith.constant 2.560000e+02 : f32
    %add3A_2189 = vector.broadcast %add3A_2188 : f32 to vector<512x128xf32>
    %add3A_2190 = arith.addf %add3A_2189, %convert_element_type3A : vector<512x128xf32>
    %eq3A_2191 = vector.broadcast %broadcast_in_dim3A_2164 : vector<512x1xf32> to vector<512x128xf32>
    %eq3A_2192 = arith.cmpf oeq, %add3A_2190, %eq3A_2191 : vector<512x128xf32>
    %jit3A_2193 = arith.constant 0x7F800000 : f32
    %broadcast_in_dim3A_2194 = vector.broadcast %jit3A_2193 : f32 to vector<512x128xf32>
    %select_n3A_2195 = arith.select %eq3A_2192, %broadcast_in_dim3A_2194, %select_n3A_2072 : vector<512x128xi1>, vector<512x128xf32>
    %add3A_2196 = arith.constant 3.840000e+02 : f32
    %add3A_2197 = vector.broadcast %add3A_2196 : f32 to vector<512x128xf32>
    %add3A_2198 = arith.addf %add3A_2197, %convert_element_type3A : vector<512x128xf32>
    %eq3A_2199 = vector.broadcast %broadcast_in_dim3A_2164 : vector<512x1xf32> to vector<512x128xf32>
    %eq3A_2200 = arith.cmpf oeq, %add3A_2198, %eq3A_2199 : vector<512x128xf32>
    %jit3A_2201 = arith.constant 0x7F800000 : f32
    %broadcast_in_dim3A_2202 = vector.broadcast %jit3A_2201 : f32 to vector<512x128xf32>
    %select_n3A_2203 = arith.select %eq3A_2200, %broadcast_in_dim3A_2202, %select_n3A_2080 : vector<512x128xi1>, vector<512x128xf32>
    %add3A_2204 = arith.constant 5.120000e+02 : f32
    %add3A_2205 = vector.broadcast %add3A_2204 : f32 to vector<512x128xf32>
    %add3A_2206 = arith.addf %add3A_2205, %convert_element_type3A : vector<512x128xf32>
    %eq3A_2207 = vector.broadcast %broadcast_in_dim3A_2164 : vector<512x1xf32> to vector<512x128xf32>
    %eq3A_2208 = arith.cmpf oeq, %add3A_2206, %eq3A_2207 : vector<512x128xf32>
    %jit3A_2209 = arith.constant 0x7F800000 : f32
    %broadcast_in_dim3A_2210 = vector.broadcast %jit3A_2209 : f32 to vector<512x128xf32>
    %select_n3A_2211 = arith.select %eq3A_2208, %broadcast_in_dim3A_2210, %select_n3A_2088 : vector<512x128xi1>, vector<512x128xf32>
    %add3A_2212 = arith.constant 6.400000e+02 : f32
    %add3A_2213 = vector.broadcast %add3A_2212 : f32 to vector<512x128xf32>
    %add3A_2214 = arith.addf %add3A_2213, %convert_element_type3A : vector<512x128xf32>
    %eq3A_2215 = vector.broadcast %broadcast_in_dim3A_2164 : vector<512x1xf32> to vector<512x128xf32>
    %eq3A_2216 = arith.cmpf oeq, %add3A_2214, %eq3A_2215 : vector<512x128xf32>
    %jit3A_2217 = arith.constant 0x7F800000 : f32
    %broadcast_in_dim3A_2218 = vector.broadcast %jit3A_2217 : f32 to vector<512x128xf32>
    %select_n3A_2219 = arith.select %eq3A_2216, %broadcast_in_dim3A_2218, %select_n3A_2096 : vector<512x128xi1>, vector<512x128xf32>
    %add3A_2220 = arith.constant 7.680000e+02 : f32
    %add3A_2221 = vector.broadcast %add3A_2220 : f32 to vector<512x128xf32>
    %add3A_2222 = arith.addf %add3A_2221, %convert_element_type3A : vector<512x128xf32>
    %eq3A_2223 = vector.broadcast %broadcast_in_dim3A_2164 : vector<512x1xf32> to vector<512x128xf32>
    %eq3A_2224 = arith.cmpf oeq, %add3A_2222, %eq3A_2223 : vector<512x128xf32>
    %jit3A_2225 = arith.constant 0x7F800000 : f32
    %broadcast_in_dim3A_2226 = vector.broadcast %jit3A_2225 : f32 to vector<512x128xf32>
    %select_n3A_2227 = arith.select %eq3A_2224, %broadcast_in_dim3A_2226, %select_n3A_2104 : vector<512x128xi1>, vector<512x128xf32>
    %add3A_2228 = arith.constant 8.960000e+02 : f32
    %add3A_2229 = vector.broadcast %add3A_2228 : f32 to vector<512x128xf32>
    %add3A_2230 = arith.addf %add3A_2229, %convert_element_type3A : vector<512x128xf32>
    %eq3A_2231 = vector.broadcast %broadcast_in_dim3A_2164 : vector<512x1xf32> to vector<512x128xf32>
    %eq3A_2232 = arith.cmpf oeq, %add3A_2230, %eq3A_2231 : vector<512x128xf32>
    %jit3A_2233 = arith.constant 0x7F800000 : f32
    %broadcast_in_dim3A_2234 = vector.broadcast %jit3A_2233 : f32 to vector<512x128xf32>
    %select_n3A_2235 = arith.select %eq3A_2232, %broadcast_in_dim3A_2234, %select_n3A_2112 : vector<512x128xi1>, vector<512x128xf32>
    %lt3A_2236 = arith.cmpf olt, %select_n3A_2187, %select_n3A_2179 : vector<512x128xf32>
    %min3A_2237 = arith.minimumf %select_n3A_2179, %select_n3A_2187 : vector<512x128xf32>
    %jit3A_2238 = arith.constant 1.000000e+00 : f32
    %jit3A_2239 = arith.constant 0.000000e+00 : f32
    %broadcast_in_dim3A_2240 = vector.broadcast %jit3A_2238 : f32 to vector<512x128xf32>
    %broadcast_in_dim3A_2241 = vector.broadcast %jit3A_2239 : f32 to vector<512x128xf32>
    %select_n3A_2242 = arith.select %lt3A_2236, %broadcast_in_dim3A_2240, %broadcast_in_dim3A_2241 : vector<512x128xi1>, vector<512x128xf32>
    %lt3A_2243 = arith.cmpf olt, %select_n3A_2203, %select_n3A_2195 : vector<512x128xf32>
    %min3A_2244 = arith.minimumf %select_n3A_2195, %select_n3A_2203 : vector<512x128xf32>
    %jit3A_2245 = arith.constant 3.000000e+00 : f32
    %jit3A_2246 = arith.constant 2.000000e+00 : f32
    %broadcast_in_dim3A_2247 = vector.broadcast %jit3A_2245 : f32 to vector<512x128xf32>
    %broadcast_in_dim3A_2248 = vector.broadcast %jit3A_2246 : f32 to vector<512x128xf32>
    %select_n3A_2249 = arith.select %lt3A_2243, %broadcast_in_dim3A_2247, %broadcast_in_dim3A_2248 : vector<512x128xi1>, vector<512x128xf32>
    %lt3A_2250 = arith.cmpf olt, %select_n3A_2219, %select_n3A_2211 : vector<512x128xf32>
    %min3A_2251 = arith.minimumf %select_n3A_2211, %select_n3A_2219 : vector<512x128xf32>
    %jit3A_2252 = arith.constant 5.000000e+00 : f32
    %jit3A_2253 = arith.constant 4.000000e+00 : f32
    %broadcast_in_dim3A_2254 = vector.broadcast %jit3A_2252 : f32 to vector<512x128xf32>
    %broadcast_in_dim3A_2255 = vector.broadcast %jit3A_2253 : f32 to vector<512x128xf32>
    %select_n3A_2256 = arith.select %lt3A_2250, %broadcast_in_dim3A_2254, %broadcast_in_dim3A_2255 : vector<512x128xi1>, vector<512x128xf32>
    %lt3A_2257 = arith.cmpf olt, %select_n3A_2235, %select_n3A_2227 : vector<512x128xf32>
    %min3A_2258 = arith.minimumf %select_n3A_2227, %select_n3A_2235 : vector<512x128xf32>
    %jit3A_2259 = arith.constant 7.000000e+00 : f32
    %jit3A_2260 = arith.constant 6.000000e+00 : f32
    %broadcast_in_dim3A_2261 = vector.broadcast %jit3A_2259 : f32 to vector<512x128xf32>
    %broadcast_in_dim3A_2262 = vector.broadcast %jit3A_2260 : f32 to vector<512x128xf32>
    %select_n3A_2263 = arith.select %lt3A_2257, %broadcast_in_dim3A_2261, %broadcast_in_dim3A_2262 : vector<512x128xi1>, vector<512x128xf32>
    %lt3A_2264 = arith.cmpf olt, %min3A_2244, %min3A_2237 : vector<512x128xf32>
    %min3A_2265 = arith.minimumf %min3A_2237, %min3A_2244 : vector<512x128xf32>
    %select_n3A_2266 = arith.select %lt3A_2264, %select_n3A_2249, %select_n3A_2242 : vector<512x128xi1>, vector<512x128xf32>
    %lt3A_2267 = arith.cmpf olt, %min3A_2258, %min3A_2251 : vector<512x128xf32>
    %min3A_2268 = arith.minimumf %min3A_2251, %min3A_2258 : vector<512x128xf32>
    %select_n3A_2269 = arith.select %lt3A_2267, %select_n3A_2263, %select_n3A_2256 : vector<512x128xi1>, vector<512x128xf32>
    %lt3A_2270 = arith.cmpf olt, %min3A_2268, %min3A_2265 : vector<512x128xf32>
    %min3A_2271 = arith.minimumf %min3A_2265, %min3A_2268 : vector<512x128xf32>
    %select_n3A_2272 = arith.select %lt3A_2270, %select_n3A_2269, %select_n3A_2266 : vector<512x128xi1>, vector<512x128xf32>
    %reduce_min3A_2273 = arith.constant dense<0x7F800000> : vector<512xf32>
    %reduce_min3A_2274 = vector.multi_reduction <minimumf>, %min3A_2271, %reduce_min3A_2273 [1] : vector<512x128xf32> to vector<512xf32>
    %broadcast_in_dim3A_2275 = vector.shape_cast %reduce_min3A_2274 : vector<512xf32> to vector<512x1xf32>
    %eq3A_2276 = vector.broadcast %broadcast_in_dim3A_2275 : vector<512x1xf32> to vector<512x128xf32>
    %eq3A_2277 = arith.cmpf oeq, %min3A_2271, %eq3A_2276 : vector<512x128xf32>
    %mul3A_2278 = arith.constant 1.280000e+02 : f32
    %mul3A_2279 = vector.broadcast %mul3A_2278 : f32 to vector<512x128xf32>
    %mul3A_2280 = arith.mulf %select_n3A_2272, %mul3A_2279 : vector<512x128xf32>
    %add3A_2281 = arith.addf %mul3A_2280, %convert_element_type3A : vector<512x128xf32>
    %jit3A_2282 = arith.constant 1.024000e+03 : f32
    %broadcast_in_dim3A_2283 = vector.broadcast %jit3A_2282 : f32 to vector<512x128xf32>
    %select_n3A_2284 = arith.select %eq3A_2277, %add3A_2281, %broadcast_in_dim3A_2283 : vector<512x128xi1>, vector<512x128xf32>
    %reduce_min3A_2285 = arith.constant dense<0x7F800000> : vector<512xf32>
    %reduce_min3A_2286 = vector.multi_reduction <minimumf>, %select_n3A_2284, %reduce_min3A_2285 [1] : vector<512x128xf32> to vector<512xf32>
    %broadcast_in_dim3A_2287 = vector.shape_cast %reduce_min3A_2286 : vector<512xf32> to vector<512x1xf32>
    %jit3A_2288 = arith.constant 3.40282347E+38 : f32
    %broadcast_in_dim3A_2289 = vector.broadcast %jit3A_2288 : f32 to vector<512x1xf32>
    %select_n3A_2290 = arith.select %ge3A_1006, %broadcast_in_dim3A_2289, %broadcast_in_dim3A_2275 : vector<512x1xi1>, vector<512x1xf32>
    %convert_element_type3A_2291 = arith.fptosi %broadcast_in_dim3A_2287 : vector<512x1xf32> to vector<512x1xi32>
    %jit3A_2292 = arith.constant 11 : i32
    %broadcast_in_dim3A_2293 = vector.broadcast %jit3A_2292 : i32 to vector<512x1xi32>
    %select_n3A_2294 = arith.select %ge3A_1006, %broadcast_in_dim3A_2293, %convert_element_type3A_2291 : vector<512x1xi1>, vector<512x1xi32>
    %add3A_2295 = arith.constant 0.000000e+00 : f32
    %add3A_2296 = vector.broadcast %add3A_2295 : f32 to vector<512x128xf32>
    %add3A_2297 = arith.addf %add3A_2296, %convert_element_type3A : vector<512x128xf32>
    %eq3A_2298 = vector.broadcast %broadcast_in_dim3A_2287 : vector<512x1xf32> to vector<512x128xf32>
    %eq3A_2299 = arith.cmpf oeq, %add3A_2297, %eq3A_2298 : vector<512x128xf32>
    %jit3A_2300 = arith.constant 0x7F800000 : f32
    %broadcast_in_dim3A_2301 = vector.broadcast %jit3A_2300 : f32 to vector<512x128xf32>
    %select_n3A_2302 = arith.select %eq3A_2299, %broadcast_in_dim3A_2301, %select_n3A_2179 : vector<512x128xi1>, vector<512x128xf32>
    %add3A_2303 = arith.constant 1.280000e+02 : f32
    %add3A_2304 = vector.broadcast %add3A_2303 : f32 to vector<512x128xf32>
    %add3A_2305 = arith.addf %add3A_2304, %convert_element_type3A : vector<512x128xf32>
    %eq3A_2306 = vector.broadcast %broadcast_in_dim3A_2287 : vector<512x1xf32> to vector<512x128xf32>
    %eq3A_2307 = arith.cmpf oeq, %add3A_2305, %eq3A_2306 : vector<512x128xf32>
    %jit3A_2308 = arith.constant 0x7F800000 : f32
    %broadcast_in_dim3A_2309 = vector.broadcast %jit3A_2308 : f32 to vector<512x128xf32>
    %select_n3A_2310 = arith.select %eq3A_2307, %broadcast_in_dim3A_2309, %select_n3A_2187 : vector<512x128xi1>, vector<512x128xf32>
    %add3A_2311 = arith.constant 2.560000e+02 : f32
    %add3A_2312 = vector.broadcast %add3A_2311 : f32 to vector<512x128xf32>
    %add3A_2313 = arith.addf %add3A_2312, %convert_element_type3A : vector<512x128xf32>
    %eq3A_2314 = vector.broadcast %broadcast_in_dim3A_2287 : vector<512x1xf32> to vector<512x128xf32>
    %eq3A_2315 = arith.cmpf oeq, %add3A_2313, %eq3A_2314 : vector<512x128xf32>
    %jit3A_2316 = arith.constant 0x7F800000 : f32
    %broadcast_in_dim3A_2317 = vector.broadcast %jit3A_2316 : f32 to vector<512x128xf32>
    %select_n3A_2318 = arith.select %eq3A_2315, %broadcast_in_dim3A_2317, %select_n3A_2195 : vector<512x128xi1>, vector<512x128xf32>
    %add3A_2319 = arith.constant 3.840000e+02 : f32
    %add3A_2320 = vector.broadcast %add3A_2319 : f32 to vector<512x128xf32>
    %add3A_2321 = arith.addf %add3A_2320, %convert_element_type3A : vector<512x128xf32>
    %eq3A_2322 = vector.broadcast %broadcast_in_dim3A_2287 : vector<512x1xf32> to vector<512x128xf32>
    %eq3A_2323 = arith.cmpf oeq, %add3A_2321, %eq3A_2322 : vector<512x128xf32>
    %jit3A_2324 = arith.constant 0x7F800000 : f32
    %broadcast_in_dim3A_2325 = vector.broadcast %jit3A_2324 : f32 to vector<512x128xf32>
    %select_n3A_2326 = arith.select %eq3A_2323, %broadcast_in_dim3A_2325, %select_n3A_2203 : vector<512x128xi1>, vector<512x128xf32>
    %add3A_2327 = arith.constant 5.120000e+02 : f32
    %add3A_2328 = vector.broadcast %add3A_2327 : f32 to vector<512x128xf32>
    %add3A_2329 = arith.addf %add3A_2328, %convert_element_type3A : vector<512x128xf32>
    %eq3A_2330 = vector.broadcast %broadcast_in_dim3A_2287 : vector<512x1xf32> to vector<512x128xf32>
    %eq3A_2331 = arith.cmpf oeq, %add3A_2329, %eq3A_2330 : vector<512x128xf32>
    %jit3A_2332 = arith.constant 0x7F800000 : f32
    %broadcast_in_dim3A_2333 = vector.broadcast %jit3A_2332 : f32 to vector<512x128xf32>
    %select_n3A_2334 = arith.select %eq3A_2331, %broadcast_in_dim3A_2333, %select_n3A_2211 : vector<512x128xi1>, vector<512x128xf32>
    %add3A_2335 = arith.constant 6.400000e+02 : f32
    %add3A_2336 = vector.broadcast %add3A_2335 : f32 to vector<512x128xf32>
    %add3A_2337 = arith.addf %add3A_2336, %convert_element_type3A : vector<512x128xf32>
    %eq3A_2338 = vector.broadcast %broadcast_in_dim3A_2287 : vector<512x1xf32> to vector<512x128xf32>
    %eq3A_2339 = arith.cmpf oeq, %add3A_2337, %eq3A_2338 : vector<512x128xf32>
    %jit3A_2340 = arith.constant 0x7F800000 : f32
    %broadcast_in_dim3A_2341 = vector.broadcast %jit3A_2340 : f32 to vector<512x128xf32>
    %select_n3A_2342 = arith.select %eq3A_2339, %broadcast_in_dim3A_2341, %select_n3A_2219 : vector<512x128xi1>, vector<512x128xf32>
    %add3A_2343 = arith.constant 7.680000e+02 : f32
    %add3A_2344 = vector.broadcast %add3A_2343 : f32 to vector<512x128xf32>
    %add3A_2345 = arith.addf %add3A_2344, %convert_element_type3A : vector<512x128xf32>
    %eq3A_2346 = vector.broadcast %broadcast_in_dim3A_2287 : vector<512x1xf32> to vector<512x128xf32>
    %eq3A_2347 = arith.cmpf oeq, %add3A_2345, %eq3A_2346 : vector<512x128xf32>
    %jit3A_2348 = arith.constant 0x7F800000 : f32
    %broadcast_in_dim3A_2349 = vector.broadcast %jit3A_2348 : f32 to vector<512x128xf32>
    %select_n3A_2350 = arith.select %eq3A_2347, %broadcast_in_dim3A_2349, %select_n3A_2227 : vector<512x128xi1>, vector<512x128xf32>
    %add3A_2351 = arith.constant 8.960000e+02 : f32
    %add3A_2352 = vector.broadcast %add3A_2351 : f32 to vector<512x128xf32>
    %add3A_2353 = arith.addf %add3A_2352, %convert_element_type3A : vector<512x128xf32>
    %eq3A_2354 = vector.broadcast %broadcast_in_dim3A_2287 : vector<512x1xf32> to vector<512x128xf32>
    %eq3A_2355 = arith.cmpf oeq, %add3A_2353, %eq3A_2354 : vector<512x128xf32>
    %jit3A_2356 = arith.constant 0x7F800000 : f32
    %broadcast_in_dim3A_2357 = vector.broadcast %jit3A_2356 : f32 to vector<512x128xf32>
    %select_n3A_2358 = arith.select %eq3A_2355, %broadcast_in_dim3A_2357, %select_n3A_2235 : vector<512x128xi1>, vector<512x128xf32>
    %lt3A_2359 = arith.cmpf olt, %select_n3A_2310, %select_n3A_2302 : vector<512x128xf32>
    %min3A_2360 = arith.minimumf %select_n3A_2302, %select_n3A_2310 : vector<512x128xf32>
    %jit3A_2361 = arith.constant 1.000000e+00 : f32
    %jit3A_2362 = arith.constant 0.000000e+00 : f32
    %broadcast_in_dim3A_2363 = vector.broadcast %jit3A_2361 : f32 to vector<512x128xf32>
    %broadcast_in_dim3A_2364 = vector.broadcast %jit3A_2362 : f32 to vector<512x128xf32>
    %select_n3A_2365 = arith.select %lt3A_2359, %broadcast_in_dim3A_2363, %broadcast_in_dim3A_2364 : vector<512x128xi1>, vector<512x128xf32>
    %lt3A_2366 = arith.cmpf olt, %select_n3A_2326, %select_n3A_2318 : vector<512x128xf32>
    %min3A_2367 = arith.minimumf %select_n3A_2318, %select_n3A_2326 : vector<512x128xf32>
    %jit3A_2368 = arith.constant 3.000000e+00 : f32
    %jit3A_2369 = arith.constant 2.000000e+00 : f32
    %broadcast_in_dim3A_2370 = vector.broadcast %jit3A_2368 : f32 to vector<512x128xf32>
    %broadcast_in_dim3A_2371 = vector.broadcast %jit3A_2369 : f32 to vector<512x128xf32>
    %select_n3A_2372 = arith.select %lt3A_2366, %broadcast_in_dim3A_2370, %broadcast_in_dim3A_2371 : vector<512x128xi1>, vector<512x128xf32>
    %lt3A_2373 = arith.cmpf olt, %select_n3A_2342, %select_n3A_2334 : vector<512x128xf32>
    %min3A_2374 = arith.minimumf %select_n3A_2334, %select_n3A_2342 : vector<512x128xf32>
    %jit3A_2375 = arith.constant 5.000000e+00 : f32
    %jit3A_2376 = arith.constant 4.000000e+00 : f32
    %broadcast_in_dim3A_2377 = vector.broadcast %jit3A_2375 : f32 to vector<512x128xf32>
    %broadcast_in_dim3A_2378 = vector.broadcast %jit3A_2376 : f32 to vector<512x128xf32>
    %select_n3A_2379 = arith.select %lt3A_2373, %broadcast_in_dim3A_2377, %broadcast_in_dim3A_2378 : vector<512x128xi1>, vector<512x128xf32>
    %lt3A_2380 = arith.cmpf olt, %select_n3A_2358, %select_n3A_2350 : vector<512x128xf32>
    %min3A_2381 = arith.minimumf %select_n3A_2350, %select_n3A_2358 : vector<512x128xf32>
    %jit3A_2382 = arith.constant 7.000000e+00 : f32
    %jit3A_2383 = arith.constant 6.000000e+00 : f32
    %broadcast_in_dim3A_2384 = vector.broadcast %jit3A_2382 : f32 to vector<512x128xf32>
    %broadcast_in_dim3A_2385 = vector.broadcast %jit3A_2383 : f32 to vector<512x128xf32>
    %select_n3A_2386 = arith.select %lt3A_2380, %broadcast_in_dim3A_2384, %broadcast_in_dim3A_2385 : vector<512x128xi1>, vector<512x128xf32>
    %lt3A_2387 = arith.cmpf olt, %min3A_2367, %min3A_2360 : vector<512x128xf32>
    %min3A_2388 = arith.minimumf %min3A_2360, %min3A_2367 : vector<512x128xf32>
    %select_n3A_2389 = arith.select %lt3A_2387, %select_n3A_2372, %select_n3A_2365 : vector<512x128xi1>, vector<512x128xf32>
    %lt3A_2390 = arith.cmpf olt, %min3A_2381, %min3A_2374 : vector<512x128xf32>
    %min3A_2391 = arith.minimumf %min3A_2374, %min3A_2381 : vector<512x128xf32>
    %select_n3A_2392 = arith.select %lt3A_2390, %select_n3A_2386, %select_n3A_2379 : vector<512x128xi1>, vector<512x128xf32>
    %lt3A_2393 = arith.cmpf olt, %min3A_2391, %min3A_2388 : vector<512x128xf32>
    %min3A_2394 = arith.minimumf %min3A_2388, %min3A_2391 : vector<512x128xf32>
    %select_n3A_2395 = arith.select %lt3A_2393, %select_n3A_2392, %select_n3A_2389 : vector<512x128xi1>, vector<512x128xf32>
    %reduce_min3A_2396 = arith.constant dense<0x7F800000> : vector<512xf32>
    %reduce_min3A_2397 = vector.multi_reduction <minimumf>, %min3A_2394, %reduce_min3A_2396 [1] : vector<512x128xf32> to vector<512xf32>
    %broadcast_in_dim3A_2398 = vector.shape_cast %reduce_min3A_2397 : vector<512xf32> to vector<512x1xf32>
    %eq3A_2399 = vector.broadcast %broadcast_in_dim3A_2398 : vector<512x1xf32> to vector<512x128xf32>
    %eq3A_2400 = arith.cmpf oeq, %min3A_2394, %eq3A_2399 : vector<512x128xf32>
    %mul3A_2401 = arith.constant 1.280000e+02 : f32
    %mul3A_2402 = vector.broadcast %mul3A_2401 : f32 to vector<512x128xf32>
    %mul3A_2403 = arith.mulf %select_n3A_2395, %mul3A_2402 : vector<512x128xf32>
    %add3A_2404 = arith.addf %mul3A_2403, %convert_element_type3A : vector<512x128xf32>
    %jit3A_2405 = arith.constant 1.024000e+03 : f32
    %broadcast_in_dim3A_2406 = vector.broadcast %jit3A_2405 : f32 to vector<512x128xf32>
    %select_n3A_2407 = arith.select %eq3A_2400, %add3A_2404, %broadcast_in_dim3A_2406 : vector<512x128xi1>, vector<512x128xf32>
    %reduce_min3A_2408 = arith.constant dense<0x7F800000> : vector<512xf32>
    %reduce_min3A_2409 = vector.multi_reduction <minimumf>, %select_n3A_2407, %reduce_min3A_2408 [1] : vector<512x128xf32> to vector<512xf32>
    %broadcast_in_dim3A_2410 = vector.shape_cast %reduce_min3A_2409 : vector<512xf32> to vector<512x1xf32>
    %jit3A_2411 = arith.constant 3.40282347E+38 : f32
    %broadcast_in_dim3A_2412 = vector.broadcast %jit3A_2411 : f32 to vector<512x1xf32>
    %select_n3A_2413 = arith.select %ge3A_1006, %broadcast_in_dim3A_2412, %broadcast_in_dim3A_2398 : vector<512x1xi1>, vector<512x1xf32>
    %convert_element_type3A_2414 = arith.fptosi %broadcast_in_dim3A_2410 : vector<512x1xf32> to vector<512x1xi32>
    %jit3A_2415 = arith.constant 12 : i32
    %broadcast_in_dim3A_2416 = vector.broadcast %jit3A_2415 : i32 to vector<512x1xi32>
    %select_n3A_2417 = arith.select %ge3A_1006, %broadcast_in_dim3A_2416, %convert_element_type3A_2414 : vector<512x1xi1>, vector<512x1xi32>
    %add3A_2418 = arith.constant 0.000000e+00 : f32
    %add3A_2419 = vector.broadcast %add3A_2418 : f32 to vector<512x128xf32>
    %add3A_2420 = arith.addf %add3A_2419, %convert_element_type3A : vector<512x128xf32>
    %eq3A_2421 = vector.broadcast %broadcast_in_dim3A_2410 : vector<512x1xf32> to vector<512x128xf32>
    %eq3A_2422 = arith.cmpf oeq, %add3A_2420, %eq3A_2421 : vector<512x128xf32>
    %jit3A_2423 = arith.constant 0x7F800000 : f32
    %broadcast_in_dim3A_2424 = vector.broadcast %jit3A_2423 : f32 to vector<512x128xf32>
    %select_n3A_2425 = arith.select %eq3A_2422, %broadcast_in_dim3A_2424, %select_n3A_2302 : vector<512x128xi1>, vector<512x128xf32>
    %add3A_2426 = arith.constant 1.280000e+02 : f32
    %add3A_2427 = vector.broadcast %add3A_2426 : f32 to vector<512x128xf32>
    %add3A_2428 = arith.addf %add3A_2427, %convert_element_type3A : vector<512x128xf32>
    %eq3A_2429 = vector.broadcast %broadcast_in_dim3A_2410 : vector<512x1xf32> to vector<512x128xf32>
    %eq3A_2430 = arith.cmpf oeq, %add3A_2428, %eq3A_2429 : vector<512x128xf32>
    %jit3A_2431 = arith.constant 0x7F800000 : f32
    %broadcast_in_dim3A_2432 = vector.broadcast %jit3A_2431 : f32 to vector<512x128xf32>
    %select_n3A_2433 = arith.select %eq3A_2430, %broadcast_in_dim3A_2432, %select_n3A_2310 : vector<512x128xi1>, vector<512x128xf32>
    %add3A_2434 = arith.constant 2.560000e+02 : f32
    %add3A_2435 = vector.broadcast %add3A_2434 : f32 to vector<512x128xf32>
    %add3A_2436 = arith.addf %add3A_2435, %convert_element_type3A : vector<512x128xf32>
    %eq3A_2437 = vector.broadcast %broadcast_in_dim3A_2410 : vector<512x1xf32> to vector<512x128xf32>
    %eq3A_2438 = arith.cmpf oeq, %add3A_2436, %eq3A_2437 : vector<512x128xf32>
    %jit3A_2439 = arith.constant 0x7F800000 : f32
    %broadcast_in_dim3A_2440 = vector.broadcast %jit3A_2439 : f32 to vector<512x128xf32>
    %select_n3A_2441 = arith.select %eq3A_2438, %broadcast_in_dim3A_2440, %select_n3A_2318 : vector<512x128xi1>, vector<512x128xf32>
    %add3A_2442 = arith.constant 3.840000e+02 : f32
    %add3A_2443 = vector.broadcast %add3A_2442 : f32 to vector<512x128xf32>
    %add3A_2444 = arith.addf %add3A_2443, %convert_element_type3A : vector<512x128xf32>
    %eq3A_2445 = vector.broadcast %broadcast_in_dim3A_2410 : vector<512x1xf32> to vector<512x128xf32>
    %eq3A_2446 = arith.cmpf oeq, %add3A_2444, %eq3A_2445 : vector<512x128xf32>
    %jit3A_2447 = arith.constant 0x7F800000 : f32
    %broadcast_in_dim3A_2448 = vector.broadcast %jit3A_2447 : f32 to vector<512x128xf32>
    %select_n3A_2449 = arith.select %eq3A_2446, %broadcast_in_dim3A_2448, %select_n3A_2326 : vector<512x128xi1>, vector<512x128xf32>
    %add3A_2450 = arith.constant 5.120000e+02 : f32
    %add3A_2451 = vector.broadcast %add3A_2450 : f32 to vector<512x128xf32>
    %add3A_2452 = arith.addf %add3A_2451, %convert_element_type3A : vector<512x128xf32>
    %eq3A_2453 = vector.broadcast %broadcast_in_dim3A_2410 : vector<512x1xf32> to vector<512x128xf32>
    %eq3A_2454 = arith.cmpf oeq, %add3A_2452, %eq3A_2453 : vector<512x128xf32>
    %jit3A_2455 = arith.constant 0x7F800000 : f32
    %broadcast_in_dim3A_2456 = vector.broadcast %jit3A_2455 : f32 to vector<512x128xf32>
    %select_n3A_2457 = arith.select %eq3A_2454, %broadcast_in_dim3A_2456, %select_n3A_2334 : vector<512x128xi1>, vector<512x128xf32>
    %add3A_2458 = arith.constant 6.400000e+02 : f32
    %add3A_2459 = vector.broadcast %add3A_2458 : f32 to vector<512x128xf32>
    %add3A_2460 = arith.addf %add3A_2459, %convert_element_type3A : vector<512x128xf32>
    %eq3A_2461 = vector.broadcast %broadcast_in_dim3A_2410 : vector<512x1xf32> to vector<512x128xf32>
    %eq3A_2462 = arith.cmpf oeq, %add3A_2460, %eq3A_2461 : vector<512x128xf32>
    %jit3A_2463 = arith.constant 0x7F800000 : f32
    %broadcast_in_dim3A_2464 = vector.broadcast %jit3A_2463 : f32 to vector<512x128xf32>
    %select_n3A_2465 = arith.select %eq3A_2462, %broadcast_in_dim3A_2464, %select_n3A_2342 : vector<512x128xi1>, vector<512x128xf32>
    %add3A_2466 = arith.constant 7.680000e+02 : f32
    %add3A_2467 = vector.broadcast %add3A_2466 : f32 to vector<512x128xf32>
    %add3A_2468 = arith.addf %add3A_2467, %convert_element_type3A : vector<512x128xf32>
    %eq3A_2469 = vector.broadcast %broadcast_in_dim3A_2410 : vector<512x1xf32> to vector<512x128xf32>
    %eq3A_2470 = arith.cmpf oeq, %add3A_2468, %eq3A_2469 : vector<512x128xf32>
    %jit3A_2471 = arith.constant 0x7F800000 : f32
    %broadcast_in_dim3A_2472 = vector.broadcast %jit3A_2471 : f32 to vector<512x128xf32>
    %select_n3A_2473 = arith.select %eq3A_2470, %broadcast_in_dim3A_2472, %select_n3A_2350 : vector<512x128xi1>, vector<512x128xf32>
    %add3A_2474 = arith.constant 8.960000e+02 : f32
    %add3A_2475 = vector.broadcast %add3A_2474 : f32 to vector<512x128xf32>
    %add3A_2476 = arith.addf %add3A_2475, %convert_element_type3A : vector<512x128xf32>
    %eq3A_2477 = vector.broadcast %broadcast_in_dim3A_2410 : vector<512x1xf32> to vector<512x128xf32>
    %eq3A_2478 = arith.cmpf oeq, %add3A_2476, %eq3A_2477 : vector<512x128xf32>
    %jit3A_2479 = arith.constant 0x7F800000 : f32
    %broadcast_in_dim3A_2480 = vector.broadcast %jit3A_2479 : f32 to vector<512x128xf32>
    %select_n3A_2481 = arith.select %eq3A_2478, %broadcast_in_dim3A_2480, %select_n3A_2358 : vector<512x128xi1>, vector<512x128xf32>
    %lt3A_2482 = arith.cmpf olt, %select_n3A_2433, %select_n3A_2425 : vector<512x128xf32>
    %min3A_2483 = arith.minimumf %select_n3A_2425, %select_n3A_2433 : vector<512x128xf32>
    %jit3A_2484 = arith.constant 1.000000e+00 : f32
    %jit3A_2485 = arith.constant 0.000000e+00 : f32
    %broadcast_in_dim3A_2486 = vector.broadcast %jit3A_2484 : f32 to vector<512x128xf32>
    %broadcast_in_dim3A_2487 = vector.broadcast %jit3A_2485 : f32 to vector<512x128xf32>
    %select_n3A_2488 = arith.select %lt3A_2482, %broadcast_in_dim3A_2486, %broadcast_in_dim3A_2487 : vector<512x128xi1>, vector<512x128xf32>
    %lt3A_2489 = arith.cmpf olt, %select_n3A_2449, %select_n3A_2441 : vector<512x128xf32>
    %min3A_2490 = arith.minimumf %select_n3A_2441, %select_n3A_2449 : vector<512x128xf32>
    %jit3A_2491 = arith.constant 3.000000e+00 : f32
    %jit3A_2492 = arith.constant 2.000000e+00 : f32
    %broadcast_in_dim3A_2493 = vector.broadcast %jit3A_2491 : f32 to vector<512x128xf32>
    %broadcast_in_dim3A_2494 = vector.broadcast %jit3A_2492 : f32 to vector<512x128xf32>
    %select_n3A_2495 = arith.select %lt3A_2489, %broadcast_in_dim3A_2493, %broadcast_in_dim3A_2494 : vector<512x128xi1>, vector<512x128xf32>
    %lt3A_2496 = arith.cmpf olt, %select_n3A_2465, %select_n3A_2457 : vector<512x128xf32>
    %min3A_2497 = arith.minimumf %select_n3A_2457, %select_n3A_2465 : vector<512x128xf32>
    %jit3A_2498 = arith.constant 5.000000e+00 : f32
    %jit3A_2499 = arith.constant 4.000000e+00 : f32
    %broadcast_in_dim3A_2500 = vector.broadcast %jit3A_2498 : f32 to vector<512x128xf32>
    %broadcast_in_dim3A_2501 = vector.broadcast %jit3A_2499 : f32 to vector<512x128xf32>
    %select_n3A_2502 = arith.select %lt3A_2496, %broadcast_in_dim3A_2500, %broadcast_in_dim3A_2501 : vector<512x128xi1>, vector<512x128xf32>
    %lt3A_2503 = arith.cmpf olt, %select_n3A_2481, %select_n3A_2473 : vector<512x128xf32>
    %min3A_2504 = arith.minimumf %select_n3A_2473, %select_n3A_2481 : vector<512x128xf32>
    %jit3A_2505 = arith.constant 7.000000e+00 : f32
    %jit3A_2506 = arith.constant 6.000000e+00 : f32
    %broadcast_in_dim3A_2507 = vector.broadcast %jit3A_2505 : f32 to vector<512x128xf32>
    %broadcast_in_dim3A_2508 = vector.broadcast %jit3A_2506 : f32 to vector<512x128xf32>
    %select_n3A_2509 = arith.select %lt3A_2503, %broadcast_in_dim3A_2507, %broadcast_in_dim3A_2508 : vector<512x128xi1>, vector<512x128xf32>
    %lt3A_2510 = arith.cmpf olt, %min3A_2490, %min3A_2483 : vector<512x128xf32>
    %min3A_2511 = arith.minimumf %min3A_2483, %min3A_2490 : vector<512x128xf32>
    %select_n3A_2512 = arith.select %lt3A_2510, %select_n3A_2495, %select_n3A_2488 : vector<512x128xi1>, vector<512x128xf32>
    %lt3A_2513 = arith.cmpf olt, %min3A_2504, %min3A_2497 : vector<512x128xf32>
    %min3A_2514 = arith.minimumf %min3A_2497, %min3A_2504 : vector<512x128xf32>
    %select_n3A_2515 = arith.select %lt3A_2513, %select_n3A_2509, %select_n3A_2502 : vector<512x128xi1>, vector<512x128xf32>
    %lt3A_2516 = arith.cmpf olt, %min3A_2514, %min3A_2511 : vector<512x128xf32>
    %min3A_2517 = arith.minimumf %min3A_2511, %min3A_2514 : vector<512x128xf32>
    %select_n3A_2518 = arith.select %lt3A_2516, %select_n3A_2515, %select_n3A_2512 : vector<512x128xi1>, vector<512x128xf32>
    %reduce_min3A_2519 = arith.constant dense<0x7F800000> : vector<512xf32>
    %reduce_min3A_2520 = vector.multi_reduction <minimumf>, %min3A_2517, %reduce_min3A_2519 [1] : vector<512x128xf32> to vector<512xf32>
    %broadcast_in_dim3A_2521 = vector.shape_cast %reduce_min3A_2520 : vector<512xf32> to vector<512x1xf32>
    %eq3A_2522 = vector.broadcast %broadcast_in_dim3A_2521 : vector<512x1xf32> to vector<512x128xf32>
    %eq3A_2523 = arith.cmpf oeq, %min3A_2517, %eq3A_2522 : vector<512x128xf32>
    %mul3A_2524 = arith.constant 1.280000e+02 : f32
    %mul3A_2525 = vector.broadcast %mul3A_2524 : f32 to vector<512x128xf32>
    %mul3A_2526 = arith.mulf %select_n3A_2518, %mul3A_2525 : vector<512x128xf32>
    %add3A_2527 = arith.addf %mul3A_2526, %convert_element_type3A : vector<512x128xf32>
    %jit3A_2528 = arith.constant 1.024000e+03 : f32
    %broadcast_in_dim3A_2529 = vector.broadcast %jit3A_2528 : f32 to vector<512x128xf32>
    %select_n3A_2530 = arith.select %eq3A_2523, %add3A_2527, %broadcast_in_dim3A_2529 : vector<512x128xi1>, vector<512x128xf32>
    %reduce_min3A_2531 = arith.constant dense<0x7F800000> : vector<512xf32>
    %reduce_min3A_2532 = vector.multi_reduction <minimumf>, %select_n3A_2530, %reduce_min3A_2531 [1] : vector<512x128xf32> to vector<512xf32>
    %broadcast_in_dim3A_2533 = vector.shape_cast %reduce_min3A_2532 : vector<512xf32> to vector<512x1xf32>
    %jit3A_2534 = arith.constant 3.40282347E+38 : f32
    %broadcast_in_dim3A_2535 = vector.broadcast %jit3A_2534 : f32 to vector<512x1xf32>
    %select_n3A_2536 = arith.select %ge3A_1006, %broadcast_in_dim3A_2535, %broadcast_in_dim3A_2521 : vector<512x1xi1>, vector<512x1xf32>
    %convert_element_type3A_2537 = arith.fptosi %broadcast_in_dim3A_2533 : vector<512x1xf32> to vector<512x1xi32>
    %jit3A_2538 = arith.constant 13 : i32
    %broadcast_in_dim3A_2539 = vector.broadcast %jit3A_2538 : i32 to vector<512x1xi32>
    %select_n3A_2540 = arith.select %ge3A_1006, %broadcast_in_dim3A_2539, %convert_element_type3A_2537 : vector<512x1xi1>, vector<512x1xi32>
    %add3A_2541 = arith.constant 0.000000e+00 : f32
    %add3A_2542 = vector.broadcast %add3A_2541 : f32 to vector<512x128xf32>
    %add3A_2543 = arith.addf %add3A_2542, %convert_element_type3A : vector<512x128xf32>
    %eq3A_2544 = vector.broadcast %broadcast_in_dim3A_2533 : vector<512x1xf32> to vector<512x128xf32>
    %eq3A_2545 = arith.cmpf oeq, %add3A_2543, %eq3A_2544 : vector<512x128xf32>
    %jit3A_2546 = arith.constant 0x7F800000 : f32
    %broadcast_in_dim3A_2547 = vector.broadcast %jit3A_2546 : f32 to vector<512x128xf32>
    %select_n3A_2548 = arith.select %eq3A_2545, %broadcast_in_dim3A_2547, %select_n3A_2425 : vector<512x128xi1>, vector<512x128xf32>
    %add3A_2549 = arith.constant 1.280000e+02 : f32
    %add3A_2550 = vector.broadcast %add3A_2549 : f32 to vector<512x128xf32>
    %add3A_2551 = arith.addf %add3A_2550, %convert_element_type3A : vector<512x128xf32>
    %eq3A_2552 = vector.broadcast %broadcast_in_dim3A_2533 : vector<512x1xf32> to vector<512x128xf32>
    %eq3A_2553 = arith.cmpf oeq, %add3A_2551, %eq3A_2552 : vector<512x128xf32>
    %jit3A_2554 = arith.constant 0x7F800000 : f32
    %broadcast_in_dim3A_2555 = vector.broadcast %jit3A_2554 : f32 to vector<512x128xf32>
    %select_n3A_2556 = arith.select %eq3A_2553, %broadcast_in_dim3A_2555, %select_n3A_2433 : vector<512x128xi1>, vector<512x128xf32>
    %add3A_2557 = arith.constant 2.560000e+02 : f32
    %add3A_2558 = vector.broadcast %add3A_2557 : f32 to vector<512x128xf32>
    %add3A_2559 = arith.addf %add3A_2558, %convert_element_type3A : vector<512x128xf32>
    %eq3A_2560 = vector.broadcast %broadcast_in_dim3A_2533 : vector<512x1xf32> to vector<512x128xf32>
    %eq3A_2561 = arith.cmpf oeq, %add3A_2559, %eq3A_2560 : vector<512x128xf32>
    %jit3A_2562 = arith.constant 0x7F800000 : f32
    %broadcast_in_dim3A_2563 = vector.broadcast %jit3A_2562 : f32 to vector<512x128xf32>
    %select_n3A_2564 = arith.select %eq3A_2561, %broadcast_in_dim3A_2563, %select_n3A_2441 : vector<512x128xi1>, vector<512x128xf32>
    %add3A_2565 = arith.constant 3.840000e+02 : f32
    %add3A_2566 = vector.broadcast %add3A_2565 : f32 to vector<512x128xf32>
    %add3A_2567 = arith.addf %add3A_2566, %convert_element_type3A : vector<512x128xf32>
    %eq3A_2568 = vector.broadcast %broadcast_in_dim3A_2533 : vector<512x1xf32> to vector<512x128xf32>
    %eq3A_2569 = arith.cmpf oeq, %add3A_2567, %eq3A_2568 : vector<512x128xf32>
    %jit3A_2570 = arith.constant 0x7F800000 : f32
    %broadcast_in_dim3A_2571 = vector.broadcast %jit3A_2570 : f32 to vector<512x128xf32>
    %select_n3A_2572 = arith.select %eq3A_2569, %broadcast_in_dim3A_2571, %select_n3A_2449 : vector<512x128xi1>, vector<512x128xf32>
    %add3A_2573 = arith.constant 5.120000e+02 : f32
    %add3A_2574 = vector.broadcast %add3A_2573 : f32 to vector<512x128xf32>
    %add3A_2575 = arith.addf %add3A_2574, %convert_element_type3A : vector<512x128xf32>
    %eq3A_2576 = vector.broadcast %broadcast_in_dim3A_2533 : vector<512x1xf32> to vector<512x128xf32>
    %eq3A_2577 = arith.cmpf oeq, %add3A_2575, %eq3A_2576 : vector<512x128xf32>
    %jit3A_2578 = arith.constant 0x7F800000 : f32
    %broadcast_in_dim3A_2579 = vector.broadcast %jit3A_2578 : f32 to vector<512x128xf32>
    %select_n3A_2580 = arith.select %eq3A_2577, %broadcast_in_dim3A_2579, %select_n3A_2457 : vector<512x128xi1>, vector<512x128xf32>
    %add3A_2581 = arith.constant 6.400000e+02 : f32
    %add3A_2582 = vector.broadcast %add3A_2581 : f32 to vector<512x128xf32>
    %add3A_2583 = arith.addf %add3A_2582, %convert_element_type3A : vector<512x128xf32>
    %eq3A_2584 = vector.broadcast %broadcast_in_dim3A_2533 : vector<512x1xf32> to vector<512x128xf32>
    %eq3A_2585 = arith.cmpf oeq, %add3A_2583, %eq3A_2584 : vector<512x128xf32>
    %jit3A_2586 = arith.constant 0x7F800000 : f32
    %broadcast_in_dim3A_2587 = vector.broadcast %jit3A_2586 : f32 to vector<512x128xf32>
    %select_n3A_2588 = arith.select %eq3A_2585, %broadcast_in_dim3A_2587, %select_n3A_2465 : vector<512x128xi1>, vector<512x128xf32>
    %add3A_2589 = arith.constant 7.680000e+02 : f32
    %add3A_2590 = vector.broadcast %add3A_2589 : f32 to vector<512x128xf32>
    %add3A_2591 = arith.addf %add3A_2590, %convert_element_type3A : vector<512x128xf32>
    %eq3A_2592 = vector.broadcast %broadcast_in_dim3A_2533 : vector<512x1xf32> to vector<512x128xf32>
    %eq3A_2593 = arith.cmpf oeq, %add3A_2591, %eq3A_2592 : vector<512x128xf32>
    %jit3A_2594 = arith.constant 0x7F800000 : f32
    %broadcast_in_dim3A_2595 = vector.broadcast %jit3A_2594 : f32 to vector<512x128xf32>
    %select_n3A_2596 = arith.select %eq3A_2593, %broadcast_in_dim3A_2595, %select_n3A_2473 : vector<512x128xi1>, vector<512x128xf32>
    %add3A_2597 = arith.constant 8.960000e+02 : f32
    %add3A_2598 = vector.broadcast %add3A_2597 : f32 to vector<512x128xf32>
    %add3A_2599 = arith.addf %add3A_2598, %convert_element_type3A : vector<512x128xf32>
    %eq3A_2600 = vector.broadcast %broadcast_in_dim3A_2533 : vector<512x1xf32> to vector<512x128xf32>
    %eq3A_2601 = arith.cmpf oeq, %add3A_2599, %eq3A_2600 : vector<512x128xf32>
    %jit3A_2602 = arith.constant 0x7F800000 : f32
    %broadcast_in_dim3A_2603 = vector.broadcast %jit3A_2602 : f32 to vector<512x128xf32>
    %select_n3A_2604 = arith.select %eq3A_2601, %broadcast_in_dim3A_2603, %select_n3A_2481 : vector<512x128xi1>, vector<512x128xf32>
    %lt3A_2605 = arith.cmpf olt, %select_n3A_2556, %select_n3A_2548 : vector<512x128xf32>
    %min3A_2606 = arith.minimumf %select_n3A_2548, %select_n3A_2556 : vector<512x128xf32>
    %jit3A_2607 = arith.constant 1.000000e+00 : f32
    %jit3A_2608 = arith.constant 0.000000e+00 : f32
    %broadcast_in_dim3A_2609 = vector.broadcast %jit3A_2607 : f32 to vector<512x128xf32>
    %broadcast_in_dim3A_2610 = vector.broadcast %jit3A_2608 : f32 to vector<512x128xf32>
    %select_n3A_2611 = arith.select %lt3A_2605, %broadcast_in_dim3A_2609, %broadcast_in_dim3A_2610 : vector<512x128xi1>, vector<512x128xf32>
    %lt3A_2612 = arith.cmpf olt, %select_n3A_2572, %select_n3A_2564 : vector<512x128xf32>
    %min3A_2613 = arith.minimumf %select_n3A_2564, %select_n3A_2572 : vector<512x128xf32>
    %jit3A_2614 = arith.constant 3.000000e+00 : f32
    %jit3A_2615 = arith.constant 2.000000e+00 : f32
    %broadcast_in_dim3A_2616 = vector.broadcast %jit3A_2614 : f32 to vector<512x128xf32>
    %broadcast_in_dim3A_2617 = vector.broadcast %jit3A_2615 : f32 to vector<512x128xf32>
    %select_n3A_2618 = arith.select %lt3A_2612, %broadcast_in_dim3A_2616, %broadcast_in_dim3A_2617 : vector<512x128xi1>, vector<512x128xf32>
    %lt3A_2619 = arith.cmpf olt, %select_n3A_2588, %select_n3A_2580 : vector<512x128xf32>
    %min3A_2620 = arith.minimumf %select_n3A_2580, %select_n3A_2588 : vector<512x128xf32>
    %jit3A_2621 = arith.constant 5.000000e+00 : f32
    %jit3A_2622 = arith.constant 4.000000e+00 : f32
    %broadcast_in_dim3A_2623 = vector.broadcast %jit3A_2621 : f32 to vector<512x128xf32>
    %broadcast_in_dim3A_2624 = vector.broadcast %jit3A_2622 : f32 to vector<512x128xf32>
    %select_n3A_2625 = arith.select %lt3A_2619, %broadcast_in_dim3A_2623, %broadcast_in_dim3A_2624 : vector<512x128xi1>, vector<512x128xf32>
    %lt3A_2626 = arith.cmpf olt, %select_n3A_2604, %select_n3A_2596 : vector<512x128xf32>
    %min3A_2627 = arith.minimumf %select_n3A_2596, %select_n3A_2604 : vector<512x128xf32>
    %jit3A_2628 = arith.constant 7.000000e+00 : f32
    %jit3A_2629 = arith.constant 6.000000e+00 : f32
    %broadcast_in_dim3A_2630 = vector.broadcast %jit3A_2628 : f32 to vector<512x128xf32>
    %broadcast_in_dim3A_2631 = vector.broadcast %jit3A_2629 : f32 to vector<512x128xf32>
    %select_n3A_2632 = arith.select %lt3A_2626, %broadcast_in_dim3A_2630, %broadcast_in_dim3A_2631 : vector<512x128xi1>, vector<512x128xf32>
    %lt3A_2633 = arith.cmpf olt, %min3A_2613, %min3A_2606 : vector<512x128xf32>
    %min3A_2634 = arith.minimumf %min3A_2606, %min3A_2613 : vector<512x128xf32>
    %select_n3A_2635 = arith.select %lt3A_2633, %select_n3A_2618, %select_n3A_2611 : vector<512x128xi1>, vector<512x128xf32>
    %lt3A_2636 = arith.cmpf olt, %min3A_2627, %min3A_2620 : vector<512x128xf32>
    %min3A_2637 = arith.minimumf %min3A_2620, %min3A_2627 : vector<512x128xf32>
    %select_n3A_2638 = arith.select %lt3A_2636, %select_n3A_2632, %select_n3A_2625 : vector<512x128xi1>, vector<512x128xf32>
    %lt3A_2639 = arith.cmpf olt, %min3A_2637, %min3A_2634 : vector<512x128xf32>
    %min3A_2640 = arith.minimumf %min3A_2634, %min3A_2637 : vector<512x128xf32>
    %select_n3A_2641 = arith.select %lt3A_2639, %select_n3A_2638, %select_n3A_2635 : vector<512x128xi1>, vector<512x128xf32>
    %reduce_min3A_2642 = arith.constant dense<0x7F800000> : vector<512xf32>
    %reduce_min3A_2643 = vector.multi_reduction <minimumf>, %min3A_2640, %reduce_min3A_2642 [1] : vector<512x128xf32> to vector<512xf32>
    %broadcast_in_dim3A_2644 = vector.shape_cast %reduce_min3A_2643 : vector<512xf32> to vector<512x1xf32>
    %eq3A_2645 = vector.broadcast %broadcast_in_dim3A_2644 : vector<512x1xf32> to vector<512x128xf32>
    %eq3A_2646 = arith.cmpf oeq, %min3A_2640, %eq3A_2645 : vector<512x128xf32>
    %mul3A_2647 = arith.constant 1.280000e+02 : f32
    %mul3A_2648 = vector.broadcast %mul3A_2647 : f32 to vector<512x128xf32>
    %mul3A_2649 = arith.mulf %select_n3A_2641, %mul3A_2648 : vector<512x128xf32>
    %add3A_2650 = arith.addf %mul3A_2649, %convert_element_type3A : vector<512x128xf32>
    %jit3A_2651 = arith.constant 1.024000e+03 : f32
    %broadcast_in_dim3A_2652 = vector.broadcast %jit3A_2651 : f32 to vector<512x128xf32>
    %select_n3A_2653 = arith.select %eq3A_2646, %add3A_2650, %broadcast_in_dim3A_2652 : vector<512x128xi1>, vector<512x128xf32>
    %reduce_min3A_2654 = arith.constant dense<0x7F800000> : vector<512xf32>
    %reduce_min3A_2655 = vector.multi_reduction <minimumf>, %select_n3A_2653, %reduce_min3A_2654 [1] : vector<512x128xf32> to vector<512xf32>
    %broadcast_in_dim3A_2656 = vector.shape_cast %reduce_min3A_2655 : vector<512xf32> to vector<512x1xf32>
    %jit3A_2657 = arith.constant 3.40282347E+38 : f32
    %broadcast_in_dim3A_2658 = vector.broadcast %jit3A_2657 : f32 to vector<512x1xf32>
    %select_n3A_2659 = arith.select %ge3A_1006, %broadcast_in_dim3A_2658, %broadcast_in_dim3A_2644 : vector<512x1xi1>, vector<512x1xf32>
    %convert_element_type3A_2660 = arith.fptosi %broadcast_in_dim3A_2656 : vector<512x1xf32> to vector<512x1xi32>
    %jit3A_2661 = arith.constant 14 : i32
    %broadcast_in_dim3A_2662 = vector.broadcast %jit3A_2661 : i32 to vector<512x1xi32>
    %select_n3A_2663 = arith.select %ge3A_1006, %broadcast_in_dim3A_2662, %convert_element_type3A_2660 : vector<512x1xi1>, vector<512x1xi32>
    %add3A_2664 = arith.constant 0.000000e+00 : f32
    %add3A_2665 = vector.broadcast %add3A_2664 : f32 to vector<512x128xf32>
    %add3A_2666 = arith.addf %add3A_2665, %convert_element_type3A : vector<512x128xf32>
    %eq3A_2667 = vector.broadcast %broadcast_in_dim3A_2656 : vector<512x1xf32> to vector<512x128xf32>
    %eq3A_2668 = arith.cmpf oeq, %add3A_2666, %eq3A_2667 : vector<512x128xf32>
    %jit3A_2669 = arith.constant 0x7F800000 : f32
    %broadcast_in_dim3A_2670 = vector.broadcast %jit3A_2669 : f32 to vector<512x128xf32>
    %select_n3A_2671 = arith.select %eq3A_2668, %broadcast_in_dim3A_2670, %select_n3A_2548 : vector<512x128xi1>, vector<512x128xf32>
    %add3A_2672 = arith.constant 1.280000e+02 : f32
    %add3A_2673 = vector.broadcast %add3A_2672 : f32 to vector<512x128xf32>
    %add3A_2674 = arith.addf %add3A_2673, %convert_element_type3A : vector<512x128xf32>
    %eq3A_2675 = vector.broadcast %broadcast_in_dim3A_2656 : vector<512x1xf32> to vector<512x128xf32>
    %eq3A_2676 = arith.cmpf oeq, %add3A_2674, %eq3A_2675 : vector<512x128xf32>
    %jit3A_2677 = arith.constant 0x7F800000 : f32
    %broadcast_in_dim3A_2678 = vector.broadcast %jit3A_2677 : f32 to vector<512x128xf32>
    %select_n3A_2679 = arith.select %eq3A_2676, %broadcast_in_dim3A_2678, %select_n3A_2556 : vector<512x128xi1>, vector<512x128xf32>
    %add3A_2680 = arith.constant 2.560000e+02 : f32
    %add3A_2681 = vector.broadcast %add3A_2680 : f32 to vector<512x128xf32>
    %add3A_2682 = arith.addf %add3A_2681, %convert_element_type3A : vector<512x128xf32>
    %eq3A_2683 = vector.broadcast %broadcast_in_dim3A_2656 : vector<512x1xf32> to vector<512x128xf32>
    %eq3A_2684 = arith.cmpf oeq, %add3A_2682, %eq3A_2683 : vector<512x128xf32>
    %jit3A_2685 = arith.constant 0x7F800000 : f32
    %broadcast_in_dim3A_2686 = vector.broadcast %jit3A_2685 : f32 to vector<512x128xf32>
    %select_n3A_2687 = arith.select %eq3A_2684, %broadcast_in_dim3A_2686, %select_n3A_2564 : vector<512x128xi1>, vector<512x128xf32>
    %add3A_2688 = arith.constant 3.840000e+02 : f32
    %add3A_2689 = vector.broadcast %add3A_2688 : f32 to vector<512x128xf32>
    %add3A_2690 = arith.addf %add3A_2689, %convert_element_type3A : vector<512x128xf32>
    %eq3A_2691 = vector.broadcast %broadcast_in_dim3A_2656 : vector<512x1xf32> to vector<512x128xf32>
    %eq3A_2692 = arith.cmpf oeq, %add3A_2690, %eq3A_2691 : vector<512x128xf32>
    %jit3A_2693 = arith.constant 0x7F800000 : f32
    %broadcast_in_dim3A_2694 = vector.broadcast %jit3A_2693 : f32 to vector<512x128xf32>
    %select_n3A_2695 = arith.select %eq3A_2692, %broadcast_in_dim3A_2694, %select_n3A_2572 : vector<512x128xi1>, vector<512x128xf32>
    %add3A_2696 = arith.constant 5.120000e+02 : f32
    %add3A_2697 = vector.broadcast %add3A_2696 : f32 to vector<512x128xf32>
    %add3A_2698 = arith.addf %add3A_2697, %convert_element_type3A : vector<512x128xf32>
    %eq3A_2699 = vector.broadcast %broadcast_in_dim3A_2656 : vector<512x1xf32> to vector<512x128xf32>
    %eq3A_2700 = arith.cmpf oeq, %add3A_2698, %eq3A_2699 : vector<512x128xf32>
    %jit3A_2701 = arith.constant 0x7F800000 : f32
    %broadcast_in_dim3A_2702 = vector.broadcast %jit3A_2701 : f32 to vector<512x128xf32>
    %select_n3A_2703 = arith.select %eq3A_2700, %broadcast_in_dim3A_2702, %select_n3A_2580 : vector<512x128xi1>, vector<512x128xf32>
    %add3A_2704 = arith.constant 6.400000e+02 : f32
    %add3A_2705 = vector.broadcast %add3A_2704 : f32 to vector<512x128xf32>
    %add3A_2706 = arith.addf %add3A_2705, %convert_element_type3A : vector<512x128xf32>
    %eq3A_2707 = vector.broadcast %broadcast_in_dim3A_2656 : vector<512x1xf32> to vector<512x128xf32>
    %eq3A_2708 = arith.cmpf oeq, %add3A_2706, %eq3A_2707 : vector<512x128xf32>
    %jit3A_2709 = arith.constant 0x7F800000 : f32
    %broadcast_in_dim3A_2710 = vector.broadcast %jit3A_2709 : f32 to vector<512x128xf32>
    %select_n3A_2711 = arith.select %eq3A_2708, %broadcast_in_dim3A_2710, %select_n3A_2588 : vector<512x128xi1>, vector<512x128xf32>
    %add3A_2712 = arith.constant 7.680000e+02 : f32
    %add3A_2713 = vector.broadcast %add3A_2712 : f32 to vector<512x128xf32>
    %add3A_2714 = arith.addf %add3A_2713, %convert_element_type3A : vector<512x128xf32>
    %eq3A_2715 = vector.broadcast %broadcast_in_dim3A_2656 : vector<512x1xf32> to vector<512x128xf32>
    %eq3A_2716 = arith.cmpf oeq, %add3A_2714, %eq3A_2715 : vector<512x128xf32>
    %jit3A_2717 = arith.constant 0x7F800000 : f32
    %broadcast_in_dim3A_2718 = vector.broadcast %jit3A_2717 : f32 to vector<512x128xf32>
    %select_n3A_2719 = arith.select %eq3A_2716, %broadcast_in_dim3A_2718, %select_n3A_2596 : vector<512x128xi1>, vector<512x128xf32>
    %add3A_2720 = arith.constant 8.960000e+02 : f32
    %add3A_2721 = vector.broadcast %add3A_2720 : f32 to vector<512x128xf32>
    %add3A_2722 = arith.addf %add3A_2721, %convert_element_type3A : vector<512x128xf32>
    %eq3A_2723 = vector.broadcast %broadcast_in_dim3A_2656 : vector<512x1xf32> to vector<512x128xf32>
    %eq3A_2724 = arith.cmpf oeq, %add3A_2722, %eq3A_2723 : vector<512x128xf32>
    %jit3A_2725 = arith.constant 0x7F800000 : f32
    %broadcast_in_dim3A_2726 = vector.broadcast %jit3A_2725 : f32 to vector<512x128xf32>
    %select_n3A_2727 = arith.select %eq3A_2724, %broadcast_in_dim3A_2726, %select_n3A_2604 : vector<512x128xi1>, vector<512x128xf32>
    %lt3A_2728 = arith.cmpf olt, %select_n3A_2679, %select_n3A_2671 : vector<512x128xf32>
    %min3A_2729 = arith.minimumf %select_n3A_2671, %select_n3A_2679 : vector<512x128xf32>
    %jit3A_2730 = arith.constant 1.000000e+00 : f32
    %jit3A_2731 = arith.constant 0.000000e+00 : f32
    %broadcast_in_dim3A_2732 = vector.broadcast %jit3A_2730 : f32 to vector<512x128xf32>
    %broadcast_in_dim3A_2733 = vector.broadcast %jit3A_2731 : f32 to vector<512x128xf32>
    %select_n3A_2734 = arith.select %lt3A_2728, %broadcast_in_dim3A_2732, %broadcast_in_dim3A_2733 : vector<512x128xi1>, vector<512x128xf32>
    %lt3A_2735 = arith.cmpf olt, %select_n3A_2695, %select_n3A_2687 : vector<512x128xf32>
    %min3A_2736 = arith.minimumf %select_n3A_2687, %select_n3A_2695 : vector<512x128xf32>
    %jit3A_2737 = arith.constant 3.000000e+00 : f32
    %jit3A_2738 = arith.constant 2.000000e+00 : f32
    %broadcast_in_dim3A_2739 = vector.broadcast %jit3A_2737 : f32 to vector<512x128xf32>
    %broadcast_in_dim3A_2740 = vector.broadcast %jit3A_2738 : f32 to vector<512x128xf32>
    %select_n3A_2741 = arith.select %lt3A_2735, %broadcast_in_dim3A_2739, %broadcast_in_dim3A_2740 : vector<512x128xi1>, vector<512x128xf32>
    %lt3A_2742 = arith.cmpf olt, %select_n3A_2711, %select_n3A_2703 : vector<512x128xf32>
    %min3A_2743 = arith.minimumf %select_n3A_2703, %select_n3A_2711 : vector<512x128xf32>
    %jit3A_2744 = arith.constant 5.000000e+00 : f32
    %jit3A_2745 = arith.constant 4.000000e+00 : f32
    %broadcast_in_dim3A_2746 = vector.broadcast %jit3A_2744 : f32 to vector<512x128xf32>
    %broadcast_in_dim3A_2747 = vector.broadcast %jit3A_2745 : f32 to vector<512x128xf32>
    %select_n3A_2748 = arith.select %lt3A_2742, %broadcast_in_dim3A_2746, %broadcast_in_dim3A_2747 : vector<512x128xi1>, vector<512x128xf32>
    %lt3A_2749 = arith.cmpf olt, %select_n3A_2727, %select_n3A_2719 : vector<512x128xf32>
    %min3A_2750 = arith.minimumf %select_n3A_2719, %select_n3A_2727 : vector<512x128xf32>
    %jit3A_2751 = arith.constant 7.000000e+00 : f32
    %jit3A_2752 = arith.constant 6.000000e+00 : f32
    %broadcast_in_dim3A_2753 = vector.broadcast %jit3A_2751 : f32 to vector<512x128xf32>
    %broadcast_in_dim3A_2754 = vector.broadcast %jit3A_2752 : f32 to vector<512x128xf32>
    %select_n3A_2755 = arith.select %lt3A_2749, %broadcast_in_dim3A_2753, %broadcast_in_dim3A_2754 : vector<512x128xi1>, vector<512x128xf32>
    %lt3A_2756 = arith.cmpf olt, %min3A_2736, %min3A_2729 : vector<512x128xf32>
    %min3A_2757 = arith.minimumf %min3A_2729, %min3A_2736 : vector<512x128xf32>
    %select_n3A_2758 = arith.select %lt3A_2756, %select_n3A_2741, %select_n3A_2734 : vector<512x128xi1>, vector<512x128xf32>
    %lt3A_2759 = arith.cmpf olt, %min3A_2750, %min3A_2743 : vector<512x128xf32>
    %min3A_2760 = arith.minimumf %min3A_2743, %min3A_2750 : vector<512x128xf32>
    %select_n3A_2761 = arith.select %lt3A_2759, %select_n3A_2755, %select_n3A_2748 : vector<512x128xi1>, vector<512x128xf32>
    %lt3A_2762 = arith.cmpf olt, %min3A_2760, %min3A_2757 : vector<512x128xf32>
    %min3A_2763 = arith.minimumf %min3A_2757, %min3A_2760 : vector<512x128xf32>
    %select_n3A_2764 = arith.select %lt3A_2762, %select_n3A_2761, %select_n3A_2758 : vector<512x128xi1>, vector<512x128xf32>
    %reduce_min3A_2765 = arith.constant dense<0x7F800000> : vector<512xf32>
    %reduce_min3A_2766 = vector.multi_reduction <minimumf>, %min3A_2763, %reduce_min3A_2765 [1] : vector<512x128xf32> to vector<512xf32>
    %broadcast_in_dim3A_2767 = vector.shape_cast %reduce_min3A_2766 : vector<512xf32> to vector<512x1xf32>
    %eq3A_2768 = vector.broadcast %broadcast_in_dim3A_2767 : vector<512x1xf32> to vector<512x128xf32>
    %eq3A_2769 = arith.cmpf oeq, %min3A_2763, %eq3A_2768 : vector<512x128xf32>
    %mul3A_2770 = arith.constant 1.280000e+02 : f32
    %mul3A_2771 = vector.broadcast %mul3A_2770 : f32 to vector<512x128xf32>
    %mul3A_2772 = arith.mulf %select_n3A_2764, %mul3A_2771 : vector<512x128xf32>
    %add3A_2773 = arith.addf %mul3A_2772, %convert_element_type3A : vector<512x128xf32>
    %jit3A_2774 = arith.constant 1.024000e+03 : f32
    %broadcast_in_dim3A_2775 = vector.broadcast %jit3A_2774 : f32 to vector<512x128xf32>
    %select_n3A_2776 = arith.select %eq3A_2769, %add3A_2773, %broadcast_in_dim3A_2775 : vector<512x128xi1>, vector<512x128xf32>
    %reduce_min3A_2777 = arith.constant dense<0x7F800000> : vector<512xf32>
    %reduce_min3A_2778 = vector.multi_reduction <minimumf>, %select_n3A_2776, %reduce_min3A_2777 [1] : vector<512x128xf32> to vector<512xf32>
    %broadcast_in_dim3A_2779 = vector.shape_cast %reduce_min3A_2778 : vector<512xf32> to vector<512x1xf32>
    %jit3A_2780 = arith.constant 3.40282347E+38 : f32
    %broadcast_in_dim3A_2781 = vector.broadcast %jit3A_2780 : f32 to vector<512x1xf32>
    %select_n3A_2782 = arith.select %ge3A_1006, %broadcast_in_dim3A_2781, %broadcast_in_dim3A_2767 : vector<512x1xi1>, vector<512x1xf32>
    %convert_element_type3A_2783 = arith.fptosi %broadcast_in_dim3A_2779 : vector<512x1xf32> to vector<512x1xi32>
    %jit3A_2784 = arith.constant 15 : i32
    %broadcast_in_dim3A_2785 = vector.broadcast %jit3A_2784 : i32 to vector<512x1xi32>
    %select_n3A_2786 = arith.select %ge3A_1006, %broadcast_in_dim3A_2785, %convert_element_type3A_2783 : vector<512x1xi1>, vector<512x1xi32>
    %reshape3A = vector.shape_cast %select_n3A_1060 : vector<512x1xf32> to vector<1x512xf32>
    %reshape3A_2787 = vector.shape_cast %select_n3A_1183 : vector<512x1xf32> to vector<1x512xf32>
    %reshape3A_2788 = vector.shape_cast %select_n3A_1306 : vector<512x1xf32> to vector<1x512xf32>
    %reshape3A_2789 = vector.shape_cast %select_n3A_1429 : vector<512x1xf32> to vector<1x512xf32>
    %reshape3A_2790 = vector.shape_cast %select_n3A_1552 : vector<512x1xf32> to vector<1x512xf32>
    %reshape3A_2791 = vector.shape_cast %select_n3A_1675 : vector<512x1xf32> to vector<1x512xf32>
    %reshape3A_2792 = vector.shape_cast %select_n3A_1798 : vector<512x1xf32> to vector<1x512xf32>
    %reshape3A_2793 = vector.shape_cast %select_n3A_1921 : vector<512x1xf32> to vector<1x512xf32>
    %reshape3A_2794 = vector.shape_cast %select_n3A_2044 : vector<512x1xf32> to vector<1x512xf32>
    %reshape3A_2795 = vector.shape_cast %select_n3A_2167 : vector<512x1xf32> to vector<1x512xf32>
    %reshape3A_2796 = vector.shape_cast %select_n3A_2290 : vector<512x1xf32> to vector<1x512xf32>
    %reshape3A_2797 = vector.shape_cast %select_n3A_2413 : vector<512x1xf32> to vector<1x512xf32>
    %reshape3A_2798 = vector.shape_cast %select_n3A_2536 : vector<512x1xf32> to vector<1x512xf32>
    %reshape3A_2799 = vector.shape_cast %select_n3A_2659 : vector<512x1xf32> to vector<1x512xf32>
    %reshape3A_2800 = vector.shape_cast %select_n3A_2782 : vector<512x1xf32> to vector<1x512xf32>
    %concatenate3A = tpu.concatenate %reshape3A, %reshape3A_2787, %reshape3A_2788, %reshape3A_2789, %reshape3A_2790, %reshape3A_2791, %reshape3A_2792, %reshape3A_2793, %reshape3A_2794, %reshape3A_2795, %reshape3A_2796, %reshape3A_2797, %reshape3A_2798, %reshape3A_2799, %reshape3A_2800 in 0 : vector<1x512xf32>, vector<1x512xf32>, vector<1x512xf32>, vector<1x512xf32>, vector<1x512xf32>, vector<1x512xf32>, vector<1x512xf32>, vector<1x512xf32>, vector<1x512xf32>, vector<1x512xf32>, vector<1x512xf32>, vector<1x512xf32>, vector<1x512xf32>, vector<1x512xf32>, vector<1x512xf32> -> vector<15x512xf32>
    %swap3A = arith.constant 0 : index
    %swap3A_2801 = arith.constant 0 : index
    %swap3A_2802 = arith.constant 0 : index
    %swap3A_2803 = vector.load %arg5[%swap3A, %swap3A_2801, %swap3A_2802] : memref<1x15x512xf32, #tpu.memory_space<vmem>>, vector<1x15x512xf32>
    %swap3A_2804 = vector.shape_cast %swap3A_2803 : vector<1x15x512xf32> to vector<15x512xf32>
    %swap3A_2805 = vector.shape_cast %concatenate3A : vector<15x512xf32> to vector<1x15x512xf32>
    tpu.vector_store %arg5[%swap3A, %swap3A_2801, %swap3A_2802], %swap3A_2805 {strides = array<i32>} : memref<1x15x512xf32, #tpu.memory_space<vmem>>, vector<1x15x512xf32>,
    %reshape3A_2806 = vector.shape_cast %select_n3A_1064 : vector<512x1xi32> to vector<1x512xi32>
    %reshape3A_2807 = vector.shape_cast %select_n3A_1187 : vector<512x1xi32> to vector<1x512xi32>
    %reshape3A_2808 = vector.shape_cast %select_n3A_1310 : vector<512x1xi32> to vector<1x512xi32>
    %reshape3A_2809 = vector.shape_cast %select_n3A_1433 : vector<512x1xi32> to vector<1x512xi32>
    %reshape3A_2810 = vector.shape_cast %select_n3A_1556 : vector<512x1xi32> to vector<1x512xi32>
    %reshape3A_2811 = vector.shape_cast %select_n3A_1679 : vector<512x1xi32> to vector<1x512xi32>
    %reshape3A_2812 = vector.shape_cast %select_n3A_1802 : vector<512x1xi32> to vector<1x512xi32>
    %reshape3A_2813 = vector.shape_cast %select_n3A_1925 : vector<512x1xi32> to vector<1x512xi32>
    %reshape3A_2814 = vector.shape_cast %select_n3A_2048 : vector<512x1xi32> to vector<1x512xi32>
    %reshape3A_2815 = vector.shape_cast %select_n3A_2171 : vector<512x1xi32> to vector<1x512xi32>
    %reshape3A_2816 = vector.shape_cast %select_n3A_2294 : vector<512x1xi32> to vector<1x512xi32>
    %reshape3A_2817 = vector.shape_cast %select_n3A_2417 : vector<512x1xi32> to vector<1x512xi32>
    %reshape3A_2818 = vector.shape_cast %select_n3A_2540 : vector<512x1xi32> to vector<1x512xi32>
    %reshape3A_2819 = vector.shape_cast %select_n3A_2663 : vector<512x1xi32> to vector<1x512xi32>
    %reshape3A_2820 = vector.shape_cast %select_n3A_2786 : vector<512x1xi32> to vector<1x512xi32>
    %concatenate3A_2821 = tpu.concatenate %reshape3A_2806, %reshape3A_2807, %reshape3A_2808, %reshape3A_2809, %reshape3A_2810, %reshape3A_2811, %reshape3A_2812, %reshape3A_2813, %reshape3A_2814, %reshape3A_2815, %reshape3A_2816, %reshape3A_2817, %reshape3A_2818, %reshape3A_2819, %reshape3A_2820 in 0 : vector<1x512xi32>, vector<1x512xi32>, vector<1x512xi32>, vector<1x512xi32>, vector<1x512xi32>, vector<1x512xi32>, vector<1x512xi32>, vector<1x512xi32>, vector<1x512xi32>, vector<1x512xi32>, vector<1x512xi32>, vector<1x512xi32>, vector<1x512xi32>, vector<1x512xi32>, vector<1x512xi32> -> vector<15x512xi32>
    %swap3A_2822 = arith.constant 0 : index
    %swap3A_2823 = arith.constant 0 : index
    %swap3A_2824 = arith.constant 0 : index
    %swap3A_2825 = vector.load %arg6[%swap3A_2822, %swap3A_2823, %swap3A_2824] : memref<1x15x512xi32, #tpu.memory_space<vmem>>, vector<1x15x512xi32>
    %swap3A_2826 = vector.shape_cast %swap3A_2825 : vector<1x15x512xi32> to vector<15x512xi32>
    %swap3A_2827 = vector.shape_cast %concatenate3A_2821 : vector<15x512xi32> to vector<1x15x512xi32>
    tpu.vector_store %arg6[%swap3A_2822, %swap3A_2823, %swap3A_2824], %swap3A_2827 {strides = array<i32>} : memref<1x15x512xi32, #tpu.memory_space<vmem>>, vector<1x15x512xi32>,
    return
  }
  func.func @transform_0(%arg0: i32, %arg1: i32) -> (i32, i32, i32) {
    %c0_i32 = arith.constant 0 : i32
    %c0_i32_0 = arith.constant 0 : i32
    %c0_i32_1 = arith.constant 0 : i32
    return %arg0, %c0_i32, %c0_i32_0 : i32, i32, i32
  }
  func.func @transform_1(%arg0: i32, %arg1: i32) -> (i32, i32, i32) {
    %c0_i32 = arith.constant 0 : i32
    %c0_i32_0 = arith.constant 0 : i32
    return %arg0, %arg1, %c0_i32 : i32, i32, i32
  }
  func.func @transform_2(%arg0: i32, %arg1: i32) -> (i32, i32, i32) {
    %c0_i32 = arith.constant 0 : i32
    %c0_i32_0 = arith.constant 0 : i32
    %c0_i32_1 = arith.constant 0 : i32
    return %arg0, %c0_i32, %c0_i32_0 : i32, i32, i32
  }
  func.func @transform_3(%arg0: i32, %arg1: i32) -> (i32, i32, i32) {
    %c0_i32 = arith.constant 0 : i32
    %c0_i32_0 = arith.constant 0 : i32
    return %arg0, %c0_i32, %arg1 : i32, i32, i32
  }
  func.func @transform_4(%arg0: i32, %arg1: i32) -> (i32, i32, i32) {
    %c0_i32 = arith.constant 0 : i32
    %c0_i32_0 = arith.constant 0 : i32
    return %arg0, %c0_i32, %arg1 : i32, i32, i32
  }
}

</mosaic_0001>

<sc_bundles>
// kernel: kernel.4.cloned.1.call-start
scs
__scs_entry_jumppad:
0x0: {  	(pc) =	sbr.rel $0x88, $3  }
0x1: {  	(tag) =	ssettag $0x0;
	lr =	simm.s32 $0x1  }
0x2: {  	[smem:$0x3F9E] =	sst lr;
	_ =	strace $0xD0000000  }
0x3: {  	_ = 	snop  }
0x4: {  	_ = 	snop  }
0x5: {  	_ = 	snop  }
0x6: {  	_ = 	snop  }
0x7: {  	_ = 	snop  }
__scs_overlays_trampoline_lowered:
0x8: {  	[smem:$0x3FAD] =	sst s0  }
0x9: {  	[smem:$0x3FAE] =	sst s1  }
0xa: {  	[smem:$0x3FAF] =	sst s2  }
0xb: {  	[smem:$0x3FB0] =	sst s3  }
0xc: {  	[smem:$0x3FB1] =	sst s4  }
0xd: {  	[smem:$0x3FB2] =	sst s5  }
0xe: {  	[smem:$0x3FB3] =	sst s6  }
0xf: {  	[smem:$0x3FB4] =	sst s7  }
0x10: {  	[smem:$0x3FB5] =	sst s8  }
0x11: {  	[smem:$0x3FB6] =	sst s9;
	s0 =	simm.s32 @!p0 $0x0  }
0x12: {  	s1 =	sld [smem:$0x3F9C];
	s0 =	simm.s32 @p0 $0x1  }
0x13: {  	[smem:$0x3FB7] =	sst s0;
	s0 =	simm.s32 @!p1 $0x0  }
0x14: {  	s2 =	sld [smem:$0x3F9B];
	s0 =	simm.s32 @p1 $0x1  }
0x15: {  	[smem:$0x3FB8] =	sst s0;
	s0 =	simm.s32 @!p2 $0x0  }
0x16: {  	s3 =	sld [smem:$0x3FDB];
	s0 =	simm.s32 @p2 $0x1  }
0x17: {  	s4 =	simm.s32 $0x1BF5;
	[smem:$0x3FBA] =	sst s0  }
0x18: {  	s0 =	sld [smem:$0x3F9D];
	_ =	swait.ge [sflag:s4], $0x0  }
0x19: {  	s7 =	sld [smem:$0x3F9E]  }
0x1a: {  	s8 =	sadd.s32 $0xFFFFE003, lr  }
0x1b: {  	s9 =	sadd.s32 $0xFFFFFEF7, lr;
	s5 =	simm.s32 $0xFFFFFFFF;
	p2 =	slt.u32 s8, $0xFFFFF086  }
0x1c: {  	p1 =	slt.u32 s9, $0xF7A;
	s5 =	simm.s32 @!p2 $0x0  }
0x1d: {  	s5 =	simm.s32 @p1 $0x1;
	p0 =	seq.s32 s7, s2  }
0x1e: {  	s7 =	smul.u32 @!p0 $0xF7A, s2;
	p2 =	seq.s32 @!p0 s5, $0x0  }
0x1f: {  	s9 =	smul.u32 $0xF7A, s1;
	s8 =	simm.s32 @!p0 $0x1BF5;
	p2 =	por !p2, p0  }
0x20: {  	[sflag:s8] =	ssyncset.s32 @!p0 $0xFFFFF086;
	s6 =	sadd.s32 @!p0 s3, s7;
	s7 =	simm.s32 @!p0 $0x108  }
0x21: {  	s3 =	sadd.s32 s3, s9;
	s6 =	sadd.s32 @!p0 $0x88, s6;
	s7 =	simm.s32 @p2 $0x1082  }
0x22: {  	[simem:s7], [sflag:s8] =	dma.local @!p0 [hbm:s6], $0xF7A  }
0x23: {  	s9 =	sor.u32 $0xD0000000, s2;
	s6 =	simm.s32 $0x108;
	_ =	swait.ge @!p0 [sflag:s8], $0x0  }
0x24: {  	s3 =	sadd.s32 $0x88, s3;
	s6 =	simm.s32 @!p1 $0x1082;
	[sflag:s4] =	ssyncset.s32 $0xFFFFF086  }
0x25: {  	[simem:s6], [sflag:s4] =	dma.local [hbm:s3], $0xF7A  }
0x26: {  	[smem:$0x3F9E] =	sst s1;
	(tag) =	ssettag s2;
	_ =	strace s9  }
0x27: {  	s1 =	sld [smem:$0x3FAE]  }
0x28: {  	s2 =	sld [smem:$0x3FAF]  }
0x29: {  	s4 =	sld [smem:$0x3FB1]  }
0x2a: {  	p0 =	seq.s32 s5, $0x0;
	s5 =	sld [smem:$0x3FB2]  }
0x2b: {  	s6 =	sld [smem:$0x3FB3]  }
0x2c: {  	s7 =	sld [smem:$0x3FB4]  }
0x2d: {  	s3 =	simm.s32 $0x108;
	s8 =	sld [smem:$0x3FB5]  }
0x2e: {  	s3 =	simm.s32 @!p0 $0x1082;
	s9 =	sld [smem:$0x3FB6]  }
0x2f: {  	lr =	sadd.s32 s0, s3;
	s0 =	sld [smem:$0x3FAD]  }
0x30: {  	s3 =	sld [smem:$0x3FB0]  }
0x31: {  	[smem:$0x3FB9] =	sst s10  }
0x32: {  	s10 =	sld [smem:$0x3FB7];
	_ =	sdelay $0x3  }
0x33: {  	p0 =	seq.s32 s10, $0x1;
	s10 =	sld [smem:$0x3FB9];
	_ =	sdelay $0x3  }
0x34: {  	[smem:$0x3FB9] =	sst s10  }
0x35: {  	s10 =	sld [smem:$0x3FB8];
	_ =	sdelay $0x3  }
0x36: {  	p1 =	seq.s32 s10, $0x1;
	s10 =	sld [smem:$0x3FB9];
	_ =	sdelay $0x3  }
0x37: {  	[smem:$0x3FB9] =	sst s10  }
0x38: {  	s10 =	sld [smem:$0x3FBA]  }
0x39: {  	_ = 	snop;
	(pc) =	sbr.ind lr, $3  }
0x3a: {  	_ = 	snop  }
0x3b: {  	_ = 	snop  }
0x3c: {  	p2 =	seq.s32 s10, $0x1;
	s10 =	sld [smem:$0x3FB9]  }
0x3d: {  	_ =	shalt  }
0x3e: {  	_ =	shalt  }
0x3f: {  	_ =	shalt  }
0x40: {  	_ =	shalt  }
0x41: {  	_ =	shalt  }
0x42: {  	_ =	shalt  }
0x43: {  	_ =	shalt  }
0x44: {  	_ =	shalt  }
0x45: {  	_ =	shalt  }
0x46: {  	_ =	shalt  }
0x47: {  	_ =	shalt  }
0x48: {  	_ =	shalt  }
0x49: {  	_ =	shalt  }
0x4a: {  	_ =	shalt  }
0x4b: {  	_ =	shalt  }
0x4c: {  	_ =	shalt  }
0x4d: {  	_ =	shalt  }
0x4e: {  	_ =	shalt  }
0x4f: {  	_ =	shalt  }
0x50: {  	_ =	shalt  }
0x51: {  	_ =	shalt  }
0x52: {  	_ =	shalt  }
0x53: {  	_ =	shalt  }
0x54: {  	_ =	shalt  }
0x55: {  	_ =	shalt  }
0x56: {  	_ =	shalt  }
0x57: {  	_ =	shalt  }
0x58: {  	_ =	shalt  }
0x59: {  	_ =	shalt  }
0x5a: {  	_ =	shalt  }
0x5b: {  	_ =	shalt  }
0x5c: {  	_ =	shalt  }
0x5d: {  	_ =	shalt  }
0x5e: {  	_ =	shalt  }
0x5f: {  	_ =	shalt  }
0x60: {  	_ =	shalt  }
0x61: {  	_ =	shalt  }
0x62: {  	_ =	shalt  }
0x63: {  	_ =	shalt  }
0x64: {  	_ =	shalt  }
0x65: {  	_ =	shalt  }
0x66: {  	_ =	shalt  }
0x67: {  	_ =	shalt  }
0x68: {  	_ =	shalt  }
0x69: {  	_ =	shalt  }
0x6a: {  	_ =	shalt  }
0x6b: {  	_ =	shalt  }
0x6c: {  	_ =	shalt  }
0x6d: {  	_ =	shalt  }
0x6e: {  	_ =	shalt  }
0x6f: {  	_ =	shalt  }
0x70: {  	_ =	shalt  }
0x71: {  	_ =	shalt  }
0x72: {  	_ =	shalt  }
0x73: {  	_ =	shalt  }
0x74: {  	_ =	shalt  }
0x75: {  	_ =	shalt  }
0x76: {  	_ =	shalt  }
0x77: {  	_ =	shalt  }
0x78: {  	_ =	shalt  }
0x79: {  	_ =	shalt  }
0x7a: {  	_ =	shalt  }
0x7b: {  	_ =	shalt  }
0x7c: {  	_ =	shalt  }
0x7d: {  	_ =	shalt  }
0x7e: {  	_ =	shalt  }
0x7f: {  	_ =	shalt  }
0x80: {  	_ =	shalt  }
0x81: {  	_ =	shalt  }
0x82: {  	_ =	shalt  }
0x83: {  	_ =	shalt  }
0x84: {  	_ =	shalt  }
0x85: {  	_ =	shalt  }
0x86: {  	_ =	shalt  }
0x87: {  	_ =	shalt  }
.Lfunc_end0:
.L_simem_size_0:
called_computation_lowered:
.L_overlay_start_0:
0x88: {  	s2 =	sld [smem:$0x3FD9]  }
0x89: {  	s3 =	sld [smem:$0x3FFE];
	_ =	sdelay $0x1  }
0x8a: {  	s1 =	srdreg.scid  }
0x8b: {  	s0 =	sand.u32 $0x1, s1  }
0x8c: {  	s14 =	sshll.u32 s0, $0xA;
	s2 =	sadd.s32 s3, s2  }
0x8d: {  	s2 =	sadd.s32 s2, s14  }
0x8e: {  	[smem:$0x3FC5] =	sst s2  }
0x8f: {  	_ = 	snop  }
0x90: {  	s2 =	sld [smem:$0x3FD0];
	_ =	sdelay $0x2  }
0x91: {  	s4 =	simm.s32 $0xA;
	s5 =	simm.s32 $0x10;
	s15 =	sld [smem:$0x3FC8]  }
0x92: {  	[smem:s5], [sflag:s4] =	dma.local [hbm:s2], $0x1  }
0x93: {  	_ =	swait.eq [sflag:s4], $0x1  }
0x94: {  	[sflag:s4] =	ssyncset.done $0x0  }
0x95: {  	[sflag:s4] =	ssyncadd.s32 $0xFFFFFFFF  }
0x96: {  	s16 =	sld [smem:$0x11];
	(tm) =	ssettm $0x1  }
0x97: {  	s17 =	sld [smem:$0x3FFB];
	_ =	sdelay $0x3  }
0x98: {  	_ =	strace s17  }
0x99: {  	s4 =	sld [smem:$0x3FFC];
	_ =	sdelay $0x3  }
0x9a: {  	_ =	strace s4  }
0x9b: {  	s4 =	sld [smem:$0x3FFD];
	_ =	sdelay $0x3  }
0x9c: {  	_ =	strace s4  }
0x9d: {  	_ =	strace $0x8FFFFFFF  }
0x9e: {  	s18 =	sld [smem:$0x3FDB];
	_ =	sdelay $0x1  }
0x9f: {  	s19 =	simm.s32 $_scs_section_size  }
0xa0: {  	s6 =	simm.s32 $_size__tile_overlayer_lowered;
	s7 =	simm.s32 $_tile_overlayer_lowered  }
0xa1: {  	s22 =	simm.s32 $0x1BFF;
	s21 =	sshll.u32 s7, $0x1;
	s4 =	sadd.s32 s19, s18  }
0xa2: {  	s8 =	simm.s32 $0x0;
	s20 =	sshll.u32 s6, $0x1;
	s6 =	sadd.s32 s21, s4  }
0xa3: {  	[timem:s8], [sflag:s22] =	dma.local [hbm:s6], s20  }
0xa4: {  	_ =	swait.ge [sflag:s22], s20  }
0xa5: {  	s5 =	ssub.s32 $0x0, s20;
	[sflag:s22] =	ssyncset.done $0x0  }
0xa6: {  	[sflag:s22] =	ssyncadd.s32 s5;
	_ =	sdelay $0x1  }
0xa7: {  	s23 =	simm.s32 $0x1B8B  }
0xa8: {  	_ =	swait.ge [sflag:s23], $0x1  }
0xa9: {  	[sflag:s23] =	ssyncset.done $0x0  }
0xaa: {  	s25 =	simm.s32 $0x1B8E;
	s24 =	sld [smem:$0x3FFE];
	[sflag:s23] =	ssyncadd.s32 $0xFFFFFFFF  }
0xab: {  	s26 =	simm.s32 $execute0_lowered;
	[smem:$0x3FD2] =	sst s25  }
0xac: {  	s6 =	sshll.u32 s26, $0x1;
	_ =	strace $0x80000046;
	[dreg:$0x1] =	wrdreg $0xFFFFFFFF  }
0xad: {  	s28 =	simm.s32 $_size_execute0_lowered;
	s4 =	sadd.s32 s4, s6;
	[dreg:$0x0] =	wrdreg $0x0  }
0xae: {  	s6 =	sshll.u32 s28, $0x1;
	[dreg:$0x2] =	wrdreg s4  }
0xaf: {  	[dreg:$0x3] =	wrdreg s6  }
0xb0: {  	[dreg:$0x4] =	wrdreg $0xC0  }
0xb1: {  	_ =	task [dreg:s8], $0x5FFFF  }
0xb2: {  	[dreg:$0x1] =	wrdreg $0xFFFFFFFF  }
0xb3: {  	[dreg:$0x0] =	wrdreg $0x60  }
0xb4: {  	[dreg:$0x2] =	wrdreg s15  }
0xb5: {  	[dreg:$0x3] =	wrdreg s24  }
0xb6: {  	[dreg:$0x4] =	wrdreg s16  }
0xb7: {  	[dreg:$0x5] =	wrdreg $0x9  }
0xb8: {  	_ =	task.clear_ibuf [dreg:s8], $0x6FFFF;
	_ =	strace $0x90000046  }
0xb9: {  	s29 =	simm.s32 $0x9;
	_ =	strace $0x80000048  }
0xba: {  	_ =	swait.ge [sflag:s29], $0x1  }
0xbb: {  	[sflag:s29] =	ssyncadd.s32 $0xFFFFFFFF  }
0xbc: {  	_ =	strace $0x90000048  }
0xbd: {  	_ =	sfence  }
0xbe: {  	s30 =	sld [smem:$0x0];
	_ =	sdelay $0x2  }
0xbf: {  	s31 =	sshll.u32 s1, $0xD;
	s1 =	sshrl.u32 s1, $0x2  }
0xc0: {  	s3 =	sand.u32 $0x4000, s31;
	s1 =	sadd.s32 s1, s30  }
0xc1: {  	s0 =	sor.u32 s3, s0;
	s1 =	sshll.u32 s1, $0x11  }
0xc2: {  	s0 =	sor.u32 s1, s0  }
0xc3: {  	s0 =	sadd.s32 $0x8F2B, s0  }
0xc4: {  	[sflag:s0] =	ssyncadd.remote.s32 $0x1  }
0xc5: {  	_ =	sfence.sel $0xFFFF  }
0xc6: {  	[dreg:$0x0] =	wrdreg $0xFFFFFFFF;
	(pc) =	sbr.abs _section_cstart, $3  }
0xc7: {  	[dreg:$0x1] =	wrdreg $0xFFFFFFFF  }
0xc8: {  	_ =	task.clear_ibuf [dreg:s8], $0x2FFFF;
	_ =	strace $0x9FFFFFFF  }
0xc9: {  	(tm) =	ssettm $0x7FFFFFFF  }
tec
execute0_lowered:
.L_overlay_start_1:
0x0: {  	(tag) =	ssettag $0x1  }
0x1: {  	s1 =	srdreg.scid;
	s0 =	stileid.u32  }
0x2: {  	s2 =	rddreg [dreg:$0x0];
	s16 =	sand.u32 $0x1, s1;
	s30 =	sshll.u32 s0, $0x1  }
0x3: {  	s4 =	rddreg [dreg:$0x1];
	s11 =	sor.u32 s16, s30  }
0x4: {  	s13 =	rddreg [dreg:$0x2];
	s5 =	smul.u32 $0xF0, s11  }
0x5: {  	s3 =	simm.s32 $0x0;
	s1 =	rddreg [dreg:$0x3]  }
0x6: {  	[smem:$0x7FF] =	sst s3;
	s4 =	sadd.s32 s5, s4  }
0x7: {  	_ =	strace $0x80000047;
	s5 =	sadd.s32 $0x800, s4;
	s4 =	simm.s32 $0x3  }
0x8: {  	[tilespmem:s3], [sflag:$0x3] =	stream.linear.gather [hbm4b:s5+s3], $0x780, $0x38;
	[tilespmem:$0x1E780] =	vst v63  }
0x9: {  	_ =	swait.ge [sflag:s4], $0x780  }
0xa: {  	[sflag:s4] =	ssyncset.done $0x0  }
0xb: {  	s6 =	simm.s32 $0x1E0;
	s7 =	simm.s32 $0x780;
	[sflag:s4] =	ssyncadd.s32 $0xFFFFF880  }
0xc: {  	[tilespmem:s7], [sflag:$0x1] =	stream.indirect.gather [hbm4b:s2+s6], $0x80, s3, s6, $0xb8;
	[tilespmem:$0x1E780] =	vst v63  }
0xd: {  	s8 =	simm.s32 $0xF780;
	s9 =	simm.s32 $0x1  }
0xe: {  	[tilespmem:s8], [sflag:$0x2] =	stream.indirect.gather [hbm4b:s2+s6], $0x80, s6, s6, $0xb8;
	[tilespmem:$0x1E780] =	vst v63  }
0xf: {  	s10 =	smul.u32 $0x7800, s11;
	_ =	swait.ge [sflag:s9], $0xF000  }
0x10: {  	[sflag:s9] =	ssyncset.done $0x0  }
0x11: {  	s10 =	sadd.s32 s13, s10;
	[sflag:s9] =	ssyncadd.s32 $0xFFFF1000  }
0x12: {  	[hbm4b:s10+s3] =	stream.linear.scatter [tilespmem:s7], [sflag:$0x3], $0xF000, $0x38;
	[tilespmem:$0x1E780] =	vst v63  }
0x13: {  	_ =	swait.ge [sflag:s4], $0xF000  }
0x14: {  	s12 =	simm.s32 $0x2;
	[sflag:s4] =	ssyncset.done $0x0  }
0x15: {  	s14 =	smul.u32 $0x3C000, s11;
	s11 =	simm.s32 $0x3C0;
	[sflag:s4] =	ssyncadd.s32 $0xFFFF1000  }
0x16: {  	[tilespmem:s7], [sflag:$0x1] =	stream.indirect.gather [hbm4b:s2+s6], $0x80, s11, s6, $0xb8;
	[tilespmem:$0x1E780] =	vst v63  }
0x17: {  	s14 =	sshrl.u32 s14, $0x3;
	_ =	swait.ge [sflag:s12], $0xF000  }
0x18: {  	s17 =	sadd.s32 s13, s14;
	[sflag:s12] =	ssyncset.done $0x0  }
0x19: {  	s13 =	sadd.s32 $0x1E00, s17;
	[sflag:s12] =	ssyncadd.s32 $0xFFFF1000  }
0x1a: {  	[hbm4b:s13+s3] =	stream.linear.scatter [tilespmem:s8], [sflag:$0x3], $0xF000, $0x38;
	[tilespmem:$0x1E780] =	vst v63  }
0x1b: {  	_ =	swait.ge [sflag:s4], $0xF000  }
0x1c: {  	[sflag:s4] =	ssyncset.done $0x0  }
0x1d: {  	s14 =	simm.s32 $0x5A0;
	[sflag:s4] =	ssyncadd.s32 $0xFFFF1000  }
0x1e: {  	[tilespmem:s8], [sflag:$0x2] =	stream.indirect.gather [hbm4b:s2+s6], $0x80, s14, s6, $0xb8;
	[tilespmem:$0x1E780] =	vst v63  }
0x1f: {  	_ =	swait.ge [sflag:s9], $0xF000  }
0x20: {  	[sflag:s9] =	ssyncset.done $0x0  }
0x21: {  	s16 =	ssub.s32 $0x2, s16;
	s15 =	sadd.s32 $0x3C00, s17;
	[sflag:s9] =	ssyncadd.s32 $0xFFFF1000  }
0x22: {  	[hbm4b:s15+s3] =	stream.linear.scatter [tilespmem:s7], [sflag:$0x3], $0xF000, $0x38;
	[tilespmem:$0x1E780] =	vst v63  }
0x23: {  	s18 =	sshrl.u32 s16, $0x1;
	_ =	swait.ge [sflag:s4], $0xF000  }
0x24: {  	s18 =	ssub.s32 s16, s18;
	[sflag:s4] =	ssyncset.done $0x0  }
0x25: {  	s31 =	smax.u32 s18, $0x1;
	[sflag:s4] =	ssyncadd.s32 $0xFFFF1000  }
0x26: {  	p0 =	sne.s32 s31, $0x1;
	_ =	swait.ge [sflag:s12], $0xF000  }
.Ltmp0:
0x27: {  	[sflag:s12] =	ssyncset.done $0x0;
	(pc) =	sbr.rel @!p0 .LBB2_2-.Ltmp0, $4  }
0x28: {  	s16 =	sadd.s32 $0x5A00, s17;
	[sflag:s12] =	ssyncadd.s32 $0xFFFF1000  }
0x29: {  	[hbm4b:s16+s3] =	stream.linear.scatter [tilespmem:s8], [sflag:$0x3], $0xF000, $0x38;
	[tilespmem:$0x1E780] =	vst v63  }
0x2a: {  	_ =	swait.ge [sflag:s4], $0xF000  }
0x2b: {  	s17 =	sadd.s32 $0xFFFFFFFF, s31;
	[sflag:s4] =	ssyncset.done $0x0  }
.LBB2_1:
0x2c: {  	p0 =	sne.s32 s17, $0x1;
	s17 =	sadd.s32 $0xFFFFFFFF, s17;
	[sflag:s4] =	ssyncadd.s32 $0xFFFF1000  }
0x2d: {  	[tilespmem:s3], [sflag:$0x3] =	stream.linear.gather [hbm4b:s5+s3], $0x780, $0x38;
	[tilespmem:$0x1E780] =	vst v63  }
0x2e: {  	_ =	swait.ge [sflag:s4], $0x780  }
0x2f: {  	[sflag:s4] =	ssyncset.done $0x0  }
0x30: {  	[sflag:s4] =	ssyncadd.s32 $0xFFFFF880  }
0x31: {  	[tilespmem:s7], [sflag:$0x1] =	stream.indirect.gather [hbm4b:s2+s6], $0x80, s3, s6, $0xb8;
	[tilespmem:$0x1E780] =	vst v63  }
0x32: {  	_ = 	snop  }
0x33: {  	[tilespmem:s8], [sflag:$0x2] =	stream.indirect.gather [hbm4b:s2+s6], $0x80, s6, s6, $0xb8;
	[tilespmem:$0x1E780] =	vst v63  }
0x34: {  	_ =	swait.ge [sflag:s9], $0xF000  }
0x35: {  	[sflag:s9] =	ssyncset.done $0x0  }
0x36: {  	[sflag:s9] =	ssyncadd.s32 $0xFFFF1000  }
0x37: {  	[hbm4b:s10+s3] =	stream.linear.scatter [tilespmem:s7], [sflag:$0x3], $0xF000, $0x38;
	[tilespmem:$0x1E780] =	vst v63  }
0x38: {  	_ =	swait.ge [sflag:s4], $0xF000  }
0x39: {  	[sflag:s4] =	ssyncset.done $0x0  }
0x3a: {  	[sflag:s4] =	ssyncadd.s32 $0xFFFF1000  }
0x3b: {  	[tilespmem:s7], [sflag:$0x1] =	stream.indirect.gather [hbm4b:s2+s6], $0x80, s11, s6, $0xb8;
	[tilespmem:$0x1E780] =	vst v63  }
0x3c: {  	_ =	swait.ge [sflag:s12], $0xF000  }
0x3d: {  	[sflag:s12] =	ssyncset.done $0x0  }
0x3e: {  	[sflag:s12] =	ssyncadd.s32 $0xFFFF1000  }
0x3f: {  	[hbm4b:s13+s3] =	stream.linear.scatter [tilespmem:s8], [sflag:$0x3], $0xF000, $0x38;
	[tilespmem:$0x1E780] =	vst v63  }
0x40: {  	_ =	swait.ge [sflag:s4], $0xF000  }
0x41: {  	[sflag:s4] =	ssyncset.done $0x0  }
0x42: {  	[sflag:s4] =	ssyncadd.s32 $0xFFFF1000  }
0x43: {  	[tilespmem:s8], [sflag:$0x2] =	stream.indirect.gather [hbm4b:s2+s6], $0x80, s14, s6, $0xb8;
	[tilespmem:$0x1E780] =	vst v63  }
0x44: {  	_ =	swait.ge [sflag:s9], $0xF000  }
0x45: {  	[sflag:s9] =	ssyncset.done $0x0  }
0x46: {  	[sflag:s9] =	ssyncadd.s32 $0xFFFF1000  }
0x47: {  	[hbm4b:s15+s3] =	stream.linear.scatter [tilespmem:s7], [sflag:$0x3], $0xF000, $0x38;
	[tilespmem:$0x1E780] =	vst v63  }
0x48: {  	_ =	swait.ge [sflag:s4], $0xF000  }
0x49: {  	[sflag:s4] =	ssyncset.done $0x0  }
0x4a: {  	[sflag:s4] =	ssyncadd.s32 $0xFFFF1000  }
0x4b: {  	_ =	swait.ge [sflag:s12], $0xF000  }
.Ltmp1:
0x4c: {  	[sflag:s12] =	ssyncset.done $0x0;
	(pc) =	sbr.rel @p0 .LBB2_1-.Ltmp1, $4  }
0x4d: {  	[sflag:s12] =	ssyncadd.s32 $0xFFFF1000  }
0x4e: {  	[hbm4b:s16+s3] =	stream.linear.scatter [tilespmem:s8], [sflag:$0x3], $0xF000, $0x38;
	[tilespmem:$0x1E780] =	vst v63  }
0x4f: {  	_ =	swait.ge [sflag:s4], $0xF000  }
0x50: {  	[sflag:s4] =	ssyncset.done $0x0  }
.LBB2_2:
0x51: {  	[sflag:s4] =	ssyncadd.s32 $0xFFFF1000  }
0x52: {  	_ =	sfence.sel $0x180000  }
0x53: {  	[bflag:$0x0] =	sbarrier.arrive $0xFFFF  }
0x54: {  	p0 =	sne.s32 s0, $0x0;
	_ =	strace $0x90000047  }
0x55: {  	s0 =	sadd.s32 @!p0 $0x100000, s1;
	[bflag:$0x2] =	sbarrier.arrive $0xFFFF  }
0x56: {  	[sflag:s0] =	ssyncadd.tile.s32 @!p0 $0x1;
	_ =	shalt  }
.Lfunc_end2:
_tile_overlayer_lowered:
.L_overlay_start_2:
0x57: {  	(tag) =	ssettag $0x2  }
0x58: {  	s0 =	rddreg [dreg:$0x0];
	s2 =	stileid.u32  }
0x59: {  	s1 =	rddreg [dreg:$0x1];
	p0 =	sne.s32 s2, $0x0  }
0x5a: {  	s3 =	rddreg [dreg:$0x2];
	[bflag:$0x3] =	sbarrier.arrive $0xFFFF;
	s2 =	simm.s32 @!p0 $0x1C03  }
0x5b: {  	[timem:s3], [sflag:s2] =	dma.local @!p0 [hbm:s0], s1  }
0x5c: {  	s0 =	simm.s32 @!p0 $0x3  }
0x5d: {  	_ =	swait.ge @!p0 [sflag:s0], s1  }
0x5e: {  	s1 =	ssub.s32 @!p0 $0x0, s1;
	[sflag:s0] =	ssyncset.done @!p0 $0x0  }
0x5f: {  	[sflag:s0] =	ssyncadd.s32 @!p0 s1  }
0x60: {  	[bflag:$0x3] =	sbarrier.arrive $0xFFFF  }
0x61: {  	_ =	shalt  }

</sc_bundles>
